<compile_context>
chip_gen: v7x
topology: tpu7x:2x2x1
jax: 0.10.2.dev20260603
libtpu: 0.0.44.dev20260713+nightly
codegen_flags: <defaults>
</compile_context>

<pallas_src>
import functools

import jax
import jax.numpy as jnp
from jax.experimental import pallas as pl
from jax.experimental.pallas import tpu as pltpu

N = 2048
D = 1024
E = 8
TOPK = 2
DFF = 4096
BT = 256
FBLK = 1024
NF = DFF // FBLK
NB = (N * TOPK) // BT + E


def _gate_kernel(x_ref, gw_ref, gb_ref, scores_ref, idx_ref, wt_ref):
    x = x_ref[...]
    gw = gw_ref[...]
    logits = jax.lax.dot_general(
        x, gw, (((1,), (1,)), ((), ())),
        preferred_element_type=jnp.float32) + gb_ref[...]
    scores = jax.nn.sigmoid(logits)
    scores_ref[...] = scores
    col = jax.lax.broadcasted_iota(jnp.int32, scores.shape, 1)
    m1 = jnp.max(scores, axis=1, keepdims=True)
    a1 = jnp.min(jnp.where(scores == m1, col, E), axis=1, keepdims=True)
    masked = jnp.where(col == a1, -1.0, scores)
    m2 = jnp.max(masked, axis=1, keepdims=True)
    a2 = jnp.min(jnp.where(masked == m2, col, E), axis=1, keepdims=True)
    z = jnp.zeros((x.shape[0], E - TOPK), dtype=jnp.int32)
    idx_ref[...] = jnp.concatenate([a1, a2, z], axis=1)
    wt_ref[...] = jnp.concatenate([m1, m2, z.astype(jnp.float32)], axis=1)


def _moe_kernel(nvb_ref, tok_ref, be_ref,
                x_ref, w1_ref, b1_ref, w2_ref, b2_ref, wgt_ref,
                out_ref, xs_ref, acc_ref):
    b = pl.program_id(0)
    f = pl.program_id(1)
    nv = nvb_ref[b]

    @pl.when(jnp.logical_and(b == 0, f == 0))
    def _init():
        out_ref[...] = jnp.zeros_like(out_ref)

    @pl.when(jnp.logical_and(nv > 0, f == 0))
    def _gather():
        def body(r, _):
            t = tok_ref[b, r]
            xs_ref[pl.ds(r, 1), :] = x_ref[pl.ds(t, 1), :]
            return 0
        jax.lax.fori_loop(0, BT, body, 0, unroll=True)

    @pl.when(nv > 0)
    def _compute():
        xs = xs_ref[...]
        h = jax.lax.dot_general(
            xs, w1_ref[0], (((1,), (1,)), ((), ())),
            preferred_element_type=jnp.float32) + b1_ref[0]
        h = jax.nn.gelu(h, approximate=True)
        part = jax.lax.dot_general(
            h, w2_ref[0], (((1,), (1,)), ((), ())),
            preferred_element_type=jnp.float32)

        @pl.when(f == 0)
        def _first():
            acc_ref[...] = part + b2_ref[0]

        @pl.when(f > 0)
        def _rest():
            acc_ref[...] += part

    @pl.when(jnp.logical_and(nv > 0, f == NF - 1))
    def _scatter():
        w = wgt_ref[0]
        acc_ref[...] *= w.reshape(BT, 1)
        def body(r, _):
            t = tok_ref[b, r]
            out_ref[pl.ds(t, 1), :] += acc_ref[pl.ds(r, 1), :]
            return 0
        jax.lax.fori_loop(0, nv, body, 0)


@functools.partial(jax.jit, static_argnames=())
def kernel(x, gate_w, gate_b, w1, b1, w2, b2):
    bsz, t, d = x.shape
    x_flat = x.reshape(N, D)

    scores, idx8, wt8 = pl.pallas_call(
        _gate_kernel,
        out_shape=(
            jax.ShapeDtypeStruct((N, E), jnp.float32),
            jax.ShapeDtypeStruct((N, E), jnp.int32),
            jax.ShapeDtypeStruct((N, E), jnp.float32),
        ),
    )(x_flat, gate_w, gate_b)

    ea = idx8[:, :TOPK].reshape(-1)
    wa = wt8[:, :TOPK].reshape(-1)
    ta = (jnp.arange(N * TOPK, dtype=jnp.int32) // TOPK)
    order = jnp.argsort(ea, stable=True)
    counts = jnp.sum(ea[None, :] == jnp.arange(E, dtype=jnp.int32)[:, None],
                     axis=1).astype(jnp.int32)
    starts = jnp.cumsum(counts) - counts
    nb_e = (counts + BT - 1) // BT
    cumnb = jnp.cumsum(nb_e)
    nb_total = cumnb[-1]
    bidx = jnp.arange(NB, dtype=jnp.int32)
    be = jnp.minimum(
        jnp.searchsorted(cumnb, bidx, side="right"), E - 1).astype(jnp.int32)
    block_rank = bidx - (cumnb - nb_e)[be]
    rr = jnp.arange(BT, dtype=jnp.int32)
    gpos = starts[be][:, None] + block_rank[:, None] * BT + rr[None, :]
    nvalid = jnp.where(bidx < nb_total,
                       jnp.clip(counts[be] - block_rank * BT, 0, BT),
                       0).astype(jnp.int32)
    valid = rr[None, :] < nvalid[:, None]
    aidx = order[jnp.clip(gpos, 0, N * TOPK - 1)]
    tok = jnp.where(valid, ta[aidx], 0).astype(jnp.int32)
    wgt = jnp.where(valid, wa[aidx], 0.0).reshape(NB, 1, BT)

    b1r = b1.reshape(E, 1, DFF)
    b2r = b2.reshape(E, 1, D)

    grid_spec = pltpu.PrefetchScalarGridSpec(
        num_scalar_prefetch=3,
        grid=(NB, NF),
        in_specs=[
            pl.BlockSpec((N, D), lambda b, f, nvb, tok, be: (0, 0)),
            pl.BlockSpec((1, FBLK, D), lambda b, f, nvb, tok, be: (be[b], f, 0)),
            pl.BlockSpec((1, 1, FBLK), lambda b, f, nvb, tok, be: (be[b], 0, f)),
            pl.BlockSpec((1, D, FBLK), lambda b, f, nvb, tok, be: (be[b], 0, f)),
            pl.BlockSpec((1, 1, D), lambda b, f, nvb, tok, be: (be[b], 0, 0)),
            pl.BlockSpec((1, 1, BT), lambda b, f, nvb, tok, be: (b, 0, 0)),
        ],
        out_specs=pl.BlockSpec((N, D), lambda b, f, nvb, tok, be: (0, 0)),
        scratch_shapes=[
            pltpu.VMEM((BT, D), jnp.float32),
            pltpu.VMEM((BT, D), jnp.float32),
        ],
    )

    out = pl.pallas_call(
        _moe_kernel,
        grid_spec=grid_spec,
        out_shape=jax.ShapeDtypeStruct((N, D), jnp.float32),
        compiler_params=pltpu.CompilerParams(
            dimension_semantics=("arbitrary", "arbitrary"),
        ),
    )(nvalid, tok, be, x_flat, w1, b1r, w2, b2r, wgt)

    return (out.reshape(bsz, t, d), scores.reshape(bsz, t, E))

# --- scband reference (transcript-rebuilt; emitter-appended) ---
"""Pipeline reference for scband-mo-e-74689481277447 (READ-ONLY COPY).

The authoritative reference and input builder live on the scoring server;
editing this copy changes nothing except your own understanding.
"""

import jax, jax.numpy as jnp
import numpy as np

B, T, D, E, K = 1, 2048, 1024, 8, 2
DFF = 4 * D

def setup_inputs(seed: int = 0) -> dict:
    key = jax.random.key(seed)
    ks = jax.random.split(key, 8)
    x = jax.random.normal(ks[0], (B, T, D), dtype=jnp.float32)
    gate_w = jax.random.normal(ks[1], (E, D), dtype=jnp.float32) * (0.02 / E)
    gate_b = jnp.zeros((E,), dtype=jnp.float32)
    w1 = jax.random.normal(ks[2], (E, DFF, D), dtype=jnp.float32) * 0.02
    b1 = jnp.zeros((E, DFF), dtype=jnp.float32)
    w2 = jax.random.normal(ks[3], (E, D, DFF), dtype=jnp.float32) * 0.02
    b2 = jnp.zeros((E, D), dtype=jnp.float32)
    return {"x": x, "gate_w": gate_w, "gate_b": gate_b, "w1": w1, "b1": b1, "w2": w2, "b2": b2}

def reference(x, gate_w, gate_b, w1, b1, w2, b2):
    b, t, d = x.shape
    x_flat = x.reshape(-1, d)
    # gate: sigmoid(Linear(x))
    gate_scores = jax.nn.sigmoid(x_flat @ gate_w.T + gate_b)  # [N, E]
    # top-k expert selection (attn_mask is None branch)
    _, topk_indices = jax.lax.top_k(gate_scores, K)            # [N, K]
    topk_weights = jnp.take_along_axis(gate_scores, topk_indices, axis=-1)  # [N, K]
    # expert computation; dense form mathematically equivalent to the
    # gather/index_add version (non-selected tokens get weight 0)
    expert_outputs = jnp.zeros_like(x_flat)
    for e in range(E):
        w_e = jnp.sum(jnp.where(topk_indices == e, topk_weights, 0.0), axis=-1)  # [N]
        h = jax.nn.gelu(x_flat @ w1[e].T + b1[e], approximate=True)
        y = h @ w2[e].T + b2[e]
        expert_outputs = expert_outputs + w_e[:, None] * y
    return (expert_outputs.reshape(b, t, d), gate_scores.reshape(b, t, E))

if __name__ == "__main__":
    import jax
    _d = setup_inputs()
    print(jax.jit(kernel)(*tuple(_d.values())))

</pallas_src>

<mosaic_0001>
module attributes {stable_mosaic.version = 14 : i64} {
  func.func @_gate_kernel(%arg0: memref<2048x1024xf32, #tpu.memory_space<vmem>>, %arg1: memref<8x1024xf32, #tpu.memory_space<vmem>>, %arg2: memref<8xf32, #tpu.memory_space<vmem>>, %arg3: memref<2048x8xf32, #tpu.memory_space<vmem>>, %arg4: memref<2048x8xi32, #tpu.memory_space<vmem>>, %arg5: memref<2048x8xf32, #tpu.memory_space<vmem>>) attributes {dimension_semantics = [], scalar_prefetch = 0 : i64, scratch_operands = 0 : i64, tpu.core_type = #tpu.core_type<tc>} {
    %get3A = arith.constant 0 : index
    %get3A_0 = arith.constant 0 : index
    %get3A_1 = vector.load %arg0[%get3A, %get3A_0] : memref<2048x1024xf32, #tpu.memory_space<vmem>>, vector<2048x1024xf32>
    %get3A_2 = arith.constant 0 : index
    %get3A_3 = arith.constant 0 : index
    %get3A_4 = vector.load %arg1[%get3A_2, %get3A_3] : memref<8x1024xf32, #tpu.memory_space<vmem>>, vector<8x1024xf32>
    %dot_general3A = arith.constant dense<0.000000e+00> : vector<2048x8xf32>
    %dot_general3A_5 = tpu.matmul %get3A_1, %get3A_4, %dot_general3A {dimension_numbers = #tpu.dot_dimension_numbers<[1], [1], [0], [0], [0, 0, 1, 0], [], []>, transpose_lhs_hint = false} : vector<2048x1024xf32>, vector<8x1024xf32>, vector<2048x8xf32> -> vector<2048x8xf32>
    %get3A_6 = arith.constant 0 : index
    %get3A_7 = vector.load %arg2[%get3A_6] : memref<8xf32, #tpu.memory_space<vmem>>, vector<8xf32>
    %broadcast_in_dim3A = vector.shape_cast %get3A_7 : vector<8xf32> to vector<1x8xf32>
    %add3A = vector.broadcast %broadcast_in_dim3A : vector<1x8xf32> to vector<2048x8xf32>
    %add3A_8 = arith.addf %dot_general3A_5, %add3A : vector<2048x8xf32>
    %logistic3A = arith.negf %add3A_8 : vector<2048x8xf32>
    %logistic3A_9 = math.exp %logistic3A : vector<2048x8xf32>
    %logistic3A_10 = arith.constant 1.000000e+00 : f32
    %logistic3A_11 = vector.broadcast %logistic3A_10 : f32 to vector<2048x8xf32>
    %logistic3A_12 = arith.addf %logistic3A_11, %logistic3A_9 : vector<2048x8xf32>
    %logistic3A_13 = arith.divf %logistic3A_11, %logistic3A_12 : vector<2048x8xf32>
    %swap3A = arith.constant 0 : index
    %swap3A_14 = arith.constant 0 : index
    %swap3A_15 = vector.load %arg3[%swap3A, %swap3A_14] : memref<2048x8xf32, #tpu.memory_space<vmem>>, vector<2048x8xf32>
    tpu.vector_store %arg3[%swap3A, %swap3A_14], %logistic3A_13 {strides = array<i32>} : memref<2048x8xf32, #tpu.memory_space<vmem>>, vector<2048x8xf32>,
    %iota3A = tpu.iota {dimensions = array<i32: 1>} : vector<2048x8xi32>
    %reduce_max3A = arith.constant dense<0xFF800000> : vector<2048xf32>
    %reduce_max3A_16 = vector.multi_reduction <maximumf>, %logistic3A_13, %reduce_max3A [1] : vector<2048x8xf32> to vector<2048xf32>
    %broadcast_in_dim3A_17 = vector.shape_cast %reduce_max3A_16 : vector<2048xf32> to vector<2048x1xf32>
    %eq3A = vector.broadcast %broadcast_in_dim3A_17 : vector<2048x1xf32> to vector<2048x8xf32>
    %eq3A_18 = arith.cmpf oeq, %logistic3A_13, %eq3A : vector<2048x8xf32>
    %jit3A = arith.constant 8 : i32
    %broadcast_in_dim3A_19 = vector.broadcast %jit3A : i32 to vector<2048x8xi32>
    %select_n3A = arith.select %eq3A_18, %iota3A, %broadcast_in_dim3A_19 : vector<2048x8xi1>, vector<2048x8xi32>
    %reduce_min3A = arith.constant dense<2147483647> : vector<2048xi32>
    %reduce_min3A_20 = vector.multi_reduction <minsi>, %select_n3A, %reduce_min3A [1] : vector<2048x8xi32> to vector<2048xi32>
    %broadcast_in_dim3A_21 = vector.shape_cast %reduce_min3A_20 : vector<2048xi32> to vector<2048x1xi32>
    %eq3A_22 = vector.broadcast %broadcast_in_dim3A_21 : vector<2048x1xi32> to vector<2048x8xi32>
    %eq3A_23 = arith.cmpi eq, %iota3A, %eq3A_22 : vector<2048x8xi32>
    %jit3A_24 = arith.constant -1.000000e+00 : f32
    %broadcast_in_dim3A_25 = vector.broadcast %jit3A_24 : f32 to vector<2048x8xf32>
    %select_n3A_26 = arith.select %eq3A_23, %broadcast_in_dim3A_25, %logistic3A_13 : vector<2048x8xi1>, vector<2048x8xf32>
    %reduce_max3A_27 = arith.constant dense<0xFF800000> : vector<2048xf32>
    %reduce_max3A_28 = vector.multi_reduction <maximumf>, %select_n3A_26, %reduce_max3A_27 [1] : vector<2048x8xf32> to vector<2048xf32>
    %broadcast_in_dim3A_29 = vector.shape_cast %reduce_max3A_28 : vector<2048xf32> to vector<2048x1xf32>
    %eq3A_30 = vector.broadcast %broadcast_in_dim3A_29 : vector<2048x1xf32> to vector<2048x8xf32>
    %eq3A_31 = arith.cmpf oeq, %select_n3A_26, %eq3A_30 : vector<2048x8xf32>
    %jit3A_32 = arith.constant 8 : i32
    %broadcast_in_dim3A_33 = vector.broadcast %jit3A_32 : i32 to vector<2048x8xi32>
    %select_n3A_34 = arith.select %eq3A_31, %iota3A, %broadcast_in_dim3A_33 : vector<2048x8xi1>, vector<2048x8xi32>
    %reduce_min3A_35 = arith.constant dense<2147483647> : vector<2048xi32>
    %reduce_min3A_36 = vector.multi_reduction <minsi>, %select_n3A_34, %reduce_min3A_35 [1] : vector<2048x8xi32> to vector<2048xi32>
    %broadcast_in_dim3A_37 = vector.shape_cast %reduce_min3A_36 : vector<2048xi32> to vector<2048x1xi32>
    %broadcast_in_dim3A_38 = arith.constant 0 : i32
    %broadcast_in_dim3A_39 = vector.broadcast %broadcast_in_dim3A_38 : i32 to vector<2048x6xi32>
    %concatenate3A = tpu.concatenate %broadcast_in_dim3A_21, %broadcast_in_dim3A_37, %broadcast_in_dim3A_39 in 1 : vector<2048x1xi32>, vector<2048x1xi32>, vector<2048x6xi32> -> vector<2048x8xi32>
    %swap3A_40 = arith.constant 0 : index
    %swap3A_41 = arith.constant 0 : index
    %swap3A_42 = vector.load %arg4[%swap3A_40, %swap3A_41] : memref<2048x8xi32, #tpu.memory_space<vmem>>, vector<2048x8xi32>
    tpu.vector_store %arg4[%swap3A_40, %swap3A_41], %concatenate3A {strides = array<i32>} : memref<2048x8xi32, #tpu.memory_space<vmem>>, vector<2048x8xi32>,
    %convert_element_type3A = arith.sitofp %broadcast_in_dim3A_39 : vector<2048x6xi32> to vector<2048x6xf32>
    %concatenate3A_43 = tpu.concatenate %broadcast_in_dim3A_17, %broadcast_in_dim3A_29, %convert_element_type3A in 1 : vector<2048x1xf32>, vector<2048x1xf32>, vector<2048x6xf32> -> vector<2048x8xf32>
    %swap3A_44 = arith.constant 0 : index
    %swap3A_45 = arith.constant 0 : index
    %swap3A_46 = vector.load %arg5[%swap3A_44, %swap3A_45] : memref<2048x8xf32, #tpu.memory_space<vmem>>, vector<2048x8xf32>
    tpu.vector_store %arg5[%swap3A_44, %swap3A_45], %concatenate3A_43 {strides = array<i32>} : memref<2048x8xf32, #tpu.memory_space<vmem>>, vector<2048x8xf32>,
    return
  }
}

module attributes {stable_mosaic.version = 14 : i64} {
  func.func @_moe_kernel(%arg0: i32, %arg1: i32, %arg2: memref<24xi32, #tpu.memory_space<smem>>, %arg3: memref<24x256xi32, #tpu.memory_space<smem>>, %arg4: memref<24xi32, #tpu.memory_space<smem>>, %arg5: memref<2048x1024xf32, #tpu.memory_space<vmem>>, %arg6: memref<1x1024x1024xf32, #tpu.memory_space<vmem>>, %arg7: memref<1x1x1024xf32, #tpu.memory_space<vmem>>, %arg8: memref<1x1024x1024xf32, #tpu.memory_space<vmem>>, %arg9: memref<1x1x1024xf32, #tpu.memory_space<vmem>>, %arg10: memref<1x1x256xf32, #tpu.memory_space<vmem>>, %arg11: memref<2048x1024xf32, #tpu.memory_space<vmem>>, %arg12: memref<256x1024xf32, #tpu.memory_space<vmem>>, %arg13: memref<256x1024xf32, #tpu.memory_space<vmem>>) attributes {dimension_semantics = [#tpu.dimension_semantics<arbitrary>, #tpu.dimension_semantics<arbitrary>], iteration_bounds = array<i64: 24, 4>, scalar_prefetch = 3 : i64, scratch_operands = 2 : i64, tpu.core_type = #tpu.core_type<tc>, window_params = [{pipeline_mode = #tpu.pipeline_mode<synchronous>, transform_indices = @transform_0, window_bounds = array<i64: 2048, 1024>}, {transform_indices = @transform_1, window_bounds = array<i64: 1, 1024, 1024>}, {transform_indices = @transform_2, window_bounds = array<i64: 1, 1, 1024>}, {transform_indices = @transform_3, window_bounds = array<i64: 1, 1024, 1024>}, {transform_indices = @transform_4, window_bounds = array<i64: 1, 1, 1024>}, {transform_indices = @transform_5, window_bounds = array<i64: 1, 1, 256>}, {pipeline_mode = #tpu.pipeline_mode<synchronous>, transform_indices = @transform_6, window_bounds = array<i64: 2048, 1024>}]} {
    %get3A = arith.index_cast %arg0 : i32 to index
    %get3A_0 = memref.load %arg2[%get3A] : memref<24xi32, #tpu.memory_space<smem>>
    %eq3A = arith.constant 0 : i32
    %eq3A_1 = arith.cmpi eq, %arg0, %eq3A : i32
    %eq3A_2 = arith.constant 0 : i32
    %eq3A_3 = arith.cmpi eq, %arg1, %eq3A_2 : i32
    %and3A = arith.andi %eq3A_1, %eq3A_3 : i1
    %convert_element_type3A = arith.extui %and3A : i1 to i32
    %cond3A = arith.constant 0 : i32
    %cond3A_4 = arith.cmpi ne, %convert_element_type3A, %cond3A : i32
    scf.if %cond3A_4 {
      %broadcast_in_dim3A = arith.constant 0.000000e+00 : f32
      %broadcast_in_dim3A_25 = vector.broadcast %broadcast_in_dim3A : f32 to vector<2048x1024xf32>
      %swap3A = arith.constant 0 : index
      %swap3A_26 = arith.constant 0 : index
      %swap3A_27 = vector.load %arg11[%swap3A, %swap3A_26] : memref<2048x1024xf32, #tpu.memory_space<vmem>>, vector<2048x1024xf32>
      tpu.vector_store %arg11[%swap3A, %swap3A_26], %broadcast_in_dim3A_25 {strides = array<i32>} : memref<2048x1024xf32, #tpu.memory_space<vmem>>, vector<2048x1024xf32>,
    } else {
    }
    %gt3A = arith.constant 0 : i32
    %gt3A_5 = arith.cmpi sgt, %get3A_0, %gt3A : i32
    %eq3A_6 = arith.constant 0 : i32
    %eq3A_7 = arith.cmpi eq, %arg1, %eq3A_6 : i32
    %and3A_8 = arith.andi %gt3A_5, %eq3A_7 : i1
    %convert_element_type3A_9 = arith.extui %and3A_8 : i1 to i32
    %cond3A_10 = arith.constant 0 : i32
    %cond3A_11 = arith.cmpi ne, %convert_element_type3A_9, %cond3A_10 : i32
    scf.if %cond3A_11 {
      %scan3A = arith.constant 0 : i32
      %get3A_25 = arith.index_cast %arg0 : i32 to index
      %get3A_26 = arith.index_cast %scan3A : i32 to index
      %get3A_27 = memref.load %arg3[%get3A_25, %get3A_26] : memref<24x256xi32, #tpu.memory_space<smem>>
      %get3A_28 = arith.index_cast %get3A_27 : i32 to index
      %get3A_29 = arith.constant 0 : index
      %get3A_30 = vector.load %arg5[%get3A_28, %get3A_29] : memref<2048x1024xf32, #tpu.memory_space<vmem>>, vector<1x1024xf32>
      %swap3A = arith.index_cast %scan3A : i32 to index
      %swap3A_31 = arith.constant 0 : index
      %swap3A_32 = vector.load %arg12[%swap3A, %swap3A_31] : memref<256x1024xf32, #tpu.memory_space<vmem>>, vector<1x1024xf32>
      tpu.vector_store %arg12[%swap3A, %swap3A_31], %get3A_30 {strides = array<i32>} : memref<256x1024xf32, #tpu.memory_space<vmem>>, vector<1x1024xf32>,
      %scan3A_33 = arith.constant 1 : i32
      %get3A_34 = arith.index_cast %arg0 : i32 to index
      %get3A_35 = arith.index_cast %scan3A_33 : i32 to index
      %get3A_36 = memref.load %arg3[%get3A_34, %get3A_35] : memref<24x256xi32, #tpu.memory_space<smem>>
      %get3A_37 = arith.index_cast %get3A_36 : i32 to index
      %get3A_38 = arith.constant 0 : index
      %get3A_39 = vector.load %arg5[%get3A_37, %get3A_38] : memref<2048x1024xf32, #tpu.memory_space<vmem>>, vector<1x1024xf32>
      %swap3A_40 = arith.index_cast %scan3A_33 : i32 to index
      %swap3A_41 = arith.constant 0 : index
      %swap3A_42 = vector.load %arg12[%swap3A_40, %swap3A_41] : memref<256x1024xf32, #tpu.memory_space<vmem>>, vector<1x1024xf32>
      tpu.vector_store %arg12[%swap3A_40, %swap3A_41], %get3A_39 {strides = array<i32>} : memref<256x1024xf32, #tpu.memory_space<vmem>>, vector<1x1024xf32>,
      %scan3A_43 = arith.constant 2 : i32
      %get3A_44 = arith.index_cast %arg0 : i32 to index
      %get3A_45 = arith.index_cast %scan3A_43 : i32 to index
      %get3A_46 = memref.load %arg3[%get3A_44, %get3A_45] : memref<24x256xi32, #tpu.memory_space<smem>>
      %get3A_47 = arith.index_cast %get3A_46 : i32 to index
      %get3A_48 = arith.constant 0 : index
      %get3A_49 = vector.load %arg5[%get3A_47, %get3A_48] : memref<2048x1024xf32, #tpu.memory_space<vmem>>, vector<1x1024xf32>
      %swap3A_50 = arith.index_cast %scan3A_43 : i32 to index
      %swap3A_51 = arith.constant 0 : index
      %swap3A_52 = vector.load %arg12[%swap3A_50, %swap3A_51] : memref<256x1024xf32, #tpu.memory_space<vmem>>, vector<1x1024xf32>
      tpu.vector_store %arg12[%swap3A_50, %swap3A_51], %get3A_49 {strides = array<i32>} : memref<256x1024xf32, #tpu.memory_space<vmem>>, vector<1x1024xf32>,
      %scan3A_53 = arith.constant 3 : i32
      %get3A_54 = arith.index_cast %arg0 : i32 to index
      %get3A_55 = arith.index_cast %scan3A_53 : i32 to index
      %get3A_56 = memref.load %arg3[%get3A_54, %get3A_55] : memref<24x256xi32, #tpu.memory_space<smem>>
      %get3A_57 = arith.index_cast %get3A_56 : i32 to index
      %get3A_58 = arith.constant 0 : index
      %get3A_59 = vector.load %arg5[%get3A_57, %get3A_58] : memref<2048x1024xf32, #tpu.memory_space<vmem>>, vector<1x1024xf32>
      %swap3A_60 = arith.index_cast %scan3A_53 : i32 to index
      %swap3A_61 = arith.constant 0 : index
      %swap3A_62 = vector.load %arg12[%swap3A_60, %swap3A_61] : memref<256x1024xf32, #tpu.memory_space<vmem>>, vector<1x1024xf32>
      tpu.vector_store %arg12[%swap3A_60, %swap3A_61], %get3A_59 {strides = array<i32>} : memref<256x1024xf32, #tpu.memory_space<vmem>>, vector<1x1024xf32>,
      %scan3A_63 = arith.constant 4 : i32
      %get3A_64 = arith.index_cast %arg0 : i32 to index
      %get3A_65 = arith.index_cast %scan3A_63 : i32 to index
      %get3A_66 = memref.load %arg3[%get3A_64, %get3A_65] : memref<24x256xi32, #tpu.memory_space<smem>>
      %get3A_67 = arith.index_cast %get3A_66 : i32 to index
      %get3A_68 = arith.constant 0 : index
      %get3A_69 = vector.load %arg5[%get3A_67, %get3A_68] : memref<2048x1024xf32, #tpu.memory_space<vmem>>, vector<1x1024xf32>
      %swap3A_70 = arith.index_cast %scan3A_63 : i32 to index
      %swap3A_71 = arith.constant 0 : index
      %swap3A_72 = vector.load %arg12[%swap3A_70, %swap3A_71] : memref<256x1024xf32, #tpu.memory_space<vmem>>, vector<1x1024xf32>
      tpu.vector_store %arg12[%swap3A_70, %swap3A_71], %get3A_69 {strides = array<i32>} : memref<256x1024xf32, #tpu.memory_space<vmem>>, vector<1x1024xf32>,
      %scan3A_73 = arith.constant 5 : i32
      %get3A_74 = arith.index_cast %arg0 : i32 to index
      %get3A_75 = arith.index_cast %scan3A_73 : i32 to index
      %get3A_76 = memref.load %arg3[%get3A_74, %get3A_75] : memref<24x256xi32, #tpu.memory_space<smem>>
      %get3A_77 = arith.index_cast %get3A_76 : i32 to index
      %get3A_78 = arith.constant 0 : index
      %get3A_79 = vector.load %arg5[%get3A_77, %get3A_78] : memref<2048x1024xf32, #tpu.memory_space<vmem>>, vector<1x1024xf32>
      %swap3A_80 = arith.index_cast %scan3A_73 : i32 to index
      %swap3A_81 = arith.constant 0 : index
      %swap3A_82 = vector.load %arg12[%swap3A_80, %swap3A_81] : memref<256x1024xf32, #tpu.memory_space<vmem>>, vector<1x1024xf32>
      tpu.vector_store %arg12[%swap3A_80, %swap3A_81], %get3A_79 {strides = array<i32>} : memref<256x1024xf32, #tpu.memory_space<vmem>>, vector<1x1024xf32>,
      %scan3A_83 = arith.constant 6 : i32
      %get3A_84 = arith.index_cast %arg0 : i32 to index
      %get3A_85 = arith.index_cast %scan3A_83 : i32 to index
      %get3A_86 = memref.load %arg3[%get3A_84, %get3A_85] : memref<24x256xi32, #tpu.memory_space<smem>>
      %get3A_87 = arith.index_cast %get3A_86 : i32 to index
      %get3A_88 = arith.constant 0 : index
      %get3A_89 = vector.load %arg5[%get3A_87, %get3A_88] : memref<2048x1024xf32, #tpu.memory_space<vmem>>, vector<1x1024xf32>
      %swap3A_90 = arith.index_cast %scan3A_83 : i32 to index
      %swap3A_91 = arith.constant 0 : index
      %swap3A_92 = vector.load %arg12[%swap3A_90, %swap3A_91] : memref<256x1024xf32, #tpu.memory_space<vmem>>, vector<1x1024xf32>
      tpu.vector_store %arg12[%swap3A_90, %swap3A_91], %get3A_89 {strides = array<i32>} : memref<256x1024xf32, #tpu.memory_space<vmem>>, vector<1x1024xf32>,
      %scan3A_93 = arith.constant 7 : i32
      %get3A_94 = arith.index_cast %arg0 : i32 to index
      %get3A_95 = arith.index_cast %scan3A_93 : i32 to index
      %get3A_96 = memref.load %arg3[%get3A_94, %get3A_95] : memref<24x256xi32, #tpu.memory_space<smem>>
      %get3A_97 = arith.index_cast %get3A_96 : i32 to index
      %get3A_98 = arith.constant 0 : index
      %get3A_99 = vector.load %arg5[%get3A_97, %get3A_98] : memref<2048x1024xf32, #tpu.memory_space<vmem>>, vector<1x1024xf32>
      %swap3A_100 = arith.index_cast %scan3A_93 : i32 to index
      %swap3A_101 = arith.constant 0 : index
      %swap3A_102 = vector.load %arg12[%swap3A_100, %swap3A_101] : memref<256x1024xf32, #tpu.memory_space<vmem>>, vector<1x1024xf32>
      tpu.vector_store %arg12[%swap3A_100, %swap3A_101], %get3A_99 {strides = array<i32>} : memref<256x1024xf32, #tpu.memory_space<vmem>>, vector<1x1024xf32>,
      %scan3A_103 = arith.constant 8 : i32
      %get3A_104 = arith.index_cast %arg0 : i32 to index
      %get3A_105 = arith.index_cast %scan3A_103 : i32 to index
      %get3A_106 = memref.load %arg3[%get3A_104, %get3A_105] : memref<24x256xi32, #tpu.memory_space<smem>>
      %get3A_107 = arith.index_cast %get3A_106 : i32 to index
      %get3A_108 = arith.constant 0 : index
      %get3A_109 = vector.load %arg5[%get3A_107, %get3A_108] : memref<2048x1024xf32, #tpu.memory_space<vmem>>, vector<1x1024xf32>
      %swap3A_110 = arith.index_cast %scan3A_103 : i32 to index
      %swap3A_111 = arith.constant 0 : index
      %swap3A_112 = vector.load %arg12[%swap3A_110, %swap3A_111] : memref<256x1024xf32, #tpu.memory_space<vmem>>, vector<1x1024xf32>
      tpu.vector_store %arg12[%swap3A_110, %swap3A_111], %get3A_109 {strides = array<i32>} : memref<256x1024xf32, #tpu.memory_space<vmem>>, vector<1x1024xf32>,
      %scan3A_113 = arith.constant 9 : i32
      %get3A_114 = arith.index_cast %arg0 : i32 to index
      %get3A_115 = arith.index_cast %scan3A_113 : i32 to index
      %get3A_116 = memref.load %arg3[%get3A_114, %get3A_115] : memref<24x256xi32, #tpu.memory_space<smem>>
      %get3A_117 = arith.index_cast %get3A_116 : i32 to index
      %get3A_118 = arith.constant 0 : index
      %get3A_119 = vector.load %arg5[%get3A_117, %get3A_118] : memref<2048x1024xf32, #tpu.memory_space<vmem>>, vector<1x1024xf32>
      %swap3A_120 = arith.index_cast %scan3A_113 : i32 to index
      %swap3A_121 = arith.constant 0 : index
      %swap3A_122 = vector.load %arg12[%swap3A_120, %swap3A_121] : memref<256x1024xf32, #tpu.memory_space<vmem>>, vector<1x1024xf32>
      tpu.vector_store %arg12[%swap3A_120, %swap3A_121], %get3A_119 {strides = array<i32>} : memref<256x1024xf32, #tpu.memory_space<vmem>>, vector<1x1024xf32>,
      %scan3A_123 = arith.constant 10 : i32
      %get3A_124 = arith.index_cast %arg0 : i32 to index
      %get3A_125 = arith.index_cast %scan3A_123 : i32 to index
      %get3A_126 = memref.load %arg3[%get3A_124, %get3A_125] : memref<24x256xi32, #tpu.memory_space<smem>>
      %get3A_127 = arith.index_cast %get3A_126 : i32 to index
      %get3A_128 = arith.constant 0 : index
      %get3A_129 = vector.load %arg5[%get3A_127, %get3A_128] : memref<2048x1024xf32, #tpu.memory_space<vmem>>, vector<1x1024xf32>
      %swap3A_130 = arith.index_cast %scan3A_123 : i32 to index
      %swap3A_131 = arith.constant 0 : index
      %swap3A_132 = vector.load %arg12[%swap3A_130, %swap3A_131] : memref<256x1024xf32, #tpu.memory_space<vmem>>, vector<1x1024xf32>
      tpu.vector_store %arg12[%swap3A_130, %swap3A_131], %get3A_129 {strides = array<i32>} : memref<256x1024xf32, #tpu.memory_space<vmem>>, vector<1x1024xf32>,
      %scan3A_133 = arith.constant 11 : i32
      %get3A_134 = arith.index_cast %arg0 : i32 to index
      %get3A_135 = arith.index_cast %scan3A_133 : i32 to index
      %get3A_136 = memref.load %arg3[%get3A_134, %get3A_135] : memref<24x256xi32, #tpu.memory_space<smem>>
      %get3A_137 = arith.index_cast %get3A_136 : i32 to index
      %get3A_138 = arith.constant 0 : index
      %get3A_139 = vector.load %arg5[%get3A_137, %get3A_138] : memref<2048x1024xf32, #tpu.memory_space<vmem>>, vector<1x1024xf32>
      %swap3A_140 = arith.index_cast %scan3A_133 : i32 to index
      %swap3A_141 = arith.constant 0 : index
      %swap3A_142 = vector.load %arg12[%swap3A_140, %swap3A_141] : memref<256x1024xf32, #tpu.memory_space<vmem>>, vector<1x1024xf32>
      tpu.vector_store %arg12[%swap3A_140, %swap3A_141], %get3A_139 {strides = array<i32>} : memref<256x1024xf32, #tpu.memory_space<vmem>>, vector<1x1024xf32>,
      %scan3A_143 = arith.constant 12 : i32
      %get3A_144 = arith.index_cast %arg0 : i32 to index
      %get3A_145 = arith.index_cast %scan3A_143 : i32 to index
      %get3A_146 = memref.load %arg3[%get3A_144, %get3A_145] : memref<24x256xi32, #tpu.memory_space<smem>>
      %get3A_147 = arith.index_cast %get3A_146 : i32 to index
      %get3A_148 = arith.constant 0 : index
      %get3A_149 = vector.load %arg5[%get3A_147, %get3A_148] : memref<2048x1024xf32, #tpu.memory_space<vmem>>, vector<1x1024xf32>
      %swap3A_150 = arith.index_cast %scan3A_143 : i32 to index
      %swap3A_151 = arith.constant 0 : index
      %swap3A_152 = vector.load %arg12[%swap3A_150, %swap3A_151] : memref<256x1024xf32, #tpu.memory_space<vmem>>, vector<1x1024xf32>
      tpu.vector_store %arg12[%swap3A_150, %swap3A_151], %get3A_149 {strides = array<i32>} : memref<256x1024xf32, #tpu.memory_space<vmem>>, vector<1x1024xf32>,
      %scan3A_153 = arith.constant 13 : i32
      %get3A_154 = arith.index_cast %arg0 : i32 to index
      %get3A_155 = arith.index_cast %scan3A_153 : i32 to index
      %get3A_156 = memref.load %arg3[%get3A_154, %get3A_155] : memref<24x256xi32, #tpu.memory_space<smem>>
      %get3A_157 = arith.index_cast %get3A_156 : i32 to index
      %get3A_158 = arith.constant 0 : index
      %get3A_159 = vector.load %arg5[%get3A_157, %get3A_158] : memref<2048x1024xf32, #tpu.memory_space<vmem>>, vector<1x1024xf32>
      %swap3A_160 = arith.index_cast %scan3A_153 : i32 to index
      %swap3A_161 = arith.constant 0 : index
      %swap3A_162 = vector.load %arg12[%swap3A_160, %swap3A_161] : memref<256x1024xf32, #tpu.memory_space<vmem>>, vector<1x1024xf32>
      tpu.vector_store %arg12[%swap3A_160, %swap3A_161], %get3A_159 {strides = array<i32>} : memref<256x1024xf32, #tpu.memory_space<vmem>>, vector<1x1024xf32>,
      %scan3A_163 = arith.constant 14 : i32
      %get3A_164 = arith.index_cast %arg0 : i32 to index
      %get3A_165 = arith.index_cast %scan3A_163 : i32 to index
      %get3A_166 = memref.load %arg3[%get3A_164, %get3A_165] : memref<24x256xi32, #tpu.memory_space<smem>>
      %get3A_167 = arith.index_cast %get3A_166 : i32 to index
      %get3A_168 = arith.constant 0 : index
      %get3A_169 = vector.load %arg5[%get3A_167, %get3A_168] : memref<2048x1024xf32, #tpu.memory_space<vmem>>, vector<1x1024xf32>
      %swap3A_170 = arith.index_cast %scan3A_163 : i32 to index
      %swap3A_171 = arith.constant 0 : index
      %swap3A_172 = vector.load %arg12[%swap3A_170, %swap3A_171] : memref<256x1024xf32, #tpu.memory_space<vmem>>, vector<1x1024xf32>
      tpu.vector_store %arg12[%swap3A_170, %swap3A_171], %get3A_169 {strides = array<i32>} : memref<256x1024xf32, #tpu.memory_space<vmem>>, vector<1x1024xf32>,
      %scan3A_173 = arith.constant 15 : i32
      %get3A_174 = arith.index_cast %arg0 : i32 to index
      %get3A_175 = arith.index_cast %scan3A_173 : i32 to index
      %get3A_176 = memref.load %arg3[%get3A_174, %get3A_175] : memref<24x256xi32, #tpu.memory_space<smem>>
      %get3A_177 = arith.index_cast %get3A_176 : i32 to index
      %get3A_178 = arith.constant 0 : index
      %get3A_179 = vector.load %arg5[%get3A_177, %get3A_178] : memref<2048x1024xf32, #tpu.memory_space<vmem>>, vector<1x1024xf32>
      %swap3A_180 = arith.index_cast %scan3A_173 : i32 to index
      %swap3A_181 = arith.constant 0 : index
      %swap3A_182 = vector.load %arg12[%swap3A_180, %swap3A_181] : memref<256x1024xf32, #tpu.memory_space<vmem>>, vector<1x1024xf32>
      tpu.vector_store %arg12[%swap3A_180, %swap3A_181], %get3A_179 {strides = array<i32>} : memref<256x1024xf32, #tpu.memory_space<vmem>>, vector<1x1024xf32>,
      %scan3A_183 = arith.constant 16 : i32
      %get3A_184 = arith.index_cast %arg0 : i32 to index
      %get3A_185 = arith.index_cast %scan3A_183 : i32 to index
      %get3A_186 = memref.load %arg3[%get3A_184, %get3A_185] : memref<24x256xi32, #tpu.memory_space<smem>>
      %get3A_187 = arith.index_cast %get3A_186 : i32 to index
      %get3A_188 = arith.constant 0 : index
      %get3A_189 = vector.load %arg5[%get3A_187, %get3A_188] : memref<2048x1024xf32, #tpu.memory_space<vmem>>, vector<1x1024xf32>
      %swap3A_190 = arith.index_cast %scan3A_183 : i32 to index
      %swap3A_191 = arith.constant 0 : index
      %swap3A_192 = vector.load %arg12[%swap3A_190, %swap3A_191] : memref<256x1024xf32, #tpu.memory_space<vmem>>, vector<1x1024xf32>
      tpu.vector_store %arg12[%swap3A_190, %swap3A_191], %get3A_189 {strides = array<i32>} : memref<256x1024xf32, #tpu.memory_space<vmem>>, vector<1x1024xf32>,
      %scan3A_193 = arith.constant 17 : i32
      %get3A_194 = arith.index_cast %arg0 : i32 to index
      %get3A_195 = arith.index_cast %scan3A_193 : i32 to index
      %get3A_196 = memref.load %arg3[%get3A_194, %get3A_195] : memref<24x256xi32, #tpu.memory_space<smem>>
      %get3A_197 = arith.index_cast %get3A_196 : i32 to index
      %get3A_198 = arith.constant 0 : index
      %get3A_199 = vector.load %arg5[%get3A_197, %get3A_198] : memref<2048x1024xf32, #tpu.memory_space<vmem>>, vector<1x1024xf32>
      %swap3A_200 = arith.index_cast %scan3A_193 : i32 to index
      %swap3A_201 = arith.constant 0 : index
      %swap3A_202 = vector.load %arg12[%swap3A_200, %swap3A_201] : memref<256x1024xf32, #tpu.memory_space<vmem>>, vector<1x1024xf32>
      tpu.vector_store %arg12[%swap3A_200, %swap3A_201], %get3A_199 {strides = array<i32>} : memref<256x1024xf32, #tpu.memory_space<vmem>>, vector<1x1024xf32>,
      %scan3A_203 = arith.constant 18 : i32
      %get3A_204 = arith.index_cast %arg0 : i32 to index
      %get3A_205 = arith.index_cast %scan3A_203 : i32 to index
      %get3A_206 = memref.load %arg3[%get3A_204, %get3A_205] : memref<24x256xi32, #tpu.memory_space<smem>>
      %get3A_207 = arith.index_cast %get3A_206 : i32 to index
      %get3A_208 = arith.constant 0 : index
      %get3A_209 = vector.load %arg5[%get3A_207, %get3A_208] : memref<2048x1024xf32, #tpu.memory_space<vmem>>, vector<1x1024xf32>
      %swap3A_210 = arith.index_cast %scan3A_203 : i32 to index
      %swap3A_211 = arith.constant 0 : index
      %swap3A_212 = vector.load %arg12[%swap3A_210, %swap3A_211] : memref<256x1024xf32, #tpu.memory_space<vmem>>, vector<1x1024xf32>
      tpu.vector_store %arg12[%swap3A_210, %swap3A_211], %get3A_209 {strides = array<i32>} : memref<256x1024xf32, #tpu.memory_space<vmem>>, vector<1x1024xf32>,
      %scan3A_213 = arith.constant 19 : i32
      %get3A_214 = arith.index_cast %arg0 : i32 to index
      %get3A_215 = arith.index_cast %scan3A_213 : i32 to index
      %get3A_216 = memref.load %arg3[%get3A_214, %get3A_215] : memref<24x256xi32, #tpu.memory_space<smem>>
      %get3A_217 = arith.index_cast %get3A_216 : i32 to index
      %get3A_218 = arith.constant 0 : index
      %get3A_219 = vector.load %arg5[%get3A_217, %get3A_218] : memref<2048x1024xf32, #tpu.memory_space<vmem>>, vector<1x1024xf32>
      %swap3A_220 = arith.index_cast %scan3A_213 : i32 to index
      %swap3A_221 = arith.constant 0 : index
      %swap3A_222 = vector.load %arg12[%swap3A_220, %swap3A_221] : memref<256x1024xf32, #tpu.memory_space<vmem>>, vector<1x1024xf32>
      tpu.vector_store %arg12[%swap3A_220, %swap3A_221], %get3A_219 {strides = array<i32>} : memref<256x1024xf32, #tpu.memory_space<vmem>>, vector<1x1024xf32>,
      %scan3A_223 = arith.constant 20 : i32
      %get3A_224 = arith.index_cast %arg0 : i32 to index
      %get3A_225 = arith.index_cast %scan3A_223 : i32 to index
      %get3A_226 = memref.load %arg3[%get3A_224, %get3A_225] : memref<24x256xi32, #tpu.memory_space<smem>>
      %get3A_227 = arith.index_cast %get3A_226 : i32 to index
      %get3A_228 = arith.constant 0 : index
      %get3A_229 = vector.load %arg5[%get3A_227, %get3A_228] : memref<2048x1024xf32, #tpu.memory_space<vmem>>, vector<1x1024xf32>
      %swap3A_230 = arith.index_cast %scan3A_223 : i32 to index
      %swap3A_231 = arith.constant 0 : index
      %swap3A_232 = vector.load %arg12[%swap3A_230, %swap3A_231] : memref<256x1024xf32, #tpu.memory_space<vmem>>, vector<1x1024xf32>
      tpu.vector_store %arg12[%swap3A_230, %swap3A_231], %get3A_229 {strides = array<i32>} : memref<256x1024xf32, #tpu.memory_space<vmem>>, vector<1x1024xf32>,
      %scan3A_233 = arith.constant 21 : i32
      %get3A_234 = arith.index_cast %arg0 : i32 to index
      %get3A_235 = arith.index_cast %scan3A_233 : i32 to index
      %get3A_236 = memref.load %arg3[%get3A_234, %get3A_235] : memref<24x256xi32, #tpu.memory_space<smem>>
      %get3A_237 = arith.index_cast %get3A_236 : i32 to index
      %get3A_238 = arith.constant 0 : index
      %get3A_239 = vector.load %arg5[%get3A_237, %get3A_238] : memref<2048x1024xf32, #tpu.memory_space<vmem>>, vector<1x1024xf32>
      %swap3A_240 = arith.index_cast %scan3A_233 : i32 to index
      %swap3A_241 = arith.constant 0 : index
      %swap3A_242 = vector.load %arg12[%swap3A_240, %swap3A_241] : memref<256x1024xf32, #tpu.memory_space<vmem>>, vector<1x1024xf32>
      tpu.vector_store %arg12[%swap3A_240, %swap3A_241], %get3A_239 {strides = array<i32>} : memref<256x1024xf32, #tpu.memory_space<vmem>>, vector<1x1024xf32>,
      %scan3A_243 = arith.constant 22 : i32
      %get3A_244 = arith.index_cast %arg0 : i32 to index
      %get3A_245 = arith.index_cast %scan3A_243 : i32 to index
      %get3A_246 = memref.load %arg3[%get3A_244, %get3A_245] : memref<24x256xi32, #tpu.memory_space<smem>>
      %get3A_247 = arith.index_cast %get3A_246 : i32 to index
      %get3A_248 = arith.constant 0 : index
      %get3A_249 = vector.load %arg5[%get3A_247, %get3A_248] : memref<2048x1024xf32, #tpu.memory_space<vmem>>, vector<1x1024xf32>
      %swap3A_250 = arith.index_cast %scan3A_243 : i32 to index
      %swap3A_251 = arith.constant 0 : index
      %swap3A_252 = vector.load %arg12[%swap3A_250, %swap3A_251] : memref<256x1024xf32, #tpu.memory_space<vmem>>, vector<1x1024xf32>
      tpu.vector_store %arg12[%swap3A_250, %swap3A_251], %get3A_249 {strides = array<i32>} : memref<256x1024xf32, #tpu.memory_space<vmem>>, vector<1x1024xf32>,
      %scan3A_253 = arith.constant 23 : i32
      %get3A_254 = arith.index_cast %arg0 : i32 to index
      %get3A_255 = arith.index_cast %scan3A_253 : i32 to index
      %get3A_256 = memref.load %arg3[%get3A_254, %get3A_255] : memref<24x256xi32, #tpu.memory_space<smem>>
      %get3A_257 = arith.index_cast %get3A_256 : i32 to index
      %get3A_258 = arith.constant 0 : index
      %get3A_259 = vector.load %arg5[%get3A_257, %get3A_258] : memref<2048x1024xf32, #tpu.memory_space<vmem>>, vector<1x1024xf32>
      %swap3A_260 = arith.index_cast %scan3A_253 : i32 to index
      %swap3A_261 = arith.constant 0 : index
      %swap3A_262 = vector.load %arg12[%swap3A_260, %swap3A_261] : memref<256x1024xf32, #tpu.memory_space<vmem>>, vector<1x1024xf32>
      tpu.vector_store %arg12[%swap3A_260, %swap3A_261], %get3A_259 {strides = array<i32>} : memref<256x1024xf32, #tpu.memory_space<vmem>>, vector<1x1024xf32>,
      %scan3A_263 = arith.constant 24 : i32
      %get3A_264 = arith.index_cast %arg0 : i32 to index
      %get3A_265 = arith.index_cast %scan3A_263 : i32 to index
      %get3A_266 = memref.load %arg3[%get3A_264, %get3A_265] : memref<24x256xi32, #tpu.memory_space<smem>>
      %get3A_267 = arith.index_cast %get3A_266 : i32 to index
      %get3A_268 = arith.constant 0 : index
      %get3A_269 = vector.load %arg5[%get3A_267, %get3A_268] : memref<2048x1024xf32, #tpu.memory_space<vmem>>, vector<1x1024xf32>
      %swap3A_270 = arith.index_cast %scan3A_263 : i32 to index
      %swap3A_271 = arith.constant 0 : index
      %swap3A_272 = vector.load %arg12[%swap3A_270, %swap3A_271] : memref<256x1024xf32, #tpu.memory_space<vmem>>, vector<1x1024xf32>
      tpu.vector_store %arg12[%swap3A_270, %swap3A_271], %get3A_269 {strides = array<i32>} : memref<256x1024xf32, #tpu.memory_space<vmem>>, vector<1x1024xf32>,
      %scan3A_273 = arith.constant 25 : i32
      %get3A_274 = arith.index_cast %arg0 : i32 to index
      %get3A_275 = arith.index_cast %scan3A_273 : i32 to index
      %get3A_276 = memref.load %arg3[%get3A_274, %get3A_275] : memref<24x256xi32, #tpu.memory_space<smem>>
      %get3A_277 = arith.index_cast %get3A_276 : i32 to index
      %get3A_278 = arith.constant 0 : index
      %get3A_279 = vector.load %arg5[%get3A_277, %get3A_278] : memref<2048x1024xf32, #tpu.memory_space<vmem>>, vector<1x1024xf32>
      %swap3A_280 = arith.index_cast %scan3A_273 : i32 to index
      %swap3A_281 = arith.constant 0 : index
      %swap3A_282 = vector.load %arg12[%swap3A_280, %swap3A_281] : memref<256x1024xf32, #tpu.memory_space<vmem>>, vector<1x1024xf32>
      tpu.vector_store %arg12[%swap3A_280, %swap3A_281], %get3A_279 {strides = array<i32>} : memref<256x1024xf32, #tpu.memory_space<vmem>>, vector<1x1024xf32>,
      %scan3A_283 = arith.constant 26 : i32
      %get3A_284 = arith.index_cast %arg0 : i32 to index
      %get3A_285 = arith.index_cast %scan3A_283 : i32 to index
      %get3A_286 = memref.load %arg3[%get3A_284, %get3A_285] : memref<24x256xi32, #tpu.memory_space<smem>>
      %get3A_287 = arith.index_cast %get3A_286 : i32 to index
      %get3A_288 = arith.constant 0 : index
      %get3A_289 = vector.load %arg5[%get3A_287, %get3A_288] : memref<2048x1024xf32, #tpu.memory_space<vmem>>, vector<1x1024xf32>
      %swap3A_290 = arith.index_cast %scan3A_283 : i32 to index
      %swap3A_291 = arith.constant 0 : index
      %swap3A_292 = vector.load %arg12[%swap3A_290, %swap3A_291] : memref<256x1024xf32, #tpu.memory_space<vmem>>, vector<1x1024xf32>
      tpu.vector_store %arg12[%swap3A_290, %swap3A_291], %get3A_289 {strides = array<i32>} : memref<256x1024xf32, #tpu.memory_space<vmem>>, vector<1x1024xf32>,
      %scan3A_293 = arith.constant 27 : i32
      %get3A_294 = arith.index_cast %arg0 : i32 to index
      %get3A_295 = arith.index_cast %scan3A_293 : i32 to index
      %get3A_296 = memref.load %arg3[%get3A_294, %get3A_295] : memref<24x256xi32, #tpu.memory_space<smem>>
      %get3A_297 = arith.index_cast %get3A_296 : i32 to index
      %get3A_298 = arith.constant 0 : index
      %get3A_299 = vector.load %arg5[%get3A_297, %get3A_298] : memref<2048x1024xf32, #tpu.memory_space<vmem>>, vector<1x1024xf32>
      %swap3A_300 = arith.index_cast %scan3A_293 : i32 to index
      %swap3A_301 = arith.constant 0 : index
      %swap3A_302 = vector.load %arg12[%swap3A_300, %swap3A_301] : memref<256x1024xf32, #tpu.memory_space<vmem>>, vector<1x1024xf32>
      tpu.vector_store %arg12[%swap3A_300, %swap3A_301], %get3A_299 {strides = array<i32>} : memref<256x1024xf32, #tpu.memory_space<vmem>>, vector<1x1024xf32>,
      %scan3A_303 = arith.constant 28 : i32
      %get3A_304 = arith.index_cast %arg0 : i32 to index
      %get3A_305 = arith.index_cast %scan3A_303 : i32 to index
      %get3A_306 = memref.load %arg3[%get3A_304, %get3A_305] : memref<24x256xi32, #tpu.memory_space<smem>>
      %get3A_307 = arith.index_cast %get3A_306 : i32 to index
      %get3A_308 = arith.constant 0 : index
      %get3A_309 = vector.load %arg5[%get3A_307, %get3A_308] : memref<2048x1024xf32, #tpu.memory_space<vmem>>, vector<1x1024xf32>
      %swap3A_310 = arith.index_cast %scan3A_303 : i32 to index
      %swap3A_311 = arith.constant 0 : index
      %swap3A_312 = vector.load %arg12[%swap3A_310, %swap3A_311] : memref<256x1024xf32, #tpu.memory_space<vmem>>, vector<1x1024xf32>
      tpu.vector_store %arg12[%swap3A_310, %swap3A_311], %get3A_309 {strides = array<i32>} : memref<256x1024xf32, #tpu.memory_space<vmem>>, vector<1x1024xf32>,
      %scan3A_313 = arith.constant 29 : i32
      %get3A_314 = arith.index_cast %arg0 : i32 to index
      %get3A_315 = arith.index_cast %scan3A_313 : i32 to index
      %get3A_316 = memref.load %arg3[%get3A_314, %get3A_315] : memref<24x256xi32, #tpu.memory_space<smem>>
      %get3A_317 = arith.index_cast %get3A_316 : i32 to index
      %get3A_318 = arith.constant 0 : index
      %get3A_319 = vector.load %arg5[%get3A_317, %get3A_318] : memref<2048x1024xf32, #tpu.memory_space<vmem>>, vector<1x1024xf32>
      %swap3A_320 = arith.index_cast %scan3A_313 : i32 to index
      %swap3A_321 = arith.constant 0 : index
      %swap3A_322 = vector.load %arg12[%swap3A_320, %swap3A_321] : memref<256x1024xf32, #tpu.memory_space<vmem>>, vector<1x1024xf32>
      tpu.vector_store %arg12[%swap3A_320, %swap3A_321], %get3A_319 {strides = array<i32>} : memref<256x1024xf32, #tpu.memory_space<vmem>>, vector<1x1024xf32>,
      %scan3A_323 = arith.constant 30 : i32
      %get3A_324 = arith.index_cast %arg0 : i32 to index
      %get3A_325 = arith.index_cast %scan3A_323 : i32 to index
      %get3A_326 = memref.load %arg3[%get3A_324, %get3A_325] : memref<24x256xi32, #tpu.memory_space<smem>>
      %get3A_327 = arith.index_cast %get3A_326 : i32 to index
      %get3A_328 = arith.constant 0 : index
      %get3A_329 = vector.load %arg5[%get3A_327, %get3A_328] : memref<2048x1024xf32, #tpu.memory_space<vmem>>, vector<1x1024xf32>
      %swap3A_330 = arith.index_cast %scan3A_323 : i32 to index
      %swap3A_331 = arith.constant 0 : index
      %swap3A_332 = vector.load %arg12[%swap3A_330, %swap3A_331] : memref<256x1024xf32, #tpu.memory_space<vmem>>, vector<1x1024xf32>
      tpu.vector_store %arg12[%swap3A_330, %swap3A_331], %get3A_329 {strides = array<i32>} : memref<256x1024xf32, #tpu.memory_space<vmem>>, vector<1x1024xf32>,
      %scan3A_333 = arith.constant 31 : i32
      %get3A_334 = arith.index_cast %arg0 : i32 to index
      %get3A_335 = arith.index_cast %scan3A_333 : i32 to index
      %get3A_336 = memref.load %arg3[%get3A_334, %get3A_335] : memref<24x256xi32, #tpu.memory_space<smem>>
      %get3A_337 = arith.index_cast %get3A_336 : i32 to index
      %get3A_338 = arith.constant 0 : index
      %get3A_339 = vector.load %arg5[%get3A_337, %get3A_338] : memref<2048x1024xf32, #tpu.memory_space<vmem>>, vector<1x1024xf32>
      %swap3A_340 = arith.index_cast %scan3A_333 : i32 to index
      %swap3A_341 = arith.constant 0 : index
      %swap3A_342 = vector.load %arg12[%swap3A_340, %swap3A_341] : memref<256x1024xf32, #tpu.memory_space<vmem>>, vector<1x1024xf32>
      tpu.vector_store %arg12[%swap3A_340, %swap3A_341], %get3A_339 {strides = array<i32>} : memref<256x1024xf32, #tpu.memory_space<vmem>>, vector<1x1024xf32>,
      %scan3A_343 = arith.constant 32 : i32
      %get3A_344 = arith.index_cast %arg0 : i32 to index
      %get3A_345 = arith.index_cast %scan3A_343 : i32 to index
      %get3A_346 = memref.load %arg3[%get3A_344, %get3A_345] : memref<24x256xi32, #tpu.memory_space<smem>>
      %get3A_347 = arith.index_cast %get3A_346 : i32 to index
      %get3A_348 = arith.constant 0 : index
      %get3A_349 = vector.load %arg5[%get3A_347, %get3A_348] : memref<2048x1024xf32, #tpu.memory_space<vmem>>, vector<1x1024xf32>
      %swap3A_350 = arith.index_cast %scan3A_343 : i32 to index
      %swap3A_351 = arith.constant 0 : index
      %swap3A_352 = vector.load %arg12[%swap3A_350, %swap3A_351] : memref<256x1024xf32, #tpu.memory_space<vmem>>, vector<1x1024xf32>
      tpu.vector_store %arg12[%swap3A_350, %swap3A_351], %get3A_349 {strides = array<i32>} : memref<256x1024xf32, #tpu.memory_space<vmem>>, vector<1x1024xf32>,
      %scan3A_353 = arith.constant 33 : i32
      %get3A_354 = arith.index_cast %arg0 : i32 to index
      %get3A_355 = arith.index_cast %scan3A_353 : i32 to index
      %get3A_356 = memref.load %arg3[%get3A_354, %get3A_355] : memref<24x256xi32, #tpu.memory_space<smem>>
      %get3A_357 = arith.index_cast %get3A_356 : i32 to index
      %get3A_358 = arith.constant 0 : index
      %get3A_359 = vector.load %arg5[%get3A_357, %get3A_358] : memref<2048x1024xf32, #tpu.memory_space<vmem>>, vector<1x1024xf32>
      %swap3A_360 = arith.index_cast %scan3A_353 : i32 to index
      %swap3A_361 = arith.constant 0 : index
      %swap3A_362 = vector.load %arg12[%swap3A_360, %swap3A_361] : memref<256x1024xf32, #tpu.memory_space<vmem>>, vector<1x1024xf32>
      tpu.vector_store %arg12[%swap3A_360, %swap3A_361], %get3A_359 {strides = array<i32>} : memref<256x1024xf32, #tpu.memory_space<vmem>>, vector<1x1024xf32>,
      %scan3A_363 = arith.constant 34 : i32
      %get3A_364 = arith.index_cast %arg0 : i32 to index
      %get3A_365 = arith.index_cast %scan3A_363 : i32 to index
      %get3A_366 = memref.load %arg3[%get3A_364, %get3A_365] : memref<24x256xi32, #tpu.memory_space<smem>>
      %get3A_367 = arith.index_cast %get3A_366 : i32 to index
      %get3A_368 = arith.constant 0 : index
      %get3A_369 = vector.load %arg5[%get3A_367, %get3A_368] : memref<2048x1024xf32, #tpu.memory_space<vmem>>, vector<1x1024xf32>
      %swap3A_370 = arith.index_cast %scan3A_363 : i32 to index
      %swap3A_371 = arith.constant 0 : index
      %swap3A_372 = vector.load %arg12[%swap3A_370, %swap3A_371] : memref<256x1024xf32, #tpu.memory_space<vmem>>, vector<1x1024xf32>
      tpu.vector_store %arg12[%swap3A_370, %swap3A_371], %get3A_369 {strides = array<i32>} : memref<256x1024xf32, #tpu.memory_space<vmem>>, vector<1x1024xf32>,
      %scan3A_373 = arith.constant 35 : i32
      %get3A_374 = arith.index_cast %arg0 : i32 to index
      %get3A_375 = arith.index_cast %scan3A_373 : i32 to index
      %get3A_376 = memref.load %arg3[%get3A_374, %get3A_375] : memref<24x256xi32, #tpu.memory_space<smem>>
      %get3A_377 = arith.index_cast %get3A_376 : i32 to index
      %get3A_378 = arith.constant 0 : index
      %get3A_379 = vector.load %arg5[%get3A_377, %get3A_378] : memref<2048x1024xf32, #tpu.memory_space<vmem>>, vector<1x1024xf32>
      %swap3A_380 = arith.index_cast %scan3A_373 : i32 to index
      %swap3A_381 = arith.constant 0 : index
      %swap3A_382 = vector.load %arg12[%swap3A_380, %swap3A_381] : memref<256x1024xf32, #tpu.memory_space<vmem>>, vector<1x1024xf32>
      tpu.vector_store %arg12[%swap3A_380, %swap3A_381], %get3A_379 {strides = array<i32>} : memref<256x1024xf32, #tpu.memory_space<vmem>>, vector<1x1024xf32>,
      %scan3A_383 = arith.constant 36 : i32
      %get3A_384 = arith.index_cast %arg0 : i32 to index
      %get3A_385 = arith.index_cast %scan3A_383 : i32 to index
      %get3A_386 = memref.load %arg3[%get3A_384, %get3A_385] : memref<24x256xi32, #tpu.memory_space<smem>>
      %get3A_387 = arith.index_cast %get3A_386 : i32 to index
      %get3A_388 = arith.constant 0 : index
      %get3A_389 = vector.load %arg5[%get3A_387, %get3A_388] : memref<2048x1024xf32, #tpu.memory_space<vmem>>, vector<1x1024xf32>
      %swap3A_390 = arith.index_cast %scan3A_383 : i32 to index
      %swap3A_391 = arith.constant 0 : index
      %swap3A_392 = vector.load %arg12[%swap3A_390, %swap3A_391] : memref<256x1024xf32, #tpu.memory_space<vmem>>, vector<1x1024xf32>
      tpu.vector_store %arg12[%swap3A_390, %swap3A_391], %get3A_389 {strides = array<i32>} : memref<256x1024xf32, #tpu.memory_space<vmem>>, vector<1x1024xf32>,
      %scan3A_393 = arith.constant 37 : i32
      %get3A_394 = arith.index_cast %arg0 : i32 to index
      %get3A_395 = arith.index_cast %scan3A_393 : i32 to index
      %get3A_396 = memref.load %arg3[%get3A_394, %get3A_395] : memref<24x256xi32, #tpu.memory_space<smem>>
      %get3A_397 = arith.index_cast %get3A_396 : i32 to index
      %get3A_398 = arith.constant 0 : index
      %get3A_399 = vector.load %arg5[%get3A_397, %get3A_398] : memref<2048x1024xf32, #tpu.memory_space<vmem>>, vector<1x1024xf32>
      %swap3A_400 = arith.index_cast %scan3A_393 : i32 to index
      %swap3A_401 = arith.constant 0 : index
      %swap3A_402 = vector.load %arg12[%swap3A_400, %swap3A_401] : memref<256x1024xf32, #tpu.memory_space<vmem>>, vector<1x1024xf32>
      tpu.vector_store %arg12[%swap3A_400, %swap3A_401], %get3A_399 {strides = array<i32>} : memref<256x1024xf32, #tpu.memory_space<vmem>>, vector<1x1024xf32>,
      %scan3A_403 = arith.constant 38 : i32
      %get3A_404 = arith.index_cast %arg0 : i32 to index
      %get3A_405 = arith.index_cast %scan3A_403 : i32 to index
      %get3A_406 = memref.load %arg3[%get3A_404, %get3A_405] : memref<24x256xi32, #tpu.memory_space<smem>>
      %get3A_407 = arith.index_cast %get3A_406 : i32 to index
      %get3A_408 = arith.constant 0 : index
      %get3A_409 = vector.load %arg5[%get3A_407, %get3A_408] : memref<2048x1024xf32, #tpu.memory_space<vmem>>, vector<1x1024xf32>
      %swap3A_410 = arith.index_cast %scan3A_403 : i32 to index
      %swap3A_411 = arith.constant 0 : index
      %swap3A_412 = vector.load %arg12[%swap3A_410, %swap3A_411] : memref<256x1024xf32, #tpu.memory_space<vmem>>, vector<1x1024xf32>
      tpu.vector_store %arg12[%swap3A_410, %swap3A_411], %get3A_409 {strides = array<i32>} : memref<256x1024xf32, #tpu.memory_space<vmem>>, vector<1x1024xf32>,
      %scan3A_413 = arith.constant 39 : i32
      %get3A_414 = arith.index_cast %arg0 : i32 to index
      %get3A_415 = arith.index_cast %scan3A_413 : i32 to index
      %get3A_416 = memref.load %arg3[%get3A_414, %get3A_415] : memref<24x256xi32, #tpu.memory_space<smem>>
      %get3A_417 = arith.index_cast %get3A_416 : i32 to index
      %get3A_418 = arith.constant 0 : index
      %get3A_419 = vector.load %arg5[%get3A_417, %get3A_418] : memref<2048x1024xf32, #tpu.memory_space<vmem>>, vector<1x1024xf32>
      %swap3A_420 = arith.index_cast %scan3A_413 : i32 to index
      %swap3A_421 = arith.constant 0 : index
      %swap3A_422 = vector.load %arg12[%swap3A_420, %swap3A_421] : memref<256x1024xf32, #tpu.memory_space<vmem>>, vector<1x1024xf32>
      tpu.vector_store %arg12[%swap3A_420, %swap3A_421], %get3A_419 {strides = array<i32>} : memref<256x1024xf32, #tpu.memory_space<vmem>>, vector<1x1024xf32>,
      %scan3A_423 = arith.constant 40 : i32
      %get3A_424 = arith.index_cast %arg0 : i32 to index
      %get3A_425 = arith.index_cast %scan3A_423 : i32 to index
      %get3A_426 = memref.load %arg3[%get3A_424, %get3A_425] : memref<24x256xi32, #tpu.memory_space<smem>>
      %get3A_427 = arith.index_cast %get3A_426 : i32 to index
      %get3A_428 = arith.constant 0 : index
      %get3A_429 = vector.load %arg5[%get3A_427, %get3A_428] : memref<2048x1024xf32, #tpu.memory_space<vmem>>, vector<1x1024xf32>
      %swap3A_430 = arith.index_cast %scan3A_423 : i32 to index
      %swap3A_431 = arith.constant 0 : index
      %swap3A_432 = vector.load %arg12[%swap3A_430, %swap3A_431] : memref<256x1024xf32, #tpu.memory_space<vmem>>, vector<1x1024xf32>
      tpu.vector_store %arg12[%swap3A_430, %swap3A_431], %get3A_429 {strides = array<i32>} : memref<256x1024xf32, #tpu.memory_space<vmem>>, vector<1x1024xf32>,
      %scan3A_433 = arith.constant 41 : i32
      %get3A_434 = arith.index_cast %arg0 : i32 to index
      %get3A_435 = arith.index_cast %scan3A_433 : i32 to index
      %get3A_436 = memref.load %arg3[%get3A_434, %get3A_435] : memref<24x256xi32, #tpu.memory_space<smem>>
      %get3A_437 = arith.index_cast %get3A_436 : i32 to index
      %get3A_438 = arith.constant 0 : index
      %get3A_439 = vector.load %arg5[%get3A_437, %get3A_438] : memref<2048x1024xf32, #tpu.memory_space<vmem>>, vector<1x1024xf32>
      %swap3A_440 = arith.index_cast %scan3A_433 : i32 to index
      %swap3A_441 = arith.constant 0 : index
      %swap3A_442 = vector.load %arg12[%swap3A_440, %swap3A_441] : memref<256x1024xf32, #tpu.memory_space<vmem>>, vector<1x1024xf32>
      tpu.vector_store %arg12[%swap3A_440, %swap3A_441], %get3A_439 {strides = array<i32>} : memref<256x1024xf32, #tpu.memory_space<vmem>>, vector<1x1024xf32>,
      %scan3A_443 = arith.constant 42 : i32
      %get3A_444 = arith.index_cast %arg0 : i32 to index
      %get3A_445 = arith.index_cast %scan3A_443 : i32 to index
      %get3A_446 = memref.load %arg3[%get3A_444, %get3A_445] : memref<24x256xi32, #tpu.memory_space<smem>>
      %get3A_447 = arith.index_cast %get3A_446 : i32 to index
      %get3A_448 = arith.constant 0 : index
      %get3A_449 = vector.load %arg5[%get3A_447, %get3A_448] : memref<2048x1024xf32, #tpu.memory_space<vmem>>, vector<1x1024xf32>
      %swap3A_450 = arith.index_cast %scan3A_443 : i32 to index
      %swap3A_451 = arith.constant 0 : index
      %swap3A_452 = vector.load %arg12[%swap3A_450, %swap3A_451] : memref<256x1024xf32, #tpu.memory_space<vmem>>, vector<1x1024xf32>
      tpu.vector_store %arg12[%swap3A_450, %swap3A_451], %get3A_449 {strides = array<i32>} : memref<256x1024xf32, #tpu.memory_space<vmem>>, vector<1x1024xf32>,
      %scan3A_453 = arith.constant 43 : i32
      %get3A_454 = arith.index_cast %arg0 : i32 to index
      %get3A_455 = arith.index_cast %scan3A_453 : i32 to index
      %get3A_456 = memref.load %arg3[%get3A_454, %get3A_455] : memref<24x256xi32, #tpu.memory_space<smem>>
      %get3A_457 = arith.index_cast %get3A_456 : i32 to index
      %get3A_458 = arith.constant 0 : index
      %get3A_459 = vector.load %arg5[%get3A_457, %get3A_458] : memref<2048x1024xf32, #tpu.memory_space<vmem>>, vector<1x1024xf32>
      %swap3A_460 = arith.index_cast %scan3A_453 : i32 to index
      %swap3A_461 = arith.constant 0 : index
      %swap3A_462 = vector.load %arg12[%swap3A_460, %swap3A_461] : memref<256x1024xf32, #tpu.memory_space<vmem>>, vector<1x1024xf32>
      tpu.vector_store %arg12[%swap3A_460, %swap3A_461], %get3A_459 {strides = array<i32>} : memref<256x1024xf32, #tpu.memory_space<vmem>>, vector<1x1024xf32>,
      %scan3A_463 = arith.constant 44 : i32
      %get3A_464 = arith.index_cast %arg0 : i32 to index
      %get3A_465 = arith.index_cast %scan3A_463 : i32 to index
      %get3A_466 = memref.load %arg3[%get3A_464, %get3A_465] : memref<24x256xi32, #tpu.memory_space<smem>>
      %get3A_467 = arith.index_cast %get3A_466 : i32 to index
      %get3A_468 = arith.constant 0 : index
      %get3A_469 = vector.load %arg5[%get3A_467, %get3A_468] : memref<2048x1024xf32, #tpu.memory_space<vmem>>, vector<1x1024xf32>
      %swap3A_470 = arith.index_cast %scan3A_463 : i32 to index
      %swap3A_471 = arith.constant 0 : index
      %swap3A_472 = vector.load %arg12[%swap3A_470, %swap3A_471] : memref<256x1024xf32, #tpu.memory_space<vmem>>, vector<1x1024xf32>
      tpu.vector_store %arg12[%swap3A_470, %swap3A_471], %get3A_469 {strides = array<i32>} : memref<256x1024xf32, #tpu.memory_space<vmem>>, vector<1x1024xf32>,
      %scan3A_473 = arith.constant 45 : i32
      %get3A_474 = arith.index_cast %arg0 : i32 to index
      %get3A_475 = arith.index_cast %scan3A_473 : i32 to index
      %get3A_476 = memref.load %arg3[%get3A_474, %get3A_475] : memref<24x256xi32, #tpu.memory_space<smem>>
      %get3A_477 = arith.index_cast %get3A_476 : i32 to index
      %get3A_478 = arith.constant 0 : index
      %get3A_479 = vector.load %arg5[%get3A_477, %get3A_478] : memref<2048x1024xf32, #tpu.memory_space<vmem>>, vector<1x1024xf32>
      %swap3A_480 = arith.index_cast %scan3A_473 : i32 to index
      %swap3A_481 = arith.constant 0 : index
      %swap3A_482 = vector.load %arg12[%swap3A_480, %swap3A_481] : memref<256x1024xf32, #tpu.memory_space<vmem>>, vector<1x1024xf32>
      tpu.vector_store %arg12[%swap3A_480, %swap3A_481], %get3A_479 {strides = array<i32>} : memref<256x1024xf32, #tpu.memory_space<vmem>>, vector<1x1024xf32>,
      %scan3A_483 = arith.constant 46 : i32
      %get3A_484 = arith.index_cast %arg0 : i32 to index
      %get3A_485 = arith.index_cast %scan3A_483 : i32 to index
      %get3A_486 = memref.load %arg3[%get3A_484, %get3A_485] : memref<24x256xi32, #tpu.memory_space<smem>>
      %get3A_487 = arith.index_cast %get3A_486 : i32 to index
      %get3A_488 = arith.constant 0 : index
      %get3A_489 = vector.load %arg5[%get3A_487, %get3A_488] : memref<2048x1024xf32, #tpu.memory_space<vmem>>, vector<1x1024xf32>
      %swap3A_490 = arith.index_cast %scan3A_483 : i32 to index
      %swap3A_491 = arith.constant 0 : index
      %swap3A_492 = vector.load %arg12[%swap3A_490, %swap3A_491] : memref<256x1024xf32, #tpu.memory_space<vmem>>, vector<1x1024xf32>
      tpu.vector_store %arg12[%swap3A_490, %swap3A_491], %get3A_489 {strides = array<i32>} : memref<256x1024xf32, #tpu.memory_space<vmem>>, vector<1x1024xf32>,
      %scan3A_493 = arith.constant 47 : i32
      %get3A_494 = arith.index_cast %arg0 : i32 to index
      %get3A_495 = arith.index_cast %scan3A_493 : i32 to index
      %get3A_496 = memref.load %arg3[%get3A_494, %get3A_495] : memref<24x256xi32, #tpu.memory_space<smem>>
      %get3A_497 = arith.index_cast %get3A_496 : i32 to index
      %get3A_498 = arith.constant 0 : index
      %get3A_499 = vector.load %arg5[%get3A_497, %get3A_498] : memref<2048x1024xf32, #tpu.memory_space<vmem>>, vector<1x1024xf32>
      %swap3A_500 = arith.index_cast %scan3A_493 : i32 to index
      %swap3A_501 = arith.constant 0 : index
      %swap3A_502 = vector.load %arg12[%swap3A_500, %swap3A_501] : memref<256x1024xf32, #tpu.memory_space<vmem>>, vector<1x1024xf32>
      tpu.vector_store %arg12[%swap3A_500, %swap3A_501], %get3A_499 {strides = array<i32>} : memref<256x1024xf32, #tpu.memory_space<vmem>>, vector<1x1024xf32>,
      %scan3A_503 = arith.constant 48 : i32
      %get3A_504 = arith.index_cast %arg0 : i32 to index
      %get3A_505 = arith.index_cast %scan3A_503 : i32 to index
      %get3A_506 = memref.load %arg3[%get3A_504, %get3A_505] : memref<24x256xi32, #tpu.memory_space<smem>>
      %get3A_507 = arith.index_cast %get3A_506 : i32 to index
      %get3A_508 = arith.constant 0 : index
      %get3A_509 = vector.load %arg5[%get3A_507, %get3A_508] : memref<2048x1024xf32, #tpu.memory_space<vmem>>, vector<1x1024xf32>
      %swap3A_510 = arith.index_cast %scan3A_503 : i32 to index
      %swap3A_511 = arith.constant 0 : index
      %swap3A_512 = vector.load %arg12[%swap3A_510, %swap3A_511] : memref<256x1024xf32, #tpu.memory_space<vmem>>, vector<1x1024xf32>
      tpu.vector_store %arg12[%swap3A_510, %swap3A_511], %get3A_509 {strides = array<i32>} : memref<256x1024xf32, #tpu.memory_space<vmem>>, vector<1x1024xf32>,
      %scan3A_513 = arith.constant 49 : i32
      %get3A_514 = arith.index_cast %arg0 : i32 to index
      %get3A_515 = arith.index_cast %scan3A_513 : i32 to index
      %get3A_516 = memref.load %arg3[%get3A_514, %get3A_515] : memref<24x256xi32, #tpu.memory_space<smem>>
      %get3A_517 = arith.index_cast %get3A_516 : i32 to index
      %get3A_518 = arith.constant 0 : index
      %get3A_519 = vector.load %arg5[%get3A_517, %get3A_518] : memref<2048x1024xf32, #tpu.memory_space<vmem>>, vector<1x1024xf32>
      %swap3A_520 = arith.index_cast %scan3A_513 : i32 to index
      %swap3A_521 = arith.constant 0 : index
      %swap3A_522 = vector.load %arg12[%swap3A_520, %swap3A_521] : memref<256x1024xf32, #tpu.memory_space<vmem>>, vector<1x1024xf32>
      tpu.vector_store %arg12[%swap3A_520, %swap3A_521], %get3A_519 {strides = array<i32>} : memref<256x1024xf32, #tpu.memory_space<vmem>>, vector<1x1024xf32>,
      %scan3A_523 = arith.constant 50 : i32
      %get3A_524 = arith.index_cast %arg0 : i32 to index
      %get3A_525 = arith.index_cast %scan3A_523 : i32 to index
      %get3A_526 = memref.load %arg3[%get3A_524, %get3A_525] : memref<24x256xi32, #tpu.memory_space<smem>>
      %get3A_527 = arith.index_cast %get3A_526 : i32 to index
      %get3A_528 = arith.constant 0 : index
      %get3A_529 = vector.load %arg5[%get3A_527, %get3A_528] : memref<2048x1024xf32, #tpu.memory_space<vmem>>, vector<1x1024xf32>
      %swap3A_530 = arith.index_cast %scan3A_523 : i32 to index
      %swap3A_531 = arith.constant 0 : index
      %swap3A_532 = vector.load %arg12[%swap3A_530, %swap3A_531] : memref<256x1024xf32, #tpu.memory_space<vmem>>, vector<1x1024xf32>
      tpu.vector_store %arg12[%swap3A_530, %swap3A_531], %get3A_529 {strides = array<i32>} : memref<256x1024xf32, #tpu.memory_space<vmem>>, vector<1x1024xf32>,
      %scan3A_533 = arith.constant 51 : i32
      %get3A_534 = arith.index_cast %arg0 : i32 to index
      %get3A_535 = arith.index_cast %scan3A_533 : i32 to index
      %get3A_536 = memref.load %arg3[%get3A_534, %get3A_535] : memref<24x256xi32, #tpu.memory_space<smem>>
      %get3A_537 = arith.index_cast %get3A_536 : i32 to index
      %get3A_538 = arith.constant 0 : index
      %get3A_539 = vector.load %arg5[%get3A_537, %get3A_538] : memref<2048x1024xf32, #tpu.memory_space<vmem>>, vector<1x1024xf32>
      %swap3A_540 = arith.index_cast %scan3A_533 : i32 to index
      %swap3A_541 = arith.constant 0 : index
      %swap3A_542 = vector.load %arg12[%swap3A_540, %swap3A_541] : memref<256x1024xf32, #tpu.memory_space<vmem>>, vector<1x1024xf32>
      tpu.vector_store %arg12[%swap3A_540, %swap3A_541], %get3A_539 {strides = array<i32>} : memref<256x1024xf32, #tpu.memory_space<vmem>>, vector<1x1024xf32>,
      %scan3A_543 = arith.constant 52 : i32
      %get3A_544 = arith.index_cast %arg0 : i32 to index
      %get3A_545 = arith.index_cast %scan3A_543 : i32 to index
      %get3A_546 = memref.load %arg3[%get3A_544, %get3A_545] : memref<24x256xi32, #tpu.memory_space<smem>>
      %get3A_547 = arith.index_cast %get3A_546 : i32 to index
      %get3A_548 = arith.constant 0 : index
      %get3A_549 = vector.load %arg5[%get3A_547, %get3A_548] : memref<2048x1024xf32, #tpu.memory_space<vmem>>, vector<1x1024xf32>
      %swap3A_550 = arith.index_cast %scan3A_543 : i32 to index
      %swap3A_551 = arith.constant 0 : index
      %swap3A_552 = vector.load %arg12[%swap3A_550, %swap3A_551] : memref<256x1024xf32, #tpu.memory_space<vmem>>, vector<1x1024xf32>
      tpu.vector_store %arg12[%swap3A_550, %swap3A_551], %get3A_549 {strides = array<i32>} : memref<256x1024xf32, #tpu.memory_space<vmem>>, vector<1x1024xf32>,
      %scan3A_553 = arith.constant 53 : i32
      %get3A_554 = arith.index_cast %arg0 : i32 to index
      %get3A_555 = arith.index_cast %scan3A_553 : i32 to index
      %get3A_556 = memref.load %arg3[%get3A_554, %get3A_555] : memref<24x256xi32, #tpu.memory_space<smem>>
      %get3A_557 = arith.index_cast %get3A_556 : i32 to index
      %get3A_558 = arith.constant 0 : index
      %get3A_559 = vector.load %arg5[%get3A_557, %get3A_558] : memref<2048x1024xf32, #tpu.memory_space<vmem>>, vector<1x1024xf32>
      %swap3A_560 = arith.index_cast %scan3A_553 : i32 to index
      %swap3A_561 = arith.constant 0 : index
      %swap3A_562 = vector.load %arg12[%swap3A_560, %swap3A_561] : memref<256x1024xf32, #tpu.memory_space<vmem>>, vector<1x1024xf32>
      tpu.vector_store %arg12[%swap3A_560, %swap3A_561], %get3A_559 {strides = array<i32>} : memref<256x1024xf32, #tpu.memory_space<vmem>>, vector<1x1024xf32>,
      %scan3A_563 = arith.constant 54 : i32
      %get3A_564 = arith.index_cast %arg0 : i32 to index
      %get3A_565 = arith.index_cast %scan3A_563 : i32 to index
      %get3A_566 = memref.load %arg3[%get3A_564, %get3A_565] : memref<24x256xi32, #tpu.memory_space<smem>>
      %get3A_567 = arith.index_cast %get3A_566 : i32 to index
      %get3A_568 = arith.constant 0 : index
      %get3A_569 = vector.load %arg5[%get3A_567, %get3A_568] : memref<2048x1024xf32, #tpu.memory_space<vmem>>, vector<1x1024xf32>
      %swap3A_570 = arith.index_cast %scan3A_563 : i32 to index
      %swap3A_571 = arith.constant 0 : index
      %swap3A_572 = vector.load %arg12[%swap3A_570, %swap3A_571] : memref<256x1024xf32, #tpu.memory_space<vmem>>, vector<1x1024xf32>
      tpu.vector_store %arg12[%swap3A_570, %swap3A_571], %get3A_569 {strides = array<i32>} : memref<256x1024xf32, #tpu.memory_space<vmem>>, vector<1x1024xf32>,
      %scan3A_573 = arith.constant 55 : i32
      %get3A_574 = arith.index_cast %arg0 : i32 to index
      %get3A_575 = arith.index_cast %scan3A_573 : i32 to index
      %get3A_576 = memref.load %arg3[%get3A_574, %get3A_575] : memref<24x256xi32, #tpu.memory_space<smem>>
      %get3A_577 = arith.index_cast %get3A_576 : i32 to index
      %get3A_578 = arith.constant 0 : index
      %get3A_579 = vector.load %arg5[%get3A_577, %get3A_578] : memref<2048x1024xf32, #tpu.memory_space<vmem>>, vector<1x1024xf32>
      %swap3A_580 = arith.index_cast %scan3A_573 : i32 to index
      %swap3A_581 = arith.constant 0 : index
      %swap3A_582 = vector.load %arg12[%swap3A_580, %swap3A_581] : memref<256x1024xf32, #tpu.memory_space<vmem>>, vector<1x1024xf32>
      tpu.vector_store %arg12[%swap3A_580, %swap3A_581], %get3A_579 {strides = array<i32>} : memref<256x1024xf32, #tpu.memory_space<vmem>>, vector<1x1024xf32>,
      %scan3A_583 = arith.constant 56 : i32
      %get3A_584 = arith.index_cast %arg0 : i32 to index
      %get3A_585 = arith.index_cast %scan3A_583 : i32 to index
      %get3A_586 = memref.load %arg3[%get3A_584, %get3A_585] : memref<24x256xi32, #tpu.memory_space<smem>>
      %get3A_587 = arith.index_cast %get3A_586 : i32 to index
      %get3A_588 = arith.constant 0 : index
      %get3A_589 = vector.load %arg5[%get3A_587, %get3A_588] : memref<2048x1024xf32, #tpu.memory_space<vmem>>, vector<1x1024xf32>
      %swap3A_590 = arith.index_cast %scan3A_583 : i32 to index
      %swap3A_591 = arith.constant 0 : index
      %swap3A_592 = vector.load %arg12[%swap3A_590, %swap3A_591] : memref<256x1024xf32, #tpu.memory_space<vmem>>, vector<1x1024xf32>
      tpu.vector_store %arg12[%swap3A_590, %swap3A_591], %get3A_589 {strides = array<i32>} : memref<256x1024xf32, #tpu.memory_space<vmem>>, vector<1x1024xf32>,
      %scan3A_593 = arith.constant 57 : i32
      %get3A_594 = arith.index_cast %arg0 : i32 to index
      %get3A_595 = arith.index_cast %scan3A_593 : i32 to index
      %get3A_596 = memref.load %arg3[%get3A_594, %get3A_595] : memref<24x256xi32, #tpu.memory_space<smem>>
      %get3A_597 = arith.index_cast %get3A_596 : i32 to index
      %get3A_598 = arith.constant 0 : index
      %get3A_599 = vector.load %arg5[%get3A_597, %get3A_598] : memref<2048x1024xf32, #tpu.memory_space<vmem>>, vector<1x1024xf32>
      %swap3A_600 = arith.index_cast %scan3A_593 : i32 to index
      %swap3A_601 = arith.constant 0 : index
      %swap3A_602 = vector.load %arg12[%swap3A_600, %swap3A_601] : memref<256x1024xf32, #tpu.memory_space<vmem>>, vector<1x1024xf32>
      tpu.vector_store %arg12[%swap3A_600, %swap3A_601], %get3A_599 {strides = array<i32>} : memref<256x1024xf32, #tpu.memory_space<vmem>>, vector<1x1024xf32>,
      %scan3A_603 = arith.constant 58 : i32
      %get3A_604 = arith.index_cast %arg0 : i32 to index
      %get3A_605 = arith.index_cast %scan3A_603 : i32 to index
      %get3A_606 = memref.load %arg3[%get3A_604, %get3A_605] : memref<24x256xi32, #tpu.memory_space<smem>>
      %get3A_607 = arith.index_cast %get3A_606 : i32 to index
      %get3A_608 = arith.constant 0 : index
      %get3A_609 = vector.load %arg5[%get3A_607, %get3A_608] : memref<2048x1024xf32, #tpu.memory_space<vmem>>, vector<1x1024xf32>
      %swap3A_610 = arith.index_cast %scan3A_603 : i32 to index
      %swap3A_611 = arith.constant 0 : index
      %swap3A_612 = vector.load %arg12[%swap3A_610, %swap3A_611] : memref<256x1024xf32, #tpu.memory_space<vmem>>, vector<1x1024xf32>
      tpu.vector_store %arg12[%swap3A_610, %swap3A_611], %get3A_609 {strides = array<i32>} : memref<256x1024xf32, #tpu.memory_space<vmem>>, vector<1x1024xf32>,
      %scan3A_613 = arith.constant 59 : i32
      %get3A_614 = arith.index_cast %arg0 : i32 to index
      %get3A_615 = arith.index_cast %scan3A_613 : i32 to index
      %get3A_616 = memref.load %arg3[%get3A_614, %get3A_615] : memref<24x256xi32, #tpu.memory_space<smem>>
      %get3A_617 = arith.index_cast %get3A_616 : i32 to index
      %get3A_618 = arith.constant 0 : index
      %get3A_619 = vector.load %arg5[%get3A_617, %get3A_618] : memref<2048x1024xf32, #tpu.memory_space<vmem>>, vector<1x1024xf32>
      %swap3A_620 = arith.index_cast %scan3A_613 : i32 to index
      %swap3A_621 = arith.constant 0 : index
      %swap3A_622 = vector.load %arg12[%swap3A_620, %swap3A_621] : memref<256x1024xf32, #tpu.memory_space<vmem>>, vector<1x1024xf32>
      tpu.vector_store %arg12[%swap3A_620, %swap3A_621], %get3A_619 {strides = array<i32>} : memref<256x1024xf32, #tpu.memory_space<vmem>>, vector<1x1024xf32>,
      %scan3A_623 = arith.constant 60 : i32
      %get3A_624 = arith.index_cast %arg0 : i32 to index
      %get3A_625 = arith.index_cast %scan3A_623 : i32 to index
      %get3A_626 = memref.load %arg3[%get3A_624, %get3A_625] : memref<24x256xi32, #tpu.memory_space<smem>>
      %get3A_627 = arith.index_cast %get3A_626 : i32 to index
      %get3A_628 = arith.constant 0 : index
      %get3A_629 = vector.load %arg5[%get3A_627, %get3A_628] : memref<2048x1024xf32, #tpu.memory_space<vmem>>, vector<1x1024xf32>
      %swap3A_630 = arith.index_cast %scan3A_623 : i32 to index
      %swap3A_631 = arith.constant 0 : index
      %swap3A_632 = vector.load %arg12[%swap3A_630, %swap3A_631] : memref<256x1024xf32, #tpu.memory_space<vmem>>, vector<1x1024xf32>
      tpu.vector_store %arg12[%swap3A_630, %swap3A_631], %get3A_629 {strides = array<i32>} : memref<256x1024xf32, #tpu.memory_space<vmem>>, vector<1x1024xf32>,
      %scan3A_633 = arith.constant 61 : i32
      %get3A_634 = arith.index_cast %arg0 : i32 to index
      %get3A_635 = arith.index_cast %scan3A_633 : i32 to index
      %get3A_636 = memref.load %arg3[%get3A_634, %get3A_635] : memref<24x256xi32, #tpu.memory_space<smem>>
      %get3A_637 = arith.index_cast %get3A_636 : i32 to index
      %get3A_638 = arith.constant 0 : index
      %get3A_639 = vector.load %arg5[%get3A_637, %get3A_638] : memref<2048x1024xf32, #tpu.memory_space<vmem>>, vector<1x1024xf32>
      %swap3A_640 = arith.index_cast %scan3A_633 : i32 to index
      %swap3A_641 = arith.constant 0 : index
      %swap3A_642 = vector.load %arg12[%swap3A_640, %swap3A_641] : memref<256x1024xf32, #tpu.memory_space<vmem>>, vector<1x1024xf32>
      tpu.vector_store %arg12[%swap3A_640, %swap3A_641], %get3A_639 {strides = array<i32>} : memref<256x1024xf32, #tpu.memory_space<vmem>>, vector<1x1024xf32>,
      %scan3A_643 = arith.constant 62 : i32
      %get3A_644 = arith.index_cast %arg0 : i32 to index
      %get3A_645 = arith.index_cast %scan3A_643 : i32 to index
      %get3A_646 = memref.load %arg3[%get3A_644, %get3A_645] : memref<24x256xi32, #tpu.memory_space<smem>>
      %get3A_647 = arith.index_cast %get3A_646 : i32 to index
      %get3A_648 = arith.constant 0 : index
      %get3A_649 = vector.load %arg5[%get3A_647, %get3A_648] : memref<2048x1024xf32, #tpu.memory_space<vmem>>, vector<1x1024xf32>
      %swap3A_650 = arith.index_cast %scan3A_643 : i32 to index
      %swap3A_651 = arith.constant 0 : index
      %swap3A_652 = vector.load %arg12[%swap3A_650, %swap3A_651] : memref<256x1024xf32, #tpu.memory_space<vmem>>, vector<1x1024xf32>
      tpu.vector_store %arg12[%swap3A_650, %swap3A_651], %get3A_649 {strides = array<i32>} : memref<256x1024xf32, #tpu.memory_space<vmem>>, vector<1x1024xf32>,
      %scan3A_653 = arith.constant 63 : i32
      %get3A_654 = arith.index_cast %arg0 : i32 to index
      %get3A_655 = arith.index_cast %scan3A_653 : i32 to index
      %get3A_656 = memref.load %arg3[%get3A_654, %get3A_655] : memref<24x256xi32, #tpu.memory_space<smem>>
      %get3A_657 = arith.index_cast %get3A_656 : i32 to index
      %get3A_658 = arith.constant 0 : index
      %get3A_659 = vector.load %arg5[%get3A_657, %get3A_658] : memref<2048x1024xf32, #tpu.memory_space<vmem>>, vector<1x1024xf32>
      %swap3A_660 = arith.index_cast %scan3A_653 : i32 to index
      %swap3A_661 = arith.constant 0 : index
      %swap3A_662 = vector.load %arg12[%swap3A_660, %swap3A_661] : memref<256x1024xf32, #tpu.memory_space<vmem>>, vector<1x1024xf32>
      tpu.vector_store %arg12[%swap3A_660, %swap3A_661], %get3A_659 {strides = array<i32>} : memref<256x1024xf32, #tpu.memory_space<vmem>>, vector<1x1024xf32>,
      %scan3A_663 = arith.constant 64 : i32
      %get3A_664 = arith.index_cast %arg0 : i32 to index
      %get3A_665 = arith.index_cast %scan3A_663 : i32 to index
      %get3A_666 = memref.load %arg3[%get3A_664, %get3A_665] : memref<24x256xi32, #tpu.memory_space<smem>>
      %get3A_667 = arith.index_cast %get3A_666 : i32 to index
      %get3A_668 = arith.constant 0 : index
      %get3A_669 = vector.load %arg5[%get3A_667, %get3A_668] : memref<2048x1024xf32, #tpu.memory_space<vmem>>, vector<1x1024xf32>
      %swap3A_670 = arith.index_cast %scan3A_663 : i32 to index
      %swap3A_671 = arith.constant 0 : index
      %swap3A_672 = vector.load %arg12[%swap3A_670, %swap3A_671] : memref<256x1024xf32, #tpu.memory_space<vmem>>, vector<1x1024xf32>
      tpu.vector_store %arg12[%swap3A_670, %swap3A_671], %get3A_669 {strides = array<i32>} : memref<256x1024xf32, #tpu.memory_space<vmem>>, vector<1x1024xf32>,
      %scan3A_673 = arith.constant 65 : i32
      %get3A_674 = arith.index_cast %arg0 : i32 to index
      %get3A_675 = arith.index_cast %scan3A_673 : i32 to index
      %get3A_676 = memref.load %arg3[%get3A_674, %get3A_675] : memref<24x256xi32, #tpu.memory_space<smem>>
      %get3A_677 = arith.index_cast %get3A_676 : i32 to index
      %get3A_678 = arith.constant 0 : index
      %get3A_679 = vector.load %arg5[%get3A_677, %get3A_678] : memref<2048x1024xf32, #tpu.memory_space<vmem>>, vector<1x1024xf32>
      %swap3A_680 = arith.index_cast %scan3A_673 : i32 to index
      %swap3A_681 = arith.constant 0 : index
      %swap3A_682 = vector.load %arg12[%swap3A_680, %swap3A_681] : memref<256x1024xf32, #tpu.memory_space<vmem>>, vector<1x1024xf32>
      tpu.vector_store %arg12[%swap3A_680, %swap3A_681], %get3A_679 {strides = array<i32>} : memref<256x1024xf32, #tpu.memory_space<vmem>>, vector<1x1024xf32>,
      %scan3A_683 = arith.constant 66 : i32
      %get3A_684 = arith.index_cast %arg0 : i32 to index
      %get3A_685 = arith.index_cast %scan3A_683 : i32 to index
      %get3A_686 = memref.load %arg3[%get3A_684, %get3A_685] : memref<24x256xi32, #tpu.memory_space<smem>>
      %get3A_687 = arith.index_cast %get3A_686 : i32 to index
      %get3A_688 = arith.constant 0 : index
      %get3A_689 = vector.load %arg5[%get3A_687, %get3A_688] : memref<2048x1024xf32, #tpu.memory_space<vmem>>, vector<1x1024xf32>
      %swap3A_690 = arith.index_cast %scan3A_683 : i32 to index
      %swap3A_691 = arith.constant 0 : index
      %swap3A_692 = vector.load %arg12[%swap3A_690, %swap3A_691] : memref<256x1024xf32, #tpu.memory_space<vmem>>, vector<1x1024xf32>
      tpu.vector_store %arg12[%swap3A_690, %swap3A_691], %get3A_689 {strides = array<i32>} : memref<256x1024xf32, #tpu.memory_space<vmem>>, vector<1x1024xf32>,
      %scan3A_693 = arith.constant 67 : i32
      %get3A_694 = arith.index_cast %arg0 : i32 to index
      %get3A_695 = arith.index_cast %scan3A_693 : i32 to index
      %get3A_696 = memref.load %arg3[%get3A_694, %get3A_695] : memref<24x256xi32, #tpu.memory_space<smem>>
      %get3A_697 = arith.index_cast %get3A_696 : i32 to index
      %get3A_698 = arith.constant 0 : index
      %get3A_699 = vector.load %arg5[%get3A_697, %get3A_698] : memref<2048x1024xf32, #tpu.memory_space<vmem>>, vector<1x1024xf32>
      %swap3A_700 = arith.index_cast %scan3A_693 : i32 to index
      %swap3A_701 = arith.constant 0 : index
      %swap3A_702 = vector.load %arg12[%swap3A_700, %swap3A_701] : memref<256x1024xf32, #tpu.memory_space<vmem>>, vector<1x1024xf32>
      tpu.vector_store %arg12[%swap3A_700, %swap3A_701], %get3A_699 {strides = array<i32>} : memref<256x1024xf32, #tpu.memory_space<vmem>>, vector<1x1024xf32>,
      %scan3A_703 = arith.constant 68 : i32
      %get3A_704 = arith.index_cast %arg0 : i32 to index
      %get3A_705 = arith.index_cast %scan3A_703 : i32 to index
      %get3A_706 = memref.load %arg3[%get3A_704, %get3A_705] : memref<24x256xi32, #tpu.memory_space<smem>>
      %get3A_707 = arith.index_cast %get3A_706 : i32 to index
      %get3A_708 = arith.constant 0 : index
      %get3A_709 = vector.load %arg5[%get3A_707, %get3A_708] : memref<2048x1024xf32, #tpu.memory_space<vmem>>, vector<1x1024xf32>
      %swap3A_710 = arith.index_cast %scan3A_703 : i32 to index
      %swap3A_711 = arith.constant 0 : index
      %swap3A_712 = vector.load %arg12[%swap3A_710, %swap3A_711] : memref<256x1024xf32, #tpu.memory_space<vmem>>, vector<1x1024xf32>
      tpu.vector_store %arg12[%swap3A_710, %swap3A_711], %get3A_709 {strides = array<i32>} : memref<256x1024xf32, #tpu.memory_space<vmem>>, vector<1x1024xf32>,
      %scan3A_713 = arith.constant 69 : i32
      %get3A_714 = arith.index_cast %arg0 : i32 to index
      %get3A_715 = arith.index_cast %scan3A_713 : i32 to index
      %get3A_716 = memref.load %arg3[%get3A_714, %get3A_715] : memref<24x256xi32, #tpu.memory_space<smem>>
      %get3A_717 = arith.index_cast %get3A_716 : i32 to index
      %get3A_718 = arith.constant 0 : index
      %get3A_719 = vector.load %arg5[%get3A_717, %get3A_718] : memref<2048x1024xf32, #tpu.memory_space<vmem>>, vector<1x1024xf32>
      %swap3A_720 = arith.index_cast %scan3A_713 : i32 to index
      %swap3A_721 = arith.constant 0 : index
      %swap3A_722 = vector.load %arg12[%swap3A_720, %swap3A_721] : memref<256x1024xf32, #tpu.memory_space<vmem>>, vector<1x1024xf32>
      tpu.vector_store %arg12[%swap3A_720, %swap3A_721], %get3A_719 {strides = array<i32>} : memref<256x1024xf32, #tpu.memory_space<vmem>>, vector<1x1024xf32>,
      %scan3A_723 = arith.constant 70 : i32
      %get3A_724 = arith.index_cast %arg0 : i32 to index
      %get3A_725 = arith.index_cast %scan3A_723 : i32 to index
      %get3A_726 = memref.load %arg3[%get3A_724, %get3A_725] : memref<24x256xi32, #tpu.memory_space<smem>>
      %get3A_727 = arith.index_cast %get3A_726 : i32 to index
      %get3A_728 = arith.constant 0 : index
      %get3A_729 = vector.load %arg5[%get3A_727, %get3A_728] : memref<2048x1024xf32, #tpu.memory_space<vmem>>, vector<1x1024xf32>
      %swap3A_730 = arith.index_cast %scan3A_723 : i32 to index
      %swap3A_731 = arith.constant 0 : index
      %swap3A_732 = vector.load %arg12[%swap3A_730, %swap3A_731] : memref<256x1024xf32, #tpu.memory_space<vmem>>, vector<1x1024xf32>
      tpu.vector_store %arg12[%swap3A_730, %swap3A_731], %get3A_729 {strides = array<i32>} : memref<256x1024xf32, #tpu.memory_space<vmem>>, vector<1x1024xf32>,
      %scan3A_733 = arith.constant 71 : i32
      %get3A_734 = arith.index_cast %arg0 : i32 to index
      %get3A_735 = arith.index_cast %scan3A_733 : i32 to index
      %get3A_736 = memref.load %arg3[%get3A_734, %get3A_735] : memref<24x256xi32, #tpu.memory_space<smem>>
      %get3A_737 = arith.index_cast %get3A_736 : i32 to index
      %get3A_738 = arith.constant 0 : index
      %get3A_739 = vector.load %arg5[%get3A_737, %get3A_738] : memref<2048x1024xf32, #tpu.memory_space<vmem>>, vector<1x1024xf32>
      %swap3A_740 = arith.index_cast %scan3A_733 : i32 to index
      %swap3A_741 = arith.constant 0 : index
      %swap3A_742 = vector.load %arg12[%swap3A_740, %swap3A_741] : memref<256x1024xf32, #tpu.memory_space<vmem>>, vector<1x1024xf32>
      tpu.vector_store %arg12[%swap3A_740, %swap3A_741], %get3A_739 {strides = array<i32>} : memref<256x1024xf32, #tpu.memory_space<vmem>>, vector<1x1024xf32>,
      %scan3A_743 = arith.constant 72 : i32
      %get3A_744 = arith.index_cast %arg0 : i32 to index
      %get3A_745 = arith.index_cast %scan3A_743 : i32 to index
      %get3A_746 = memref.load %arg3[%get3A_744, %get3A_745] : memref<24x256xi32, #tpu.memory_space<smem>>
      %get3A_747 = arith.index_cast %get3A_746 : i32 to index
      %get3A_748 = arith.constant 0 : index
      %get3A_749 = vector.load %arg5[%get3A_747, %get3A_748] : memref<2048x1024xf32, #tpu.memory_space<vmem>>, vector<1x1024xf32>
      %swap3A_750 = arith.index_cast %scan3A_743 : i32 to index
      %swap3A_751 = arith.constant 0 : index
      %swap3A_752 = vector.load %arg12[%swap3A_750, %swap3A_751] : memref<256x1024xf32, #tpu.memory_space<vmem>>, vector<1x1024xf32>
      tpu.vector_store %arg12[%swap3A_750, %swap3A_751], %get3A_749 {strides = array<i32>} : memref<256x1024xf32, #tpu.memory_space<vmem>>, vector<1x1024xf32>,
      %scan3A_753 = arith.constant 73 : i32
      %get3A_754 = arith.index_cast %arg0 : i32 to index
      %get3A_755 = arith.index_cast %scan3A_753 : i32 to index
      %get3A_756 = memref.load %arg3[%get3A_754, %get3A_755] : memref<24x256xi32, #tpu.memory_space<smem>>
      %get3A_757 = arith.index_cast %get3A_756 : i32 to index
      %get3A_758 = arith.constant 0 : index
      %get3A_759 = vector.load %arg5[%get3A_757, %get3A_758] : memref<2048x1024xf32, #tpu.memory_space<vmem>>, vector<1x1024xf32>
      %swap3A_760 = arith.index_cast %scan3A_753 : i32 to index
      %swap3A_761 = arith.constant 0 : index
      %swap3A_762 = vector.load %arg12[%swap3A_760, %swap3A_761] : memref<256x1024xf32, #tpu.memory_space<vmem>>, vector<1x1024xf32>
      tpu.vector_store %arg12[%swap3A_760, %swap3A_761], %get3A_759 {strides = array<i32>} : memref<256x1024xf32, #tpu.memory_space<vmem>>, vector<1x1024xf32>,
      %scan3A_763 = arith.constant 74 : i32
      %get3A_764 = arith.index_cast %arg0 : i32 to index
      %get3A_765 = arith.index_cast %scan3A_763 : i32 to index
      %get3A_766 = memref.load %arg3[%get3A_764, %get3A_765] : memref<24x256xi32, #tpu.memory_space<smem>>
      %get3A_767 = arith.index_cast %get3A_766 : i32 to index
      %get3A_768 = arith.constant 0 : index
      %get3A_769 = vector.load %arg5[%get3A_767, %get3A_768] : memref<2048x1024xf32, #tpu.memory_space<vmem>>, vector<1x1024xf32>
      %swap3A_770 = arith.index_cast %scan3A_763 : i32 to index
      %swap3A_771 = arith.constant 0 : index
      %swap3A_772 = vector.load %arg12[%swap3A_770, %swap3A_771] : memref<256x1024xf32, #tpu.memory_space<vmem>>, vector<1x1024xf32>
      tpu.vector_store %arg12[%swap3A_770, %swap3A_771], %get3A_769 {strides = array<i32>} : memref<256x1024xf32, #tpu.memory_space<vmem>>, vector<1x1024xf32>,
      %scan3A_773 = arith.constant 75 : i32
      %get3A_774 = arith.index_cast %arg0 : i32 to index
      %get3A_775 = arith.index_cast %scan3A_773 : i32 to index
      %get3A_776 = memref.load %arg3[%get3A_774, %get3A_775] : memref<24x256xi32, #tpu.memory_space<smem>>
      %get3A_777 = arith.index_cast %get3A_776 : i32 to index
      %get3A_778 = arith.constant 0 : index
      %get3A_779 = vector.load %arg5[%get3A_777, %get3A_778] : memref<2048x1024xf32, #tpu.memory_space<vmem>>, vector<1x1024xf32>
      %swap3A_780 = arith.index_cast %scan3A_773 : i32 to index
      %swap3A_781 = arith.constant 0 : index
      %swap3A_782 = vector.load %arg12[%swap3A_780, %swap3A_781] : memref<256x1024xf32, #tpu.memory_space<vmem>>, vector<1x1024xf32>
      tpu.vector_store %arg12[%swap3A_780, %swap3A_781], %get3A_779 {strides = array<i32>} : memref<256x1024xf32, #tpu.memory_space<vmem>>, vector<1x1024xf32>,
      %scan3A_783 = arith.constant 76 : i32
      %get3A_784 = arith.index_cast %arg0 : i32 to index
      %get3A_785 = arith.index_cast %scan3A_783 : i32 to index
      %get3A_786 = memref.load %arg3[%get3A_784, %get3A_785] : memref<24x256xi32, #tpu.memory_space<smem>>
      %get3A_787 = arith.index_cast %get3A_786 : i32 to index
      %get3A_788 = arith.constant 0 : index
      %get3A_789 = vector.load %arg5[%get3A_787, %get3A_788] : memref<2048x1024xf32, #tpu.memory_space<vmem>>, vector<1x1024xf32>
      %swap3A_790 = arith.index_cast %scan3A_783 : i32 to index
      %swap3A_791 = arith.constant 0 : index
      %swap3A_792 = vector.load %arg12[%swap3A_790, %swap3A_791] : memref<256x1024xf32, #tpu.memory_space<vmem>>, vector<1x1024xf32>
      tpu.vector_store %arg12[%swap3A_790, %swap3A_791], %get3A_789 {strides = array<i32>} : memref<256x1024xf32, #tpu.memory_space<vmem>>, vector<1x1024xf32>,
      %scan3A_793 = arith.constant 77 : i32
      %get3A_794 = arith.index_cast %arg0 : i32 to index
      %get3A_795 = arith.index_cast %scan3A_793 : i32 to index
      %get3A_796 = memref.load %arg3[%get3A_794, %get3A_795] : memref<24x256xi32, #tpu.memory_space<smem>>
      %get3A_797 = arith.index_cast %get3A_796 : i32 to index
      %get3A_798 = arith.constant 0 : index
      %get3A_799 = vector.load %arg5[%get3A_797, %get3A_798] : memref<2048x1024xf32, #tpu.memory_space<vmem>>, vector<1x1024xf32>
      %swap3A_800 = arith.index_cast %scan3A_793 : i32 to index
      %swap3A_801 = arith.constant 0 : index
      %swap3A_802 = vector.load %arg12[%swap3A_800, %swap3A_801] : memref<256x1024xf32, #tpu.memory_space<vmem>>, vector<1x1024xf32>
      tpu.vector_store %arg12[%swap3A_800, %swap3A_801], %get3A_799 {strides = array<i32>} : memref<256x1024xf32, #tpu.memory_space<vmem>>, vector<1x1024xf32>,
      %scan3A_803 = arith.constant 78 : i32
      %get3A_804 = arith.index_cast %arg0 : i32 to index
      %get3A_805 = arith.index_cast %scan3A_803 : i32 to index
      %get3A_806 = memref.load %arg3[%get3A_804, %get3A_805] : memref<24x256xi32, #tpu.memory_space<smem>>
      %get3A_807 = arith.index_cast %get3A_806 : i32 to index
      %get3A_808 = arith.constant 0 : index
      %get3A_809 = vector.load %arg5[%get3A_807, %get3A_808] : memref<2048x1024xf32, #tpu.memory_space<vmem>>, vector<1x1024xf32>
      %swap3A_810 = arith.index_cast %scan3A_803 : i32 to index
      %swap3A_811 = arith.constant 0 : index
      %swap3A_812 = vector.load %arg12[%swap3A_810, %swap3A_811] : memref<256x1024xf32, #tpu.memory_space<vmem>>, vector<1x1024xf32>
      tpu.vector_store %arg12[%swap3A_810, %swap3A_811], %get3A_809 {strides = array<i32>} : memref<256x1024xf32, #tpu.memory_space<vmem>>, vector<1x1024xf32>,
      %scan3A_813 = arith.constant 79 : i32
      %get3A_814 = arith.index_cast %arg0 : i32 to index
      %get3A_815 = arith.index_cast %scan3A_813 : i32 to index
      %get3A_816 = memref.load %arg3[%get3A_814, %get3A_815] : memref<24x256xi32, #tpu.memory_space<smem>>
      %get3A_817 = arith.index_cast %get3A_816 : i32 to index
      %get3A_818 = arith.constant 0 : index
      %get3A_819 = vector.load %arg5[%get3A_817, %get3A_818] : memref<2048x1024xf32, #tpu.memory_space<vmem>>, vector<1x1024xf32>
      %swap3A_820 = arith.index_cast %scan3A_813 : i32 to index
      %swap3A_821 = arith.constant 0 : index
      %swap3A_822 = vector.load %arg12[%swap3A_820, %swap3A_821] : memref<256x1024xf32, #tpu.memory_space<vmem>>, vector<1x1024xf32>
      tpu.vector_store %arg12[%swap3A_820, %swap3A_821], %get3A_819 {strides = array<i32>} : memref<256x1024xf32, #tpu.memory_space<vmem>>, vector<1x1024xf32>,
      %scan3A_823 = arith.constant 80 : i32
      %get3A_824 = arith.index_cast %arg0 : i32 to index
      %get3A_825 = arith.index_cast %scan3A_823 : i32 to index
      %get3A_826 = memref.load %arg3[%get3A_824, %get3A_825] : memref<24x256xi32, #tpu.memory_space<smem>>
      %get3A_827 = arith.index_cast %get3A_826 : i32 to index
      %get3A_828 = arith.constant 0 : index
      %get3A_829 = vector.load %arg5[%get3A_827, %get3A_828] : memref<2048x1024xf32, #tpu.memory_space<vmem>>, vector<1x1024xf32>
      %swap3A_830 = arith.index_cast %scan3A_823 : i32 to index
      %swap3A_831 = arith.constant 0 : index
      %swap3A_832 = vector.load %arg12[%swap3A_830, %swap3A_831] : memref<256x1024xf32, #tpu.memory_space<vmem>>, vector<1x1024xf32>
      tpu.vector_store %arg12[%swap3A_830, %swap3A_831], %get3A_829 {strides = array<i32>} : memref<256x1024xf32, #tpu.memory_space<vmem>>, vector<1x1024xf32>,
      %scan3A_833 = arith.constant 81 : i32
      %get3A_834 = arith.index_cast %arg0 : i32 to index
      %get3A_835 = arith.index_cast %scan3A_833 : i32 to index
      %get3A_836 = memref.load %arg3[%get3A_834, %get3A_835] : memref<24x256xi32, #tpu.memory_space<smem>>
      %get3A_837 = arith.index_cast %get3A_836 : i32 to index
      %get3A_838 = arith.constant 0 : index
      %get3A_839 = vector.load %arg5[%get3A_837, %get3A_838] : memref<2048x1024xf32, #tpu.memory_space<vmem>>, vector<1x1024xf32>
      %swap3A_840 = arith.index_cast %scan3A_833 : i32 to index
      %swap3A_841 = arith.constant 0 : index
      %swap3A_842 = vector.load %arg12[%swap3A_840, %swap3A_841] : memref<256x1024xf32, #tpu.memory_space<vmem>>, vector<1x1024xf32>
      tpu.vector_store %arg12[%swap3A_840, %swap3A_841], %get3A_839 {strides = array<i32>} : memref<256x1024xf32, #tpu.memory_space<vmem>>, vector<1x1024xf32>,
      %scan3A_843 = arith.constant 82 : i32
      %get3A_844 = arith.index_cast %arg0 : i32 to index
      %get3A_845 = arith.index_cast %scan3A_843 : i32 to index
      %get3A_846 = memref.load %arg3[%get3A_844, %get3A_845] : memref<24x256xi32, #tpu.memory_space<smem>>
      %get3A_847 = arith.index_cast %get3A_846 : i32 to index
      %get3A_848 = arith.constant 0 : index
      %get3A_849 = vector.load %arg5[%get3A_847, %get3A_848] : memref<2048x1024xf32, #tpu.memory_space<vmem>>, vector<1x1024xf32>
      %swap3A_850 = arith.index_cast %scan3A_843 : i32 to index
      %swap3A_851 = arith.constant 0 : index
      %swap3A_852 = vector.load %arg12[%swap3A_850, %swap3A_851] : memref<256x1024xf32, #tpu.memory_space<vmem>>, vector<1x1024xf32>
      tpu.vector_store %arg12[%swap3A_850, %swap3A_851], %get3A_849 {strides = array<i32>} : memref<256x1024xf32, #tpu.memory_space<vmem>>, vector<1x1024xf32>,
      %scan3A_853 = arith.constant 83 : i32
      %get3A_854 = arith.index_cast %arg0 : i32 to index
      %get3A_855 = arith.index_cast %scan3A_853 : i32 to index
      %get3A_856 = memref.load %arg3[%get3A_854, %get3A_855] : memref<24x256xi32, #tpu.memory_space<smem>>
      %get3A_857 = arith.index_cast %get3A_856 : i32 to index
      %get3A_858 = arith.constant 0 : index
      %get3A_859 = vector.load %arg5[%get3A_857, %get3A_858] : memref<2048x1024xf32, #tpu.memory_space<vmem>>, vector<1x1024xf32>
      %swap3A_860 = arith.index_cast %scan3A_853 : i32 to index
      %swap3A_861 = arith.constant 0 : index
      %swap3A_862 = vector.load %arg12[%swap3A_860, %swap3A_861] : memref<256x1024xf32, #tpu.memory_space<vmem>>, vector<1x1024xf32>
      tpu.vector_store %arg12[%swap3A_860, %swap3A_861], %get3A_859 {strides = array<i32>} : memref<256x1024xf32, #tpu.memory_space<vmem>>, vector<1x1024xf32>,
      %scan3A_863 = arith.constant 84 : i32
      %get3A_864 = arith.index_cast %arg0 : i32 to index
      %get3A_865 = arith.index_cast %scan3A_863 : i32 to index
      %get3A_866 = memref.load %arg3[%get3A_864, %get3A_865] : memref<24x256xi32, #tpu.memory_space<smem>>
      %get3A_867 = arith.index_cast %get3A_866 : i32 to index
      %get3A_868 = arith.constant 0 : index
      %get3A_869 = vector.load %arg5[%get3A_867, %get3A_868] : memref<2048x1024xf32, #tpu.memory_space<vmem>>, vector<1x1024xf32>
      %swap3A_870 = arith.index_cast %scan3A_863 : i32 to index
      %swap3A_871 = arith.constant 0 : index
      %swap3A_872 = vector.load %arg12[%swap3A_870, %swap3A_871] : memref<256x1024xf32, #tpu.memory_space<vmem>>, vector<1x1024xf32>
      tpu.vector_store %arg12[%swap3A_870, %swap3A_871], %get3A_869 {strides = array<i32>} : memref<256x1024xf32, #tpu.memory_space<vmem>>, vector<1x1024xf32>,
      %scan3A_873 = arith.constant 85 : i32
      %get3A_874 = arith.index_cast %arg0 : i32 to index
      %get3A_875 = arith.index_cast %scan3A_873 : i32 to index
      %get3A_876 = memref.load %arg3[%get3A_874, %get3A_875] : memref<24x256xi32, #tpu.memory_space<smem>>
      %get3A_877 = arith.index_cast %get3A_876 : i32 to index
      %get3A_878 = arith.constant 0 : index
      %get3A_879 = vector.load %arg5[%get3A_877, %get3A_878] : memref<2048x1024xf32, #tpu.memory_space<vmem>>, vector<1x1024xf32>
      %swap3A_880 = arith.index_cast %scan3A_873 : i32 to index
      %swap3A_881 = arith.constant 0 : index
      %swap3A_882 = vector.load %arg12[%swap3A_880, %swap3A_881] : memref<256x1024xf32, #tpu.memory_space<vmem>>, vector<1x1024xf32>
      tpu.vector_store %arg12[%swap3A_880, %swap3A_881], %get3A_879 {strides = array<i32>} : memref<256x1024xf32, #tpu.memory_space<vmem>>, vector<1x1024xf32>,
      %scan3A_883 = arith.constant 86 : i32
      %get3A_884 = arith.index_cast %arg0 : i32 to index
      %get3A_885 = arith.index_cast %scan3A_883 : i32 to index
      %get3A_886 = memref.load %arg3[%get3A_884, %get3A_885] : memref<24x256xi32, #tpu.memory_space<smem>>
      %get3A_887 = arith.index_cast %get3A_886 : i32 to index
      %get3A_888 = arith.constant 0 : index
      %get3A_889 = vector.load %arg5[%get3A_887, %get3A_888] : memref<2048x1024xf32, #tpu.memory_space<vmem>>, vector<1x1024xf32>
      %swap3A_890 = arith.index_cast %scan3A_883 : i32 to index
      %swap3A_891 = arith.constant 0 : index
      %swap3A_892 = vector.load %arg12[%swap3A_890, %swap3A_891] : memref<256x1024xf32, #tpu.memory_space<vmem>>, vector<1x1024xf32>
      tpu.vector_store %arg12[%swap3A_890, %swap3A_891], %get3A_889 {strides = array<i32>} : memref<256x1024xf32, #tpu.memory_space<vmem>>, vector<1x1024xf32>,
      %scan3A_893 = arith.constant 87 : i32
      %get3A_894 = arith.index_cast %arg0 : i32 to index
      %get3A_895 = arith.index_cast %scan3A_893 : i32 to index
      %get3A_896 = memref.load %arg3[%get3A_894, %get3A_895] : memref<24x256xi32, #tpu.memory_space<smem>>
      %get3A_897 = arith.index_cast %get3A_896 : i32 to index
      %get3A_898 = arith.constant 0 : index
      %get3A_899 = vector.load %arg5[%get3A_897, %get3A_898] : memref<2048x1024xf32, #tpu.memory_space<vmem>>, vector<1x1024xf32>
      %swap3A_900 = arith.index_cast %scan3A_893 : i32 to index
      %swap3A_901 = arith.constant 0 : index
      %swap3A_902 = vector.load %arg12[%swap3A_900, %swap3A_901] : memref<256x1024xf32, #tpu.memory_space<vmem>>, vector<1x1024xf32>
      tpu.vector_store %arg12[%swap3A_900, %swap3A_901], %get3A_899 {strides = array<i32>} : memref<256x1024xf32, #tpu.memory_space<vmem>>, vector<1x1024xf32>,
      %scan3A_903 = arith.constant 88 : i32
      %get3A_904 = arith.index_cast %arg0 : i32 to index
      %get3A_905 = arith.index_cast %scan3A_903 : i32 to index
      %get3A_906 = memref.load %arg3[%get3A_904, %get3A_905] : memref<24x256xi32, #tpu.memory_space<smem>>
      %get3A_907 = arith.index_cast %get3A_906 : i32 to index
      %get3A_908 = arith.constant 0 : index
      %get3A_909 = vector.load %arg5[%get3A_907, %get3A_908] : memref<2048x1024xf32, #tpu.memory_space<vmem>>, vector<1x1024xf32>
      %swap3A_910 = arith.index_cast %scan3A_903 : i32 to index
      %swap3A_911 = arith.constant 0 : index
      %swap3A_912 = vector.load %arg12[%swap3A_910, %swap3A_911] : memref<256x1024xf32, #tpu.memory_space<vmem>>, vector<1x1024xf32>
      tpu.vector_store %arg12[%swap3A_910, %swap3A_911], %get3A_909 {strides = array<i32>} : memref<256x1024xf32, #tpu.memory_space<vmem>>, vector<1x1024xf32>,
      %scan3A_913 = arith.constant 89 : i32
      %get3A_914 = arith.index_cast %arg0 : i32 to index
      %get3A_915 = arith.index_cast %scan3A_913 : i32 to index
      %get3A_916 = memref.load %arg3[%get3A_914, %get3A_915] : memref<24x256xi32, #tpu.memory_space<smem>>
      %get3A_917 = arith.index_cast %get3A_916 : i32 to index
      %get3A_918 = arith.constant 0 : index
      %get3A_919 = vector.load %arg5[%get3A_917, %get3A_918] : memref<2048x1024xf32, #tpu.memory_space<vmem>>, vector<1x1024xf32>
      %swap3A_920 = arith.index_cast %scan3A_913 : i32 to index
      %swap3A_921 = arith.constant 0 : index
      %swap3A_922 = vector.load %arg12[%swap3A_920, %swap3A_921] : memref<256x1024xf32, #tpu.memory_space<vmem>>, vector<1x1024xf32>
      tpu.vector_store %arg12[%swap3A_920, %swap3A_921], %get3A_919 {strides = array<i32>} : memref<256x1024xf32, #tpu.memory_space<vmem>>, vector<1x1024xf32>,
      %scan3A_923 = arith.constant 90 : i32
      %get3A_924 = arith.index_cast %arg0 : i32 to index
      %get3A_925 = arith.index_cast %scan3A_923 : i32 to index
      %get3A_926 = memref.load %arg3[%get3A_924, %get3A_925] : memref<24x256xi32, #tpu.memory_space<smem>>
      %get3A_927 = arith.index_cast %get3A_926 : i32 to index
      %get3A_928 = arith.constant 0 : index
      %get3A_929 = vector.load %arg5[%get3A_927, %get3A_928] : memref<2048x1024xf32, #tpu.memory_space<vmem>>, vector<1x1024xf32>
      %swap3A_930 = arith.index_cast %scan3A_923 : i32 to index
      %swap3A_931 = arith.constant 0 : index
      %swap3A_932 = vector.load %arg12[%swap3A_930, %swap3A_931] : memref<256x1024xf32, #tpu.memory_space<vmem>>, vector<1x1024xf32>
      tpu.vector_store %arg12[%swap3A_930, %swap3A_931], %get3A_929 {strides = array<i32>} : memref<256x1024xf32, #tpu.memory_space<vmem>>, vector<1x1024xf32>,
      %scan3A_933 = arith.constant 91 : i32
      %get3A_934 = arith.index_cast %arg0 : i32 to index
      %get3A_935 = arith.index_cast %scan3A_933 : i32 to index
      %get3A_936 = memref.load %arg3[%get3A_934, %get3A_935] : memref<24x256xi32, #tpu.memory_space<smem>>
      %get3A_937 = arith.index_cast %get3A_936 : i32 to index
      %get3A_938 = arith.constant 0 : index
      %get3A_939 = vector.load %arg5[%get3A_937, %get3A_938] : memref<2048x1024xf32, #tpu.memory_space<vmem>>, vector<1x1024xf32>
      %swap3A_940 = arith.index_cast %scan3A_933 : i32 to index
      %swap3A_941 = arith.constant 0 : index
      %swap3A_942 = vector.load %arg12[%swap3A_940, %swap3A_941] : memref<256x1024xf32, #tpu.memory_space<vmem>>, vector<1x1024xf32>
      tpu.vector_store %arg12[%swap3A_940, %swap3A_941], %get3A_939 {strides = array<i32>} : memref<256x1024xf32, #tpu.memory_space<vmem>>, vector<1x1024xf32>,
      %scan3A_943 = arith.constant 92 : i32
      %get3A_944 = arith.index_cast %arg0 : i32 to index
      %get3A_945 = arith.index_cast %scan3A_943 : i32 to index
      %get3A_946 = memref.load %arg3[%get3A_944, %get3A_945] : memref<24x256xi32, #tpu.memory_space<smem>>
      %get3A_947 = arith.index_cast %get3A_946 : i32 to index
      %get3A_948 = arith.constant 0 : index
      %get3A_949 = vector.load %arg5[%get3A_947, %get3A_948] : memref<2048x1024xf32, #tpu.memory_space<vmem>>, vector<1x1024xf32>
      %swap3A_950 = arith.index_cast %scan3A_943 : i32 to index
      %swap3A_951 = arith.constant 0 : index
      %swap3A_952 = vector.load %arg12[%swap3A_950, %swap3A_951] : memref<256x1024xf32, #tpu.memory_space<vmem>>, vector<1x1024xf32>
      tpu.vector_store %arg12[%swap3A_950, %swap3A_951], %get3A_949 {strides = array<i32>} : memref<256x1024xf32, #tpu.memory_space<vmem>>, vector<1x1024xf32>,
      %scan3A_953 = arith.constant 93 : i32
      %get3A_954 = arith.index_cast %arg0 : i32 to index
      %get3A_955 = arith.index_cast %scan3A_953 : i32 to index
      %get3A_956 = memref.load %arg3[%get3A_954, %get3A_955] : memref<24x256xi32, #tpu.memory_space<smem>>
      %get3A_957 = arith.index_cast %get3A_956 : i32 to index
      %get3A_958 = arith.constant 0 : index
      %get3A_959 = vector.load %arg5[%get3A_957, %get3A_958] : memref<2048x1024xf32, #tpu.memory_space<vmem>>, vector<1x1024xf32>
      %swap3A_960 = arith.index_cast %scan3A_953 : i32 to index
      %swap3A_961 = arith.constant 0 : index
      %swap3A_962 = vector.load %arg12[%swap3A_960, %swap3A_961] : memref<256x1024xf32, #tpu.memory_space<vmem>>, vector<1x1024xf32>
      tpu.vector_store %arg12[%swap3A_960, %swap3A_961], %get3A_959 {strides = array<i32>} : memref<256x1024xf32, #tpu.memory_space<vmem>>, vector<1x1024xf32>,
      %scan3A_963 = arith.constant 94 : i32
      %get3A_964 = arith.index_cast %arg0 : i32 to index
      %get3A_965 = arith.index_cast %scan3A_963 : i32 to index
      %get3A_966 = memref.load %arg3[%get3A_964, %get3A_965] : memref<24x256xi32, #tpu.memory_space<smem>>
      %get3A_967 = arith.index_cast %get3A_966 : i32 to index
      %get3A_968 = arith.constant 0 : index
      %get3A_969 = vector.load %arg5[%get3A_967, %get3A_968] : memref<2048x1024xf32, #tpu.memory_space<vmem>>, vector<1x1024xf32>
      %swap3A_970 = arith.index_cast %scan3A_963 : i32 to index
      %swap3A_971 = arith.constant 0 : index
      %swap3A_972 = vector.load %arg12[%swap3A_970, %swap3A_971] : memref<256x1024xf32, #tpu.memory_space<vmem>>, vector<1x1024xf32>
      tpu.vector_store %arg12[%swap3A_970, %swap3A_971], %get3A_969 {strides = array<i32>} : memref<256x1024xf32, #tpu.memory_space<vmem>>, vector<1x1024xf32>,
      %scan3A_973 = arith.constant 95 : i32
      %get3A_974 = arith.index_cast %arg0 : i32 to index
      %get3A_975 = arith.index_cast %scan3A_973 : i32 to index
      %get3A_976 = memref.load %arg3[%get3A_974, %get3A_975] : memref<24x256xi32, #tpu.memory_space<smem>>
      %get3A_977 = arith.index_cast %get3A_976 : i32 to index
      %get3A_978 = arith.constant 0 : index
      %get3A_979 = vector.load %arg5[%get3A_977, %get3A_978] : memref<2048x1024xf32, #tpu.memory_space<vmem>>, vector<1x1024xf32>
      %swap3A_980 = arith.index_cast %scan3A_973 : i32 to index
      %swap3A_981 = arith.constant 0 : index
      %swap3A_982 = vector.load %arg12[%swap3A_980, %swap3A_981] : memref<256x1024xf32, #tpu.memory_space<vmem>>, vector<1x1024xf32>
      tpu.vector_store %arg12[%swap3A_980, %swap3A_981], %get3A_979 {strides = array<i32>} : memref<256x1024xf32, #tpu.memory_space<vmem>>, vector<1x1024xf32>,
      %scan3A_983 = arith.constant 96 : i32
      %get3A_984 = arith.index_cast %arg0 : i32 to index
      %get3A_985 = arith.index_cast %scan3A_983 : i32 to index
      %get3A_986 = memref.load %arg3[%get3A_984, %get3A_985] : memref<24x256xi32, #tpu.memory_space<smem>>
      %get3A_987 = arith.index_cast %get3A_986 : i32 to index
      %get3A_988 = arith.constant 0 : index
      %get3A_989 = vector.load %arg5[%get3A_987, %get3A_988] : memref<2048x1024xf32, #tpu.memory_space<vmem>>, vector<1x1024xf32>
      %swap3A_990 = arith.index_cast %scan3A_983 : i32 to index
      %swap3A_991 = arith.constant 0 : index
      %swap3A_992 = vector.load %arg12[%swap3A_990, %swap3A_991] : memref<256x1024xf32, #tpu.memory_space<vmem>>, vector<1x1024xf32>
      tpu.vector_store %arg12[%swap3A_990, %swap3A_991], %get3A_989 {strides = array<i32>} : memref<256x1024xf32, #tpu.memory_space<vmem>>, vector<1x1024xf32>,
      %scan3A_993 = arith.constant 97 : i32
      %get3A_994 = arith.index_cast %arg0 : i32 to index
      %get3A_995 = arith.index_cast %scan3A_993 : i32 to index
      %get3A_996 = memref.load %arg3[%get3A_994, %get3A_995] : memref<24x256xi32, #tpu.memory_space<smem>>
      %get3A_997 = arith.index_cast %get3A_996 : i32 to index
      %get3A_998 = arith.constant 0 : index
      %get3A_999 = vector.load %arg5[%get3A_997, %get3A_998] : memref<2048x1024xf32, #tpu.memory_space<vmem>>, vector<1x1024xf32>
      %swap3A_1000 = arith.index_cast %scan3A_993 : i32 to index
      %swap3A_1001 = arith.constant 0 : index
      %swap3A_1002 = vector.load %arg12[%swap3A_1000, %swap3A_1001] : memref<256x1024xf32, #tpu.memory_space<vmem>>, vector<1x1024xf32>
      tpu.vector_store %arg12[%swap3A_1000, %swap3A_1001], %get3A_999 {strides = array<i32>} : memref<256x1024xf32, #tpu.memory_space<vmem>>, vector<1x1024xf32>,
      %scan3A_1003 = arith.constant 98 : i32
      %get3A_1004 = arith.index_cast %arg0 : i32 to index
      %get3A_1005 = arith.index_cast %scan3A_1003 : i32 to index
      %get3A_1006 = memref.load %arg3[%get3A_1004, %get3A_1005] : memref<24x256xi32, #tpu.memory_space<smem>>
      %get3A_1007 = arith.index_cast %get3A_1006 : i32 to index
      %get3A_1008 = arith.constant 0 : index
      %get3A_1009 = vector.load %arg5[%get3A_1007, %get3A_1008] : memref<2048x1024xf32, #tpu.memory_space<vmem>>, vector<1x1024xf32>
      %swap3A_1010 = arith.index_cast %scan3A_1003 : i32 to index
      %swap3A_1011 = arith.constant 0 : index
      %swap3A_1012 = vector.load %arg12[%swap3A_1010, %swap3A_1011] : memref<256x1024xf32, #tpu.memory_space<vmem>>, vector<1x1024xf32>
      tpu.vector_store %arg12[%swap3A_1010, %swap3A_1011], %get3A_1009 {strides = array<i32>} : memref<256x1024xf32, #tpu.memory_space<vmem>>, vector<1x1024xf32>,
      %scan3A_1013 = arith.constant 99 : i32
      %get3A_1014 = arith.index_cast %arg0 : i32 to index
      %get3A_1015 = arith.index_cast %scan3A_1013 : i32 to index
      %get3A_1016 = memref.load %arg3[%get3A_1014, %get3A_1015] : memref<24x256xi32, #tpu.memory_space<smem>>
      %get3A_1017 = arith.index_cast %get3A_1016 : i32 to index
      %get3A_1018 = arith.constant 0 : index
      %get3A_1019 = vector.load %arg5[%get3A_1017, %get3A_1018] : memref<2048x1024xf32, #tpu.memory_space<vmem>>, vector<1x1024xf32>
      %swap3A_1020 = arith.index_cast %scan3A_1013 : i32 to index
      %swap3A_1021 = arith.constant 0 : index
      %swap3A_1022 = vector.load %arg12[%swap3A_1020, %swap3A_1021] : memref<256x1024xf32, #tpu.memory_space<vmem>>, vector<1x1024xf32>
      tpu.vector_store %arg12[%swap3A_1020, %swap3A_1021], %get3A_1019 {strides = array<i32>} : memref<256x1024xf32, #tpu.memory_space<vmem>>, vector<1x1024xf32>,
      %scan3A_1023 = arith.constant 100 : i32
      %get3A_1024 = arith.index_cast %arg0 : i32 to index
      %get3A_1025 = arith.index_cast %scan3A_1023 : i32 to index
      %get3A_1026 = memref.load %arg3[%get3A_1024, %get3A_1025] : memref<24x256xi32, #tpu.memory_space<smem>>
      %get3A_1027 = arith.index_cast %get3A_1026 : i32 to index
      %get3A_1028 = arith.constant 0 : index
      %get3A_1029 = vector.load %arg5[%get3A_1027, %get3A_1028] : memref<2048x1024xf32, #tpu.memory_space<vmem>>, vector<1x1024xf32>
      %swap3A_1030 = arith.index_cast %scan3A_1023 : i32 to index
      %swap3A_1031 = arith.constant 0 : index
      %swap3A_1032 = vector.load %arg12[%swap3A_1030, %swap3A_1031] : memref<256x1024xf32, #tpu.memory_space<vmem>>, vector<1x1024xf32>
      tpu.vector_store %arg12[%swap3A_1030, %swap3A_1031], %get3A_1029 {strides = array<i32>} : memref<256x1024xf32, #tpu.memory_space<vmem>>, vector<1x1024xf32>,
      %scan3A_1033 = arith.constant 101 : i32
      %get3A_1034 = arith.index_cast %arg0 : i32 to index
      %get3A_1035 = arith.index_cast %scan3A_1033 : i32 to index
      %get3A_1036 = memref.load %arg3[%get3A_1034, %get3A_1035] : memref<24x256xi32, #tpu.memory_space<smem>>
      %get3A_1037 = arith.index_cast %get3A_1036 : i32 to index
      %get3A_1038 = arith.constant 0 : index
      %get3A_1039 = vector.load %arg5[%get3A_1037, %get3A_1038] : memref<2048x1024xf32, #tpu.memory_space<vmem>>, vector<1x1024xf32>
      %swap3A_1040 = arith.index_cast %scan3A_1033 : i32 to index
      %swap3A_1041 = arith.constant 0 : index
      %swap3A_1042 = vector.load %arg12[%swap3A_1040, %swap3A_1041] : memref<256x1024xf32, #tpu.memory_space<vmem>>, vector<1x1024xf32>
      tpu.vector_store %arg12[%swap3A_1040, %swap3A_1041], %get3A_1039 {strides = array<i32>} : memref<256x1024xf32, #tpu.memory_space<vmem>>, vector<1x1024xf32>,
      %scan3A_1043 = arith.constant 102 : i32
      %get3A_1044 = arith.index_cast %arg0 : i32 to index
      %get3A_1045 = arith.index_cast %scan3A_1043 : i32 to index
      %get3A_1046 = memref.load %arg3[%get3A_1044, %get3A_1045] : memref<24x256xi32, #tpu.memory_space<smem>>
      %get3A_1047 = arith.index_cast %get3A_1046 : i32 to index
      %get3A_1048 = arith.constant 0 : index
      %get3A_1049 = vector.load %arg5[%get3A_1047, %get3A_1048] : memref<2048x1024xf32, #tpu.memory_space<vmem>>, vector<1x1024xf32>
      %swap3A_1050 = arith.index_cast %scan3A_1043 : i32 to index
      %swap3A_1051 = arith.constant 0 : index
      %swap3A_1052 = vector.load %arg12[%swap3A_1050, %swap3A_1051] : memref<256x1024xf32, #tpu.memory_space<vmem>>, vector<1x1024xf32>
      tpu.vector_store %arg12[%swap3A_1050, %swap3A_1051], %get3A_1049 {strides = array<i32>} : memref<256x1024xf32, #tpu.memory_space<vmem>>, vector<1x1024xf32>,
      %scan3A_1053 = arith.constant 103 : i32
      %get3A_1054 = arith.index_cast %arg0 : i32 to index
      %get3A_1055 = arith.index_cast %scan3A_1053 : i32 to index
      %get3A_1056 = memref.load %arg3[%get3A_1054, %get3A_1055] : memref<24x256xi32, #tpu.memory_space<smem>>
      %get3A_1057 = arith.index_cast %get3A_1056 : i32 to index
      %get3A_1058 = arith.constant 0 : index
      %get3A_1059 = vector.load %arg5[%get3A_1057, %get3A_1058] : memref<2048x1024xf32, #tpu.memory_space<vmem>>, vector<1x1024xf32>
      %swap3A_1060 = arith.index_cast %scan3A_1053 : i32 to index
      %swap3A_1061 = arith.constant 0 : index
      %swap3A_1062 = vector.load %arg12[%swap3A_1060, %swap3A_1061] : memref<256x1024xf32, #tpu.memory_space<vmem>>, vector<1x1024xf32>
      tpu.vector_store %arg12[%swap3A_1060, %swap3A_1061], %get3A_1059 {strides = array<i32>} : memref<256x1024xf32, #tpu.memory_space<vmem>>, vector<1x1024xf32>,
      %scan3A_1063 = arith.constant 104 : i32
      %get3A_1064 = arith.index_cast %arg0 : i32 to index
      %get3A_1065 = arith.index_cast %scan3A_1063 : i32 to index
      %get3A_1066 = memref.load %arg3[%get3A_1064, %get3A_1065] : memref<24x256xi32, #tpu.memory_space<smem>>
      %get3A_1067 = arith.index_cast %get3A_1066 : i32 to index
      %get3A_1068 = arith.constant 0 : index
      %get3A_1069 = vector.load %arg5[%get3A_1067, %get3A_1068] : memref<2048x1024xf32, #tpu.memory_space<vmem>>, vector<1x1024xf32>
      %swap3A_1070 = arith.index_cast %scan3A_1063 : i32 to index
      %swap3A_1071 = arith.constant 0 : index
      %swap3A_1072 = vector.load %arg12[%swap3A_1070, %swap3A_1071] : memref<256x1024xf32, #tpu.memory_space<vmem>>, vector<1x1024xf32>
      tpu.vector_store %arg12[%swap3A_1070, %swap3A_1071], %get3A_1069 {strides = array<i32>} : memref<256x1024xf32, #tpu.memory_space<vmem>>, vector<1x1024xf32>,
      %scan3A_1073 = arith.constant 105 : i32
      %get3A_1074 = arith.index_cast %arg0 : i32 to index
      %get3A_1075 = arith.index_cast %scan3A_1073 : i32 to index
      %get3A_1076 = memref.load %arg3[%get3A_1074, %get3A_1075] : memref<24x256xi32, #tpu.memory_space<smem>>
      %get3A_1077 = arith.index_cast %get3A_1076 : i32 to index
      %get3A_1078 = arith.constant 0 : index
      %get3A_1079 = vector.load %arg5[%get3A_1077, %get3A_1078] : memref<2048x1024xf32, #tpu.memory_space<vmem>>, vector<1x1024xf32>
      %swap3A_1080 = arith.index_cast %scan3A_1073 : i32 to index
      %swap3A_1081 = arith.constant 0 : index
      %swap3A_1082 = vector.load %arg12[%swap3A_1080, %swap3A_1081] : memref<256x1024xf32, #tpu.memory_space<vmem>>, vector<1x1024xf32>
      tpu.vector_store %arg12[%swap3A_1080, %swap3A_1081], %get3A_1079 {strides = array<i32>} : memref<256x1024xf32, #tpu.memory_space<vmem>>, vector<1x1024xf32>,
      %scan3A_1083 = arith.constant 106 : i32
      %get3A_1084 = arith.index_cast %arg0 : i32 to index
      %get3A_1085 = arith.index_cast %scan3A_1083 : i32 to index
      %get3A_1086 = memref.load %arg3[%get3A_1084, %get3A_1085] : memref<24x256xi32, #tpu.memory_space<smem>>
      %get3A_1087 = arith.index_cast %get3A_1086 : i32 to index
      %get3A_1088 = arith.constant 0 : index
      %get3A_1089 = vector.load %arg5[%get3A_1087, %get3A_1088] : memref<2048x1024xf32, #tpu.memory_space<vmem>>, vector<1x1024xf32>
      %swap3A_1090 = arith.index_cast %scan3A_1083 : i32 to index
      %swap3A_1091 = arith.constant 0 : index
      %swap3A_1092 = vector.load %arg12[%swap3A_1090, %swap3A_1091] : memref<256x1024xf32, #tpu.memory_space<vmem>>, vector<1x1024xf32>
      tpu.vector_store %arg12[%swap3A_1090, %swap3A_1091], %get3A_1089 {strides = array<i32>} : memref<256x1024xf32, #tpu.memory_space<vmem>>, vector<1x1024xf32>,
      %scan3A_1093 = arith.constant 107 : i32
      %get3A_1094 = arith.index_cast %arg0 : i32 to index
      %get3A_1095 = arith.index_cast %scan3A_1093 : i32 to index
      %get3A_1096 = memref.load %arg3[%get3A_1094, %get3A_1095] : memref<24x256xi32, #tpu.memory_space<smem>>
      %get3A_1097 = arith.index_cast %get3A_1096 : i32 to index
      %get3A_1098 = arith.constant 0 : index
      %get3A_1099 = vector.load %arg5[%get3A_1097, %get3A_1098] : memref<2048x1024xf32, #tpu.memory_space<vmem>>, vector<1x1024xf32>
      %swap3A_1100 = arith.index_cast %scan3A_1093 : i32 to index
      %swap3A_1101 = arith.constant 0 : index
      %swap3A_1102 = vector.load %arg12[%swap3A_1100, %swap3A_1101] : memref<256x1024xf32, #tpu.memory_space<vmem>>, vector<1x1024xf32>
      tpu.vector_store %arg12[%swap3A_1100, %swap3A_1101], %get3A_1099 {strides = array<i32>} : memref<256x1024xf32, #tpu.memory_space<vmem>>, vector<1x1024xf32>,
      %scan3A_1103 = arith.constant 108 : i32
      %get3A_1104 = arith.index_cast %arg0 : i32 to index
      %get3A_1105 = arith.index_cast %scan3A_1103 : i32 to index
      %get3A_1106 = memref.load %arg3[%get3A_1104, %get3A_1105] : memref<24x256xi32, #tpu.memory_space<smem>>
      %get3A_1107 = arith.index_cast %get3A_1106 : i32 to index
      %get3A_1108 = arith.constant 0 : index
      %get3A_1109 = vector.load %arg5[%get3A_1107, %get3A_1108] : memref<2048x1024xf32, #tpu.memory_space<vmem>>, vector<1x1024xf32>
      %swap3A_1110 = arith.index_cast %scan3A_1103 : i32 to index
      %swap3A_1111 = arith.constant 0 : index
      %swap3A_1112 = vector.load %arg12[%swap3A_1110, %swap3A_1111] : memref<256x1024xf32, #tpu.memory_space<vmem>>, vector<1x1024xf32>
      tpu.vector_store %arg12[%swap3A_1110, %swap3A_1111], %get3A_1109 {strides = array<i32>} : memref<256x1024xf32, #tpu.memory_space<vmem>>, vector<1x1024xf32>,
      %scan3A_1113 = arith.constant 109 : i32
      %get3A_1114 = arith.index_cast %arg0 : i32 to index
      %get3A_1115 = arith.index_cast %scan3A_1113 : i32 to index
      %get3A_1116 = memref.load %arg3[%get3A_1114, %get3A_1115] : memref<24x256xi32, #tpu.memory_space<smem>>
      %get3A_1117 = arith.index_cast %get3A_1116 : i32 to index
      %get3A_1118 = arith.constant 0 : index
      %get3A_1119 = vector.load %arg5[%get3A_1117, %get3A_1118] : memref<2048x1024xf32, #tpu.memory_space<vmem>>, vector<1x1024xf32>
      %swap3A_1120 = arith.index_cast %scan3A_1113 : i32 to index
      %swap3A_1121 = arith.constant 0 : index
      %swap3A_1122 = vector.load %arg12[%swap3A_1120, %swap3A_1121] : memref<256x1024xf32, #tpu.memory_space<vmem>>, vector<1x1024xf32>
      tpu.vector_store %arg12[%swap3A_1120, %swap3A_1121], %get3A_1119 {strides = array<i32>} : memref<256x1024xf32, #tpu.memory_space<vmem>>, vector<1x1024xf32>,
      %scan3A_1123 = arith.constant 110 : i32
      %get3A_1124 = arith.index_cast %arg0 : i32 to index
      %get3A_1125 = arith.index_cast %scan3A_1123 : i32 to index
      %get3A_1126 = memref.load %arg3[%get3A_1124, %get3A_1125] : memref<24x256xi32, #tpu.memory_space<smem>>
      %get3A_1127 = arith.index_cast %get3A_1126 : i32 to index
      %get3A_1128 = arith.constant 0 : index
      %get3A_1129 = vector.load %arg5[%get3A_1127, %get3A_1128] : memref<2048x1024xf32, #tpu.memory_space<vmem>>, vector<1x1024xf32>
      %swap3A_1130 = arith.index_cast %scan3A_1123 : i32 to index
      %swap3A_1131 = arith.constant 0 : index
      %swap3A_1132 = vector.load %arg12[%swap3A_1130, %swap3A_1131] : memref<256x1024xf32, #tpu.memory_space<vmem>>, vector<1x1024xf32>
      tpu.vector_store %arg12[%swap3A_1130, %swap3A_1131], %get3A_1129 {strides = array<i32>} : memref<256x1024xf32, #tpu.memory_space<vmem>>, vector<1x1024xf32>,
      %scan3A_1133 = arith.constant 111 : i32
      %get3A_1134 = arith.index_cast %arg0 : i32 to index
      %get3A_1135 = arith.index_cast %scan3A_1133 : i32 to index
      %get3A_1136 = memref.load %arg3[%get3A_1134, %get3A_1135] : memref<24x256xi32, #tpu.memory_space<smem>>
      %get3A_1137 = arith.index_cast %get3A_1136 : i32 to index
      %get3A_1138 = arith.constant 0 : index
      %get3A_1139 = vector.load %arg5[%get3A_1137, %get3A_1138] : memref<2048x1024xf32, #tpu.memory_space<vmem>>, vector<1x1024xf32>
      %swap3A_1140 = arith.index_cast %scan3A_1133 : i32 to index
      %swap3A_1141 = arith.constant 0 : index
      %swap3A_1142 = vector.load %arg12[%swap3A_1140, %swap3A_1141] : memref<256x1024xf32, #tpu.memory_space<vmem>>, vector<1x1024xf32>
      tpu.vector_store %arg12[%swap3A_1140, %swap3A_1141], %get3A_1139 {strides = array<i32>} : memref<256x1024xf32, #tpu.memory_space<vmem>>, vector<1x1024xf32>,
      %scan3A_1143 = arith.constant 112 : i32
      %get3A_1144 = arith.index_cast %arg0 : i32 to index
      %get3A_1145 = arith.index_cast %scan3A_1143 : i32 to index
      %get3A_1146 = memref.load %arg3[%get3A_1144, %get3A_1145] : memref<24x256xi32, #tpu.memory_space<smem>>
      %get3A_1147 = arith.index_cast %get3A_1146 : i32 to index
      %get3A_1148 = arith.constant 0 : index
      %get3A_1149 = vector.load %arg5[%get3A_1147, %get3A_1148] : memref<2048x1024xf32, #tpu.memory_space<vmem>>, vector<1x1024xf32>
      %swap3A_1150 = arith.index_cast %scan3A_1143 : i32 to index
      %swap3A_1151 = arith.constant 0 : index
      %swap3A_1152 = vector.load %arg12[%swap3A_1150, %swap3A_1151] : memref<256x1024xf32, #tpu.memory_space<vmem>>, vector<1x1024xf32>
      tpu.vector_store %arg12[%swap3A_1150, %swap3A_1151], %get3A_1149 {strides = array<i32>} : memref<256x1024xf32, #tpu.memory_space<vmem>>, vector<1x1024xf32>,
      %scan3A_1153 = arith.constant 113 : i32
      %get3A_1154 = arith.index_cast %arg0 : i32 to index
      %get3A_1155 = arith.index_cast %scan3A_1153 : i32 to index
      %get3A_1156 = memref.load %arg3[%get3A_1154, %get3A_1155] : memref<24x256xi32, #tpu.memory_space<smem>>
      %get3A_1157 = arith.index_cast %get3A_1156 : i32 to index
      %get3A_1158 = arith.constant 0 : index
      %get3A_1159 = vector.load %arg5[%get3A_1157, %get3A_1158] : memref<2048x1024xf32, #tpu.memory_space<vmem>>, vector<1x1024xf32>
      %swap3A_1160 = arith.index_cast %scan3A_1153 : i32 to index
      %swap3A_1161 = arith.constant 0 : index
      %swap3A_1162 = vector.load %arg12[%swap3A_1160, %swap3A_1161] : memref<256x1024xf32, #tpu.memory_space<vmem>>, vector<1x1024xf32>
      tpu.vector_store %arg12[%swap3A_1160, %swap3A_1161], %get3A_1159 {strides = array<i32>} : memref<256x1024xf32, #tpu.memory_space<vmem>>, vector<1x1024xf32>,
      %scan3A_1163 = arith.constant 114 : i32
      %get3A_1164 = arith.index_cast %arg0 : i32 to index
      %get3A_1165 = arith.index_cast %scan3A_1163 : i32 to index
      %get3A_1166 = memref.load %arg3[%get3A_1164, %get3A_1165] : memref<24x256xi32, #tpu.memory_space<smem>>
      %get3A_1167 = arith.index_cast %get3A_1166 : i32 to index
      %get3A_1168 = arith.constant 0 : index
      %get3A_1169 = vector.load %arg5[%get3A_1167, %get3A_1168] : memref<2048x1024xf32, #tpu.memory_space<vmem>>, vector<1x1024xf32>
      %swap3A_1170 = arith.index_cast %scan3A_1163 : i32 to index
      %swap3A_1171 = arith.constant 0 : index
      %swap3A_1172 = vector.load %arg12[%swap3A_1170, %swap3A_1171] : memref<256x1024xf32, #tpu.memory_space<vmem>>, vector<1x1024xf32>
      tpu.vector_store %arg12[%swap3A_1170, %swap3A_1171], %get3A_1169 {strides = array<i32>} : memref<256x1024xf32, #tpu.memory_space<vmem>>, vector<1x1024xf32>,
      %scan3A_1173 = arith.constant 115 : i32
      %get3A_1174 = arith.index_cast %arg0 : i32 to index
      %get3A_1175 = arith.index_cast %scan3A_1173 : i32 to index
      %get3A_1176 = memref.load %arg3[%get3A_1174, %get3A_1175] : memref<24x256xi32, #tpu.memory_space<smem>>
      %get3A_1177 = arith.index_cast %get3A_1176 : i32 to index
      %get3A_1178 = arith.constant 0 : index
      %get3A_1179 = vector.load %arg5[%get3A_1177, %get3A_1178] : memref<2048x1024xf32, #tpu.memory_space<vmem>>, vector<1x1024xf32>
      %swap3A_1180 = arith.index_cast %scan3A_1173 : i32 to index
      %swap3A_1181 = arith.constant 0 : index
      %swap3A_1182 = vector.load %arg12[%swap3A_1180, %swap3A_1181] : memref<256x1024xf32, #tpu.memory_space<vmem>>, vector<1x1024xf32>
      tpu.vector_store %arg12[%swap3A_1180, %swap3A_1181], %get3A_1179 {strides = array<i32>} : memref<256x1024xf32, #tpu.memory_space<vmem>>, vector<1x1024xf32>,
      %scan3A_1183 = arith.constant 116 : i32
      %get3A_1184 = arith.index_cast %arg0 : i32 to index
      %get3A_1185 = arith.index_cast %scan3A_1183 : i32 to index
      %get3A_1186 = memref.load %arg3[%get3A_1184, %get3A_1185] : memref<24x256xi32, #tpu.memory_space<smem>>
      %get3A_1187 = arith.index_cast %get3A_1186 : i32 to index
      %get3A_1188 = arith.constant 0 : index
      %get3A_1189 = vector.load %arg5[%get3A_1187, %get3A_1188] : memref<2048x1024xf32, #tpu.memory_space<vmem>>, vector<1x1024xf32>
      %swap3A_1190 = arith.index_cast %scan3A_1183 : i32 to index
      %swap3A_1191 = arith.constant 0 : index
      %swap3A_1192 = vector.load %arg12[%swap3A_1190, %swap3A_1191] : memref<256x1024xf32, #tpu.memory_space<vmem>>, vector<1x1024xf32>
      tpu.vector_store %arg12[%swap3A_1190, %swap3A_1191], %get3A_1189 {strides = array<i32>} : memref<256x1024xf32, #tpu.memory_space<vmem>>, vector<1x1024xf32>,
      %scan3A_1193 = arith.constant 117 : i32
      %get3A_1194 = arith.index_cast %arg0 : i32 to index
      %get3A_1195 = arith.index_cast %scan3A_1193 : i32 to index
      %get3A_1196 = memref.load %arg3[%get3A_1194, %get3A_1195] : memref<24x256xi32, #tpu.memory_space<smem>>
      %get3A_1197 = arith.index_cast %get3A_1196 : i32 to index
      %get3A_1198 = arith.constant 0 : index
      %get3A_1199 = vector.load %arg5[%get3A_1197, %get3A_1198] : memref<2048x1024xf32, #tpu.memory_space<vmem>>, vector<1x1024xf32>
      %swap3A_1200 = arith.index_cast %scan3A_1193 : i32 to index
      %swap3A_1201 = arith.constant 0 : index
      %swap3A_1202 = vector.load %arg12[%swap3A_1200, %swap3A_1201] : memref<256x1024xf32, #tpu.memory_space<vmem>>, vector<1x1024xf32>
      tpu.vector_store %arg12[%swap3A_1200, %swap3A_1201], %get3A_1199 {strides = array<i32>} : memref<256x1024xf32, #tpu.memory_space<vmem>>, vector<1x1024xf32>,
      %scan3A_1203 = arith.constant 118 : i32
      %get3A_1204 = arith.index_cast %arg0 : i32 to index
      %get3A_1205 = arith.index_cast %scan3A_1203 : i32 to index
      %get3A_1206 = memref.load %arg3[%get3A_1204, %get3A_1205] : memref<24x256xi32, #tpu.memory_space<smem>>
      %get3A_1207 = arith.index_cast %get3A_1206 : i32 to index
      %get3A_1208 = arith.constant 0 : index
      %get3A_1209 = vector.load %arg5[%get3A_1207, %get3A_1208] : memref<2048x1024xf32, #tpu.memory_space<vmem>>, vector<1x1024xf32>
      %swap3A_1210 = arith.index_cast %scan3A_1203 : i32 to index
      %swap3A_1211 = arith.constant 0 : index
      %swap3A_1212 = vector.load %arg12[%swap3A_1210, %swap3A_1211] : memref<256x1024xf32, #tpu.memory_space<vmem>>, vector<1x1024xf32>
      tpu.vector_store %arg12[%swap3A_1210, %swap3A_1211], %get3A_1209 {strides = array<i32>} : memref<256x1024xf32, #tpu.memory_space<vmem>>, vector<1x1024xf32>,
      %scan3A_1213 = arith.constant 119 : i32
      %get3A_1214 = arith.index_cast %arg0 : i32 to index
      %get3A_1215 = arith.index_cast %scan3A_1213 : i32 to index
      %get3A_1216 = memref.load %arg3[%get3A_1214, %get3A_1215] : memref<24x256xi32, #tpu.memory_space<smem>>
      %get3A_1217 = arith.index_cast %get3A_1216 : i32 to index
      %get3A_1218 = arith.constant 0 : index
      %get3A_1219 = vector.load %arg5[%get3A_1217, %get3A_1218] : memref<2048x1024xf32, #tpu.memory_space<vmem>>, vector<1x1024xf32>
      %swap3A_1220 = arith.index_cast %scan3A_1213 : i32 to index
      %swap3A_1221 = arith.constant 0 : index
      %swap3A_1222 = vector.load %arg12[%swap3A_1220, %swap3A_1221] : memref<256x1024xf32, #tpu.memory_space<vmem>>, vector<1x1024xf32>
      tpu.vector_store %arg12[%swap3A_1220, %swap3A_1221], %get3A_1219 {strides = array<i32>} : memref<256x1024xf32, #tpu.memory_space<vmem>>, vector<1x1024xf32>,
      %scan3A_1223 = arith.constant 120 : i32
      %get3A_1224 = arith.index_cast %arg0 : i32 to index
      %get3A_1225 = arith.index_cast %scan3A_1223 : i32 to index
      %get3A_1226 = memref.load %arg3[%get3A_1224, %get3A_1225] : memref<24x256xi32, #tpu.memory_space<smem>>
      %get3A_1227 = arith.index_cast %get3A_1226 : i32 to index
      %get3A_1228 = arith.constant 0 : index
      %get3A_1229 = vector.load %arg5[%get3A_1227, %get3A_1228] : memref<2048x1024xf32, #tpu.memory_space<vmem>>, vector<1x1024xf32>
      %swap3A_1230 = arith.index_cast %scan3A_1223 : i32 to index
      %swap3A_1231 = arith.constant 0 : index
      %swap3A_1232 = vector.load %arg12[%swap3A_1230, %swap3A_1231] : memref<256x1024xf32, #tpu.memory_space<vmem>>, vector<1x1024xf32>
      tpu.vector_store %arg12[%swap3A_1230, %swap3A_1231], %get3A_1229 {strides = array<i32>} : memref<256x1024xf32, #tpu.memory_space<vmem>>, vector<1x1024xf32>,
      %scan3A_1233 = arith.constant 121 : i32
      %get3A_1234 = arith.index_cast %arg0 : i32 to index
      %get3A_1235 = arith.index_cast %scan3A_1233 : i32 to index
      %get3A_1236 = memref.load %arg3[%get3A_1234, %get3A_1235] : memref<24x256xi32, #tpu.memory_space<smem>>
      %get3A_1237 = arith.index_cast %get3A_1236 : i32 to index
      %get3A_1238 = arith.constant 0 : index
      %get3A_1239 = vector.load %arg5[%get3A_1237, %get3A_1238] : memref<2048x1024xf32, #tpu.memory_space<vmem>>, vector<1x1024xf32>
      %swap3A_1240 = arith.index_cast %scan3A_1233 : i32 to index
      %swap3A_1241 = arith.constant 0 : index
      %swap3A_1242 = vector.load %arg12[%swap3A_1240, %swap3A_1241] : memref<256x1024xf32, #tpu.memory_space<vmem>>, vector<1x1024xf32>
      tpu.vector_store %arg12[%swap3A_1240, %swap3A_1241], %get3A_1239 {strides = array<i32>} : memref<256x1024xf32, #tpu.memory_space<vmem>>, vector<1x1024xf32>,
      %scan3A_1243 = arith.constant 122 : i32
      %get3A_1244 = arith.index_cast %arg0 : i32 to index
      %get3A_1245 = arith.index_cast %scan3A_1243 : i32 to index
      %get3A_1246 = memref.load %arg3[%get3A_1244, %get3A_1245] : memref<24x256xi32, #tpu.memory_space<smem>>
      %get3A_1247 = arith.index_cast %get3A_1246 : i32 to index
      %get3A_1248 = arith.constant 0 : index
      %get3A_1249 = vector.load %arg5[%get3A_1247, %get3A_1248] : memref<2048x1024xf32, #tpu.memory_space<vmem>>, vector<1x1024xf32>
      %swap3A_1250 = arith.index_cast %scan3A_1243 : i32 to index
      %swap3A_1251 = arith.constant 0 : index
      %swap3A_1252 = vector.load %arg12[%swap3A_1250, %swap3A_1251] : memref<256x1024xf32, #tpu.memory_space<vmem>>, vector<1x1024xf32>
      tpu.vector_store %arg12[%swap3A_1250, %swap3A_1251], %get3A_1249 {strides = array<i32>} : memref<256x1024xf32, #tpu.memory_space<vmem>>, vector<1x1024xf32>,
      %scan3A_1253 = arith.constant 123 : i32
      %get3A_1254 = arith.index_cast %arg0 : i32 to index
      %get3A_1255 = arith.index_cast %scan3A_1253 : i32 to index
      %get3A_1256 = memref.load %arg3[%get3A_1254, %get3A_1255] : memref<24x256xi32, #tpu.memory_space<smem>>
      %get3A_1257 = arith.index_cast %get3A_1256 : i32 to index
      %get3A_1258 = arith.constant 0 : index
      %get3A_1259 = vector.load %arg5[%get3A_1257, %get3A_1258] : memref<2048x1024xf32, #tpu.memory_space<vmem>>, vector<1x1024xf32>
      %swap3A_1260 = arith.index_cast %scan3A_1253 : i32 to index
      %swap3A_1261 = arith.constant 0 : index
      %swap3A_1262 = vector.load %arg12[%swap3A_1260, %swap3A_1261] : memref<256x1024xf32, #tpu.memory_space<vmem>>, vector<1x1024xf32>
      tpu.vector_store %arg12[%swap3A_1260, %swap3A_1261], %get3A_1259 {strides = array<i32>} : memref<256x1024xf32, #tpu.memory_space<vmem>>, vector<1x1024xf32>,
      %scan3A_1263 = arith.constant 124 : i32
      %get3A_1264 = arith.index_cast %arg0 : i32 to index
      %get3A_1265 = arith.index_cast %scan3A_1263 : i32 to index
      %get3A_1266 = memref.load %arg3[%get3A_1264, %get3A_1265] : memref<24x256xi32, #tpu.memory_space<smem>>
      %get3A_1267 = arith.index_cast %get3A_1266 : i32 to index
      %get3A_1268 = arith.constant 0 : index
      %get3A_1269 = vector.load %arg5[%get3A_1267, %get3A_1268] : memref<2048x1024xf32, #tpu.memory_space<vmem>>, vector<1x1024xf32>
      %swap3A_1270 = arith.index_cast %scan3A_1263 : i32 to index
      %swap3A_1271 = arith.constant 0 : index
      %swap3A_1272 = vector.load %arg12[%swap3A_1270, %swap3A_1271] : memref<256x1024xf32, #tpu.memory_space<vmem>>, vector<1x1024xf32>
      tpu.vector_store %arg12[%swap3A_1270, %swap3A_1271], %get3A_1269 {strides = array<i32>} : memref<256x1024xf32, #tpu.memory_space<vmem>>, vector<1x1024xf32>,
      %scan3A_1273 = arith.constant 125 : i32
      %get3A_1274 = arith.index_cast %arg0 : i32 to index
      %get3A_1275 = arith.index_cast %scan3A_1273 : i32 to index
      %get3A_1276 = memref.load %arg3[%get3A_1274, %get3A_1275] : memref<24x256xi32, #tpu.memory_space<smem>>
      %get3A_1277 = arith.index_cast %get3A_1276 : i32 to index
      %get3A_1278 = arith.constant 0 : index
      %get3A_1279 = vector.load %arg5[%get3A_1277, %get3A_1278] : memref<2048x1024xf32, #tpu.memory_space<vmem>>, vector<1x1024xf32>
      %swap3A_1280 = arith.index_cast %scan3A_1273 : i32 to index
      %swap3A_1281 = arith.constant 0 : index
      %swap3A_1282 = vector.load %arg12[%swap3A_1280, %swap3A_1281] : memref<256x1024xf32, #tpu.memory_space<vmem>>, vector<1x1024xf32>
      tpu.vector_store %arg12[%swap3A_1280, %swap3A_1281], %get3A_1279 {strides = array<i32>} : memref<256x1024xf32, #tpu.memory_space<vmem>>, vector<1x1024xf32>,
      %scan3A_1283 = arith.constant 126 : i32
      %get3A_1284 = arith.index_cast %arg0 : i32 to index
      %get3A_1285 = arith.index_cast %scan3A_1283 : i32 to index
      %get3A_1286 = memref.load %arg3[%get3A_1284, %get3A_1285] : memref<24x256xi32, #tpu.memory_space<smem>>
      %get3A_1287 = arith.index_cast %get3A_1286 : i32 to index
      %get3A_1288 = arith.constant 0 : index
      %get3A_1289 = vector.load %arg5[%get3A_1287, %get3A_1288] : memref<2048x1024xf32, #tpu.memory_space<vmem>>, vector<1x1024xf32>
      %swap3A_1290 = arith.index_cast %scan3A_1283 : i32 to index
      %swap3A_1291 = arith.constant 0 : index
      %swap3A_1292 = vector.load %arg12[%swap3A_1290, %swap3A_1291] : memref<256x1024xf32, #tpu.memory_space<vmem>>, vector<1x1024xf32>
      tpu.vector_store %arg12[%swap3A_1290, %swap3A_1291], %get3A_1289 {strides = array<i32>} : memref<256x1024xf32, #tpu.memory_space<vmem>>, vector<1x1024xf32>,
      %scan3A_1293 = arith.constant 127 : i32
      %get3A_1294 = arith.index_cast %arg0 : i32 to index
      %get3A_1295 = arith.index_cast %scan3A_1293 : i32 to index
      %get3A_1296 = memref.load %arg3[%get3A_1294, %get3A_1295] : memref<24x256xi32, #tpu.memory_space<smem>>
      %get3A_1297 = arith.index_cast %get3A_1296 : i32 to index
      %get3A_1298 = arith.constant 0 : index
      %get3A_1299 = vector.load %arg5[%get3A_1297, %get3A_1298] : memref<2048x1024xf32, #tpu.memory_space<vmem>>, vector<1x1024xf32>
      %swap3A_1300 = arith.index_cast %scan3A_1293 : i32 to index
      %swap3A_1301 = arith.constant 0 : index
      %swap3A_1302 = vector.load %arg12[%swap3A_1300, %swap3A_1301] : memref<256x1024xf32, #tpu.memory_space<vmem>>, vector<1x1024xf32>
      tpu.vector_store %arg12[%swap3A_1300, %swap3A_1301], %get3A_1299 {strides = array<i32>} : memref<256x1024xf32, #tpu.memory_space<vmem>>, vector<1x1024xf32>,
      %scan3A_1303 = arith.constant 128 : i32
      %get3A_1304 = arith.index_cast %arg0 : i32 to index
      %get3A_1305 = arith.index_cast %scan3A_1303 : i32 to index
      %get3A_1306 = memref.load %arg3[%get3A_1304, %get3A_1305] : memref<24x256xi32, #tpu.memory_space<smem>>
      %get3A_1307 = arith.index_cast %get3A_1306 : i32 to index
      %get3A_1308 = arith.constant 0 : index
      %get3A_1309 = vector.load %arg5[%get3A_1307, %get3A_1308] : memref<2048x1024xf32, #tpu.memory_space<vmem>>, vector<1x1024xf32>
      %swap3A_1310 = arith.index_cast %scan3A_1303 : i32 to index
      %swap3A_1311 = arith.constant 0 : index
      %swap3A_1312 = vector.load %arg12[%swap3A_1310, %swap3A_1311] : memref<256x1024xf32, #tpu.memory_space<vmem>>, vector<1x1024xf32>
      tpu.vector_store %arg12[%swap3A_1310, %swap3A_1311], %get3A_1309 {strides = array<i32>} : memref<256x1024xf32, #tpu.memory_space<vmem>>, vector<1x1024xf32>,
      %scan3A_1313 = arith.constant 129 : i32
      %get3A_1314 = arith.index_cast %arg0 : i32 to index
      %get3A_1315 = arith.index_cast %scan3A_1313 : i32 to index
      %get3A_1316 = memref.load %arg3[%get3A_1314, %get3A_1315] : memref<24x256xi32, #tpu.memory_space<smem>>
      %get3A_1317 = arith.index_cast %get3A_1316 : i32 to index
      %get3A_1318 = arith.constant 0 : index
      %get3A_1319 = vector.load %arg5[%get3A_1317, %get3A_1318] : memref<2048x1024xf32, #tpu.memory_space<vmem>>, vector<1x1024xf32>
      %swap3A_1320 = arith.index_cast %scan3A_1313 : i32 to index
      %swap3A_1321 = arith.constant 0 : index
      %swap3A_1322 = vector.load %arg12[%swap3A_1320, %swap3A_1321] : memref<256x1024xf32, #tpu.memory_space<vmem>>, vector<1x1024xf32>
      tpu.vector_store %arg12[%swap3A_1320, %swap3A_1321], %get3A_1319 {strides = array<i32>} : memref<256x1024xf32, #tpu.memory_space<vmem>>, vector<1x1024xf32>,
      %scan3A_1323 = arith.constant 130 : i32
      %get3A_1324 = arith.index_cast %arg0 : i32 to index
      %get3A_1325 = arith.index_cast %scan3A_1323 : i32 to index
      %get3A_1326 = memref.load %arg3[%get3A_1324, %get3A_1325] : memref<24x256xi32, #tpu.memory_space<smem>>
      %get3A_1327 = arith.index_cast %get3A_1326 : i32 to index
      %get3A_1328 = arith.constant 0 : index
      %get3A_1329 = vector.load %arg5[%get3A_1327, %get3A_1328] : memref<2048x1024xf32, #tpu.memory_space<vmem>>, vector<1x1024xf32>
      %swap3A_1330 = arith.index_cast %scan3A_1323 : i32 to index
      %swap3A_1331 = arith.constant 0 : index
      %swap3A_1332 = vector.load %arg12[%swap3A_1330, %swap3A_1331] : memref<256x1024xf32, #tpu.memory_space<vmem>>, vector<1x1024xf32>
      tpu.vector_store %arg12[%swap3A_1330, %swap3A_1331], %get3A_1329 {strides = array<i32>} : memref<256x1024xf32, #tpu.memory_space<vmem>>, vector<1x1024xf32>,
      %scan3A_1333 = arith.constant 131 : i32
      %get3A_1334 = arith.index_cast %arg0 : i32 to index
      %get3A_1335 = arith.index_cast %scan3A_1333 : i32 to index
      %get3A_1336 = memref.load %arg3[%get3A_1334, %get3A_1335] : memref<24x256xi32, #tpu.memory_space<smem>>
      %get3A_1337 = arith.index_cast %get3A_1336 : i32 to index
      %get3A_1338 = arith.constant 0 : index
      %get3A_1339 = vector.load %arg5[%get3A_1337, %get3A_1338] : memref<2048x1024xf32, #tpu.memory_space<vmem>>, vector<1x1024xf32>
      %swap3A_1340 = arith.index_cast %scan3A_1333 : i32 to index
      %swap3A_1341 = arith.constant 0 : index
      %swap3A_1342 = vector.load %arg12[%swap3A_1340, %swap3A_1341] : memref<256x1024xf32, #tpu.memory_space<vmem>>, vector<1x1024xf32>
      tpu.vector_store %arg12[%swap3A_1340, %swap3A_1341], %get3A_1339 {strides = array<i32>} : memref<256x1024xf32, #tpu.memory_space<vmem>>, vector<1x1024xf32>,
      %scan3A_1343 = arith.constant 132 : i32
      %get3A_1344 = arith.index_cast %arg0 : i32 to index
      %get3A_1345 = arith.index_cast %scan3A_1343 : i32 to index
      %get3A_1346 = memref.load %arg3[%get3A_1344, %get3A_1345] : memref<24x256xi32, #tpu.memory_space<smem>>
      %get3A_1347 = arith.index_cast %get3A_1346 : i32 to index
      %get3A_1348 = arith.constant 0 : index
      %get3A_1349 = vector.load %arg5[%get3A_1347, %get3A_1348] : memref<2048x1024xf32, #tpu.memory_space<vmem>>, vector<1x1024xf32>
      %swap3A_1350 = arith.index_cast %scan3A_1343 : i32 to index
      %swap3A_1351 = arith.constant 0 : index
      %swap3A_1352 = vector.load %arg12[%swap3A_1350, %swap3A_1351] : memref<256x1024xf32, #tpu.memory_space<vmem>>, vector<1x1024xf32>
      tpu.vector_store %arg12[%swap3A_1350, %swap3A_1351], %get3A_1349 {strides = array<i32>} : memref<256x1024xf32, #tpu.memory_space<vmem>>, vector<1x1024xf32>,
      %scan3A_1353 = arith.constant 133 : i32
      %get3A_1354 = arith.index_cast %arg0 : i32 to index
      %get3A_1355 = arith.index_cast %scan3A_1353 : i32 to index
      %get3A_1356 = memref.load %arg3[%get3A_1354, %get3A_1355] : memref<24x256xi32, #tpu.memory_space<smem>>
      %get3A_1357 = arith.index_cast %get3A_1356 : i32 to index
      %get3A_1358 = arith.constant 0 : index
      %get3A_1359 = vector.load %arg5[%get3A_1357, %get3A_1358] : memref<2048x1024xf32, #tpu.memory_space<vmem>>, vector<1x1024xf32>
      %swap3A_1360 = arith.index_cast %scan3A_1353 : i32 to index
      %swap3A_1361 = arith.constant 0 : index
      %swap3A_1362 = vector.load %arg12[%swap3A_1360, %swap3A_1361] : memref<256x1024xf32, #tpu.memory_space<vmem>>, vector<1x1024xf32>
      tpu.vector_store %arg12[%swap3A_1360, %swap3A_1361], %get3A_1359 {strides = array<i32>} : memref<256x1024xf32, #tpu.memory_space<vmem>>, vector<1x1024xf32>,
      %scan3A_1363 = arith.constant 134 : i32
      %get3A_1364 = arith.index_cast %arg0 : i32 to index
      %get3A_1365 = arith.index_cast %scan3A_1363 : i32 to index
      %get3A_1366 = memref.load %arg3[%get3A_1364, %get3A_1365] : memref<24x256xi32, #tpu.memory_space<smem>>
      %get3A_1367 = arith.index_cast %get3A_1366 : i32 to index
      %get3A_1368 = arith.constant 0 : index
      %get3A_1369 = vector.load %arg5[%get3A_1367, %get3A_1368] : memref<2048x1024xf32, #tpu.memory_space<vmem>>, vector<1x1024xf32>
      %swap3A_1370 = arith.index_cast %scan3A_1363 : i32 to index
      %swap3A_1371 = arith.constant 0 : index
      %swap3A_1372 = vector.load %arg12[%swap3A_1370, %swap3A_1371] : memref<256x1024xf32, #tpu.memory_space<vmem>>, vector<1x1024xf32>
      tpu.vector_store %arg12[%swap3A_1370, %swap3A_1371], %get3A_1369 {strides = array<i32>} : memref<256x1024xf32, #tpu.memory_space<vmem>>, vector<1x1024xf32>,
      %scan3A_1373 = arith.constant 135 : i32
      %get3A_1374 = arith.index_cast %arg0 : i32 to index
      %get3A_1375 = arith.index_cast %scan3A_1373 : i32 to index
      %get3A_1376 = memref.load %arg3[%get3A_1374, %get3A_1375] : memref<24x256xi32, #tpu.memory_space<smem>>
      %get3A_1377 = arith.index_cast %get3A_1376 : i32 to index
      %get3A_1378 = arith.constant 0 : index
      %get3A_1379 = vector.load %arg5[%get3A_1377, %get3A_1378] : memref<2048x1024xf32, #tpu.memory_space<vmem>>, vector<1x1024xf32>
      %swap3A_1380 = arith.index_cast %scan3A_1373 : i32 to index
      %swap3A_1381 = arith.constant 0 : index
      %swap3A_1382 = vector.load %arg12[%swap3A_1380, %swap3A_1381] : memref<256x1024xf32, #tpu.memory_space<vmem>>, vector<1x1024xf32>
      tpu.vector_store %arg12[%swap3A_1380, %swap3A_1381], %get3A_1379 {strides = array<i32>} : memref<256x1024xf32, #tpu.memory_space<vmem>>, vector<1x1024xf32>,
      %scan3A_1383 = arith.constant 136 : i32
      %get3A_1384 = arith.index_cast %arg0 : i32 to index
      %get3A_1385 = arith.index_cast %scan3A_1383 : i32 to index
      %get3A_1386 = memref.load %arg3[%get3A_1384, %get3A_1385] : memref<24x256xi32, #tpu.memory_space<smem>>
      %get3A_1387 = arith.index_cast %get3A_1386 : i32 to index
      %get3A_1388 = arith.constant 0 : index
      %get3A_1389 = vector.load %arg5[%get3A_1387, %get3A_1388] : memref<2048x1024xf32, #tpu.memory_space<vmem>>, vector<1x1024xf32>
      %swap3A_1390 = arith.index_cast %scan3A_1383 : i32 to index
      %swap3A_1391 = arith.constant 0 : index
      %swap3A_1392 = vector.load %arg12[%swap3A_1390, %swap3A_1391] : memref<256x1024xf32, #tpu.memory_space<vmem>>, vector<1x1024xf32>
      tpu.vector_store %arg12[%swap3A_1390, %swap3A_1391], %get3A_1389 {strides = array<i32>} : memref<256x1024xf32, #tpu.memory_space<vmem>>, vector<1x1024xf32>,
      %scan3A_1393 = arith.constant 137 : i32
      %get3A_1394 = arith.index_cast %arg0 : i32 to index
      %get3A_1395 = arith.index_cast %scan3A_1393 : i32 to index
      %get3A_1396 = memref.load %arg3[%get3A_1394, %get3A_1395] : memref<24x256xi32, #tpu.memory_space<smem>>
      %get3A_1397 = arith.index_cast %get3A_1396 : i32 to index
      %get3A_1398 = arith.constant 0 : index
      %get3A_1399 = vector.load %arg5[%get3A_1397, %get3A_1398] : memref<2048x1024xf32, #tpu.memory_space<vmem>>, vector<1x1024xf32>
      %swap3A_1400 = arith.index_cast %scan3A_1393 : i32 to index
      %swap3A_1401 = arith.constant 0 : index
      %swap3A_1402 = vector.load %arg12[%swap3A_1400, %swap3A_1401] : memref<256x1024xf32, #tpu.memory_space<vmem>>, vector<1x1024xf32>
      tpu.vector_store %arg12[%swap3A_1400, %swap3A_1401], %get3A_1399 {strides = array<i32>} : memref<256x1024xf32, #tpu.memory_space<vmem>>, vector<1x1024xf32>,
      %scan3A_1403 = arith.constant 138 : i32
      %get3A_1404 = arith.index_cast %arg0 : i32 to index
      %get3A_1405 = arith.index_cast %scan3A_1403 : i32 to index
      %get3A_1406 = memref.load %arg3[%get3A_1404, %get3A_1405] : memref<24x256xi32, #tpu.memory_space<smem>>
      %get3A_1407 = arith.index_cast %get3A_1406 : i32 to index
      %get3A_1408 = arith.constant 0 : index
      %get3A_1409 = vector.load %arg5[%get3A_1407, %get3A_1408] : memref<2048x1024xf32, #tpu.memory_space<vmem>>, vector<1x1024xf32>
      %swap3A_1410 = arith.index_cast %scan3A_1403 : i32 to index
      %swap3A_1411 = arith.constant 0 : index
      %swap3A_1412 = vector.load %arg12[%swap3A_1410, %swap3A_1411] : memref<256x1024xf32, #tpu.memory_space<vmem>>, vector<1x1024xf32>
      tpu.vector_store %arg12[%swap3A_1410, %swap3A_1411], %get3A_1409 {strides = array<i32>} : memref<256x1024xf32, #tpu.memory_space<vmem>>, vector<1x1024xf32>,
      %scan3A_1413 = arith.constant 139 : i32
      %get3A_1414 = arith.index_cast %arg0 : i32 to index
      %get3A_1415 = arith.index_cast %scan3A_1413 : i32 to index
      %get3A_1416 = memref.load %arg3[%get3A_1414, %get3A_1415] : memref<24x256xi32, #tpu.memory_space<smem>>
      %get3A_1417 = arith.index_cast %get3A_1416 : i32 to index
      %get3A_1418 = arith.constant 0 : index
      %get3A_1419 = vector.load %arg5[%get3A_1417, %get3A_1418] : memref<2048x1024xf32, #tpu.memory_space<vmem>>, vector<1x1024xf32>
      %swap3A_1420 = arith.index_cast %scan3A_1413 : i32 to index
      %swap3A_1421 = arith.constant 0 : index
      %swap3A_1422 = vector.load %arg12[%swap3A_1420, %swap3A_1421] : memref<256x1024xf32, #tpu.memory_space<vmem>>, vector<1x1024xf32>
      tpu.vector_store %arg12[%swap3A_1420, %swap3A_1421], %get3A_1419 {strides = array<i32>} : memref<256x1024xf32, #tpu.memory_space<vmem>>, vector<1x1024xf32>,
      %scan3A_1423 = arith.constant 140 : i32
      %get3A_1424 = arith.index_cast %arg0 : i32 to index
      %get3A_1425 = arith.index_cast %scan3A_1423 : i32 to index
      %get3A_1426 = memref.load %arg3[%get3A_1424, %get3A_1425] : memref<24x256xi32, #tpu.memory_space<smem>>
      %get3A_1427 = arith.index_cast %get3A_1426 : i32 to index
      %get3A_1428 = arith.constant 0 : index
      %get3A_1429 = vector.load %arg5[%get3A_1427, %get3A_1428] : memref<2048x1024xf32, #tpu.memory_space<vmem>>, vector<1x1024xf32>
      %swap3A_1430 = arith.index_cast %scan3A_1423 : i32 to index
      %swap3A_1431 = arith.constant 0 : index
      %swap3A_1432 = vector.load %arg12[%swap3A_1430, %swap3A_1431] : memref<256x1024xf32, #tpu.memory_space<vmem>>, vector<1x1024xf32>
      tpu.vector_store %arg12[%swap3A_1430, %swap3A_1431], %get3A_1429 {strides = array<i32>} : memref<256x1024xf32, #tpu.memory_space<vmem>>, vector<1x1024xf32>,
      %scan3A_1433 = arith.constant 141 : i32
      %get3A_1434 = arith.index_cast %arg0 : i32 to index
      %get3A_1435 = arith.index_cast %scan3A_1433 : i32 to index
      %get3A_1436 = memref.load %arg3[%get3A_1434, %get3A_1435] : memref<24x256xi32, #tpu.memory_space<smem>>
      %get3A_1437 = arith.index_cast %get3A_1436 : i32 to index
      %get3A_1438 = arith.constant 0 : index
      %get3A_1439 = vector.load %arg5[%get3A_1437, %get3A_1438] : memref<2048x1024xf32, #tpu.memory_space<vmem>>, vector<1x1024xf32>
      %swap3A_1440 = arith.index_cast %scan3A_1433 : i32 to index
      %swap3A_1441 = arith.constant 0 : index
      %swap3A_1442 = vector.load %arg12[%swap3A_1440, %swap3A_1441] : memref<256x1024xf32, #tpu.memory_space<vmem>>, vector<1x1024xf32>
      tpu.vector_store %arg12[%swap3A_1440, %swap3A_1441], %get3A_1439 {strides = array<i32>} : memref<256x1024xf32, #tpu.memory_space<vmem>>, vector<1x1024xf32>,
      %scan3A_1443 = arith.constant 142 : i32
      %get3A_1444 = arith.index_cast %arg0 : i32 to index
      %get3A_1445 = arith.index_cast %scan3A_1443 : i32 to index
      %get3A_1446 = memref.load %arg3[%get3A_1444, %get3A_1445] : memref<24x256xi32, #tpu.memory_space<smem>>
      %get3A_1447 = arith.index_cast %get3A_1446 : i32 to index
      %get3A_1448 = arith.constant 0 : index
      %get3A_1449 = vector.load %arg5[%get3A_1447, %get3A_1448] : memref<2048x1024xf32, #tpu.memory_space<vmem>>, vector<1x1024xf32>
      %swap3A_1450 = arith.index_cast %scan3A_1443 : i32 to index
      %swap3A_1451 = arith.constant 0 : index
      %swap3A_1452 = vector.load %arg12[%swap3A_1450, %swap3A_1451] : memref<256x1024xf32, #tpu.memory_space<vmem>>, vector<1x1024xf32>
      tpu.vector_store %arg12[%swap3A_1450, %swap3A_1451], %get3A_1449 {strides = array<i32>} : memref<256x1024xf32, #tpu.memory_space<vmem>>, vector<1x1024xf32>,
      %scan3A_1453 = arith.constant 143 : i32
      %get3A_1454 = arith.index_cast %arg0 : i32 to index
      %get3A_1455 = arith.index_cast %scan3A_1453 : i32 to index
      %get3A_1456 = memref.load %arg3[%get3A_1454, %get3A_1455] : memref<24x256xi32, #tpu.memory_space<smem>>
      %get3A_1457 = arith.index_cast %get3A_1456 : i32 to index
      %get3A_1458 = arith.constant 0 : index
      %get3A_1459 = vector.load %arg5[%get3A_1457, %get3A_1458] : memref<2048x1024xf32, #tpu.memory_space<vmem>>, vector<1x1024xf32>
      %swap3A_1460 = arith.index_cast %scan3A_1453 : i32 to index
      %swap3A_1461 = arith.constant 0 : index
      %swap3A_1462 = vector.load %arg12[%swap3A_1460, %swap3A_1461] : memref<256x1024xf32, #tpu.memory_space<vmem>>, vector<1x1024xf32>
      tpu.vector_store %arg12[%swap3A_1460, %swap3A_1461], %get3A_1459 {strides = array<i32>} : memref<256x1024xf32, #tpu.memory_space<vmem>>, vector<1x1024xf32>,
      %scan3A_1463 = arith.constant 144 : i32
      %get3A_1464 = arith.index_cast %arg0 : i32 to index
      %get3A_1465 = arith.index_cast %scan3A_1463 : i32 to index
      %get3A_1466 = memref.load %arg3[%get3A_1464, %get3A_1465] : memref<24x256xi32, #tpu.memory_space<smem>>
      %get3A_1467 = arith.index_cast %get3A_1466 : i32 to index
      %get3A_1468 = arith.constant 0 : index
      %get3A_1469 = vector.load %arg5[%get3A_1467, %get3A_1468] : memref<2048x1024xf32, #tpu.memory_space<vmem>>, vector<1x1024xf32>
      %swap3A_1470 = arith.index_cast %scan3A_1463 : i32 to index
      %swap3A_1471 = arith.constant 0 : index
      %swap3A_1472 = vector.load %arg12[%swap3A_1470, %swap3A_1471] : memref<256x1024xf32, #tpu.memory_space<vmem>>, vector<1x1024xf32>
      tpu.vector_store %arg12[%swap3A_1470, %swap3A_1471], %get3A_1469 {strides = array<i32>} : memref<256x1024xf32, #tpu.memory_space<vmem>>, vector<1x1024xf32>,
      %scan3A_1473 = arith.constant 145 : i32
      %get3A_1474 = arith.index_cast %arg0 : i32 to index
      %get3A_1475 = arith.index_cast %scan3A_1473 : i32 to index
      %get3A_1476 = memref.load %arg3[%get3A_1474, %get3A_1475] : memref<24x256xi32, #tpu.memory_space<smem>>
      %get3A_1477 = arith.index_cast %get3A_1476 : i32 to index
      %get3A_1478 = arith.constant 0 : index
      %get3A_1479 = vector.load %arg5[%get3A_1477, %get3A_1478] : memref<2048x1024xf32, #tpu.memory_space<vmem>>, vector<1x1024xf32>
      %swap3A_1480 = arith.index_cast %scan3A_1473 : i32 to index
      %swap3A_1481 = arith.constant 0 : index
      %swap3A_1482 = vector.load %arg12[%swap3A_1480, %swap3A_1481] : memref<256x1024xf32, #tpu.memory_space<vmem>>, vector<1x1024xf32>
      tpu.vector_store %arg12[%swap3A_1480, %swap3A_1481], %get3A_1479 {strides = array<i32>} : memref<256x1024xf32, #tpu.memory_space<vmem>>, vector<1x1024xf32>,
      %scan3A_1483 = arith.constant 146 : i32
      %get3A_1484 = arith.index_cast %arg0 : i32 to index
      %get3A_1485 = arith.index_cast %scan3A_1483 : i32 to index
      %get3A_1486 = memref.load %arg3[%get3A_1484, %get3A_1485] : memref<24x256xi32, #tpu.memory_space<smem>>
      %get3A_1487 = arith.index_cast %get3A_1486 : i32 to index
      %get3A_1488 = arith.constant 0 : index
      %get3A_1489 = vector.load %arg5[%get3A_1487, %get3A_1488] : memref<2048x1024xf32, #tpu.memory_space<vmem>>, vector<1x1024xf32>
      %swap3A_1490 = arith.index_cast %scan3A_1483 : i32 to index
      %swap3A_1491 = arith.constant 0 : index
      %swap3A_1492 = vector.load %arg12[%swap3A_1490, %swap3A_1491] : memref<256x1024xf32, #tpu.memory_space<vmem>>, vector<1x1024xf32>
      tpu.vector_store %arg12[%swap3A_1490, %swap3A_1491], %get3A_1489 {strides = array<i32>} : memref<256x1024xf32, #tpu.memory_space<vmem>>, vector<1x1024xf32>,
      %scan3A_1493 = arith.constant 147 : i32
      %get3A_1494 = arith.index_cast %arg0 : i32 to index
      %get3A_1495 = arith.index_cast %scan3A_1493 : i32 to index
      %get3A_1496 = memref.load %arg3[%get3A_1494, %get3A_1495] : memref<24x256xi32, #tpu.memory_space<smem>>
      %get3A_1497 = arith.index_cast %get3A_1496 : i32 to index
      %get3A_1498 = arith.constant 0 : index
      %get3A_1499 = vector.load %arg5[%get3A_1497, %get3A_1498] : memref<2048x1024xf32, #tpu.memory_space<vmem>>, vector<1x1024xf32>
      %swap3A_1500 = arith.index_cast %scan3A_1493 : i32 to index
      %swap3A_1501 = arith.constant 0 : index
      %swap3A_1502 = vector.load %arg12[%swap3A_1500, %swap3A_1501] : memref<256x1024xf32, #tpu.memory_space<vmem>>, vector<1x1024xf32>
      tpu.vector_store %arg12[%swap3A_1500, %swap3A_1501], %get3A_1499 {strides = array<i32>} : memref<256x1024xf32, #tpu.memory_space<vmem>>, vector<1x1024xf32>,
      %scan3A_1503 = arith.constant 148 : i32
      %get3A_1504 = arith.index_cast %arg0 : i32 to index
      %get3A_1505 = arith.index_cast %scan3A_1503 : i32 to index
      %get3A_1506 = memref.load %arg3[%get3A_1504, %get3A_1505] : memref<24x256xi32, #tpu.memory_space<smem>>
      %get3A_1507 = arith.index_cast %get3A_1506 : i32 to index
      %get3A_1508 = arith.constant 0 : index
      %get3A_1509 = vector.load %arg5[%get3A_1507, %get3A_1508] : memref<2048x1024xf32, #tpu.memory_space<vmem>>, vector<1x1024xf32>
      %swap3A_1510 = arith.index_cast %scan3A_1503 : i32 to index
      %swap3A_1511 = arith.constant 0 : index
      %swap3A_1512 = vector.load %arg12[%swap3A_1510, %swap3A_1511] : memref<256x1024xf32, #tpu.memory_space<vmem>>, vector<1x1024xf32>
      tpu.vector_store %arg12[%swap3A_1510, %swap3A_1511], %get3A_1509 {strides = array<i32>} : memref<256x1024xf32, #tpu.memory_space<vmem>>, vector<1x1024xf32>,
      %scan3A_1513 = arith.constant 149 : i32
      %get3A_1514 = arith.index_cast %arg0 : i32 to index
      %get3A_1515 = arith.index_cast %scan3A_1513 : i32 to index
      %get3A_1516 = memref.load %arg3[%get3A_1514, %get3A_1515] : memref<24x256xi32, #tpu.memory_space<smem>>
      %get3A_1517 = arith.index_cast %get3A_1516 : i32 to index
      %get3A_1518 = arith.constant 0 : index
      %get3A_1519 = vector.load %arg5[%get3A_1517, %get3A_1518] : memref<2048x1024xf32, #tpu.memory_space<vmem>>, vector<1x1024xf32>
      %swap3A_1520 = arith.index_cast %scan3A_1513 : i32 to index
      %swap3A_1521 = arith.constant 0 : index
      %swap3A_1522 = vector.load %arg12[%swap3A_1520, %swap3A_1521] : memref<256x1024xf32, #tpu.memory_space<vmem>>, vector<1x1024xf32>
      tpu.vector_store %arg12[%swap3A_1520, %swap3A_1521], %get3A_1519 {strides = array<i32>} : memref<256x1024xf32, #tpu.memory_space<vmem>>, vector<1x1024xf32>,
      %scan3A_1523 = arith.constant 150 : i32
      %get3A_1524 = arith.index_cast %arg0 : i32 to index
      %get3A_1525 = arith.index_cast %scan3A_1523 : i32 to index
      %get3A_1526 = memref.load %arg3[%get3A_1524, %get3A_1525] : memref<24x256xi32, #tpu.memory_space<smem>>
      %get3A_1527 = arith.index_cast %get3A_1526 : i32 to index
      %get3A_1528 = arith.constant 0 : index
      %get3A_1529 = vector.load %arg5[%get3A_1527, %get3A_1528] : memref<2048x1024xf32, #tpu.memory_space<vmem>>, vector<1x1024xf32>
      %swap3A_1530 = arith.index_cast %scan3A_1523 : i32 to index
      %swap3A_1531 = arith.constant 0 : index
      %swap3A_1532 = vector.load %arg12[%swap3A_1530, %swap3A_1531] : memref<256x1024xf32, #tpu.memory_space<vmem>>, vector<1x1024xf32>
      tpu.vector_store %arg12[%swap3A_1530, %swap3A_1531], %get3A_1529 {strides = array<i32>} : memref<256x1024xf32, #tpu.memory_space<vmem>>, vector<1x1024xf32>,
      %scan3A_1533 = arith.constant 151 : i32
      %get3A_1534 = arith.index_cast %arg0 : i32 to index
      %get3A_1535 = arith.index_cast %scan3A_1533 : i32 to index
      %get3A_1536 = memref.load %arg3[%get3A_1534, %get3A_1535] : memref<24x256xi32, #tpu.memory_space<smem>>
      %get3A_1537 = arith.index_cast %get3A_1536 : i32 to index
      %get3A_1538 = arith.constant 0 : index
      %get3A_1539 = vector.load %arg5[%get3A_1537, %get3A_1538] : memref<2048x1024xf32, #tpu.memory_space<vmem>>, vector<1x1024xf32>
      %swap3A_1540 = arith.index_cast %scan3A_1533 : i32 to index
      %swap3A_1541 = arith.constant 0 : index
      %swap3A_1542 = vector.load %arg12[%swap3A_1540, %swap3A_1541] : memref<256x1024xf32, #tpu.memory_space<vmem>>, vector<1x1024xf32>
      tpu.vector_store %arg12[%swap3A_1540, %swap3A_1541], %get3A_1539 {strides = array<i32>} : memref<256x1024xf32, #tpu.memory_space<vmem>>, vector<1x1024xf32>,
      %scan3A_1543 = arith.constant 152 : i32
      %get3A_1544 = arith.index_cast %arg0 : i32 to index
      %get3A_1545 = arith.index_cast %scan3A_1543 : i32 to index
      %get3A_1546 = memref.load %arg3[%get3A_1544, %get3A_1545] : memref<24x256xi32, #tpu.memory_space<smem>>
      %get3A_1547 = arith.index_cast %get3A_1546 : i32 to index
      %get3A_1548 = arith.constant 0 : index
      %get3A_1549 = vector.load %arg5[%get3A_1547, %get3A_1548] : memref<2048x1024xf32, #tpu.memory_space<vmem>>, vector<1x1024xf32>
      %swap3A_1550 = arith.index_cast %scan3A_1543 : i32 to index
      %swap3A_1551 = arith.constant 0 : index
      %swap3A_1552 = vector.load %arg12[%swap3A_1550, %swap3A_1551] : memref<256x1024xf32, #tpu.memory_space<vmem>>, vector<1x1024xf32>
      tpu.vector_store %arg12[%swap3A_1550, %swap3A_1551], %get3A_1549 {strides = array<i32>} : memref<256x1024xf32, #tpu.memory_space<vmem>>, vector<1x1024xf32>,
      %scan3A_1553 = arith.constant 153 : i32
      %get3A_1554 = arith.index_cast %arg0 : i32 to index
      %get3A_1555 = arith.index_cast %scan3A_1553 : i32 to index
      %get3A_1556 = memref.load %arg3[%get3A_1554, %get3A_1555] : memref<24x256xi32, #tpu.memory_space<smem>>
      %get3A_1557 = arith.index_cast %get3A_1556 : i32 to index
      %get3A_1558 = arith.constant 0 : index
      %get3A_1559 = vector.load %arg5[%get3A_1557, %get3A_1558] : memref<2048x1024xf32, #tpu.memory_space<vmem>>, vector<1x1024xf32>
      %swap3A_1560 = arith.index_cast %scan3A_1553 : i32 to index
      %swap3A_1561 = arith.constant 0 : index
      %swap3A_1562 = vector.load %arg12[%swap3A_1560, %swap3A_1561] : memref<256x1024xf32, #tpu.memory_space<vmem>>, vector<1x1024xf32>
      tpu.vector_store %arg12[%swap3A_1560, %swap3A_1561], %get3A_1559 {strides = array<i32>} : memref<256x1024xf32, #tpu.memory_space<vmem>>, vector<1x1024xf32>,
      %scan3A_1563 = arith.constant 154 : i32
      %get3A_1564 = arith.index_cast %arg0 : i32 to index
      %get3A_1565 = arith.index_cast %scan3A_1563 : i32 to index
      %get3A_1566 = memref.load %arg3[%get3A_1564, %get3A_1565] : memref<24x256xi32, #tpu.memory_space<smem>>
      %get3A_1567 = arith.index_cast %get3A_1566 : i32 to index
      %get3A_1568 = arith.constant 0 : index
      %get3A_1569 = vector.load %arg5[%get3A_1567, %get3A_1568] : memref<2048x1024xf32, #tpu.memory_space<vmem>>, vector<1x1024xf32>
      %swap3A_1570 = arith.index_cast %scan3A_1563 : i32 to index
      %swap3A_1571 = arith.constant 0 : index
      %swap3A_1572 = vector.load %arg12[%swap3A_1570, %swap3A_1571] : memref<256x1024xf32, #tpu.memory_space<vmem>>, vector<1x1024xf32>
      tpu.vector_store %arg12[%swap3A_1570, %swap3A_1571], %get3A_1569 {strides = array<i32>} : memref<256x1024xf32, #tpu.memory_space<vmem>>, vector<1x1024xf32>,
      %scan3A_1573 = arith.constant 155 : i32
      %get3A_1574 = arith.index_cast %arg0 : i32 to index
      %get3A_1575 = arith.index_cast %scan3A_1573 : i32 to index
      %get3A_1576 = memref.load %arg3[%get3A_1574, %get3A_1575] : memref<24x256xi32, #tpu.memory_space<smem>>
      %get3A_1577 = arith.index_cast %get3A_1576 : i32 to index
      %get3A_1578 = arith.constant 0 : index
      %get3A_1579 = vector.load %arg5[%get3A_1577, %get3A_1578] : memref<2048x1024xf32, #tpu.memory_space<vmem>>, vector<1x1024xf32>
      %swap3A_1580 = arith.index_cast %scan3A_1573 : i32 to index
      %swap3A_1581 = arith.constant 0 : index
      %swap3A_1582 = vector.load %arg12[%swap3A_1580, %swap3A_1581] : memref<256x1024xf32, #tpu.memory_space<vmem>>, vector<1x1024xf32>
      tpu.vector_store %arg12[%swap3A_1580, %swap3A_1581], %get3A_1579 {strides = array<i32>} : memref<256x1024xf32, #tpu.memory_space<vmem>>, vector<1x1024xf32>,
      %scan3A_1583 = arith.constant 156 : i32
      %get3A_1584 = arith.index_cast %arg0 : i32 to index
      %get3A_1585 = arith.index_cast %scan3A_1583 : i32 to index
      %get3A_1586 = memref.load %arg3[%get3A_1584, %get3A_1585] : memref<24x256xi32, #tpu.memory_space<smem>>
      %get3A_1587 = arith.index_cast %get3A_1586 : i32 to index
      %get3A_1588 = arith.constant 0 : index
      %get3A_1589 = vector.load %arg5[%get3A_1587, %get3A_1588] : memref<2048x1024xf32, #tpu.memory_space<vmem>>, vector<1x1024xf32>
      %swap3A_1590 = arith.index_cast %scan3A_1583 : i32 to index
      %swap3A_1591 = arith.constant 0 : index
      %swap3A_1592 = vector.load %arg12[%swap3A_1590, %swap3A_1591] : memref<256x1024xf32, #tpu.memory_space<vmem>>, vector<1x1024xf32>
      tpu.vector_store %arg12[%swap3A_1590, %swap3A_1591], %get3A_1589 {strides = array<i32>} : memref<256x1024xf32, #tpu.memory_space<vmem>>, vector<1x1024xf32>,
      %scan3A_1593 = arith.constant 157 : i32
      %get3A_1594 = arith.index_cast %arg0 : i32 to index
      %get3A_1595 = arith.index_cast %scan3A_1593 : i32 to index
      %get3A_1596 = memref.load %arg3[%get3A_1594, %get3A_1595] : memref<24x256xi32, #tpu.memory_space<smem>>
      %get3A_1597 = arith.index_cast %get3A_1596 : i32 to index
      %get3A_1598 = arith.constant 0 : index
      %get3A_1599 = vector.load %arg5[%get3A_1597, %get3A_1598] : memref<2048x1024xf32, #tpu.memory_space<vmem>>, vector<1x1024xf32>
      %swap3A_1600 = arith.index_cast %scan3A_1593 : i32 to index
      %swap3A_1601 = arith.constant 0 : index
      %swap3A_1602 = vector.load %arg12[%swap3A_1600, %swap3A_1601] : memref<256x1024xf32, #tpu.memory_space<vmem>>, vector<1x1024xf32>
      tpu.vector_store %arg12[%swap3A_1600, %swap3A_1601], %get3A_1599 {strides = array<i32>} : memref<256x1024xf32, #tpu.memory_space<vmem>>, vector<1x1024xf32>,
      %scan3A_1603 = arith.constant 158 : i32
      %get3A_1604 = arith.index_cast %arg0 : i32 to index
      %get3A_1605 = arith.index_cast %scan3A_1603 : i32 to index
      %get3A_1606 = memref.load %arg3[%get3A_1604, %get3A_1605] : memref<24x256xi32, #tpu.memory_space<smem>>
      %get3A_1607 = arith.index_cast %get3A_1606 : i32 to index
      %get3A_1608 = arith.constant 0 : index
      %get3A_1609 = vector.load %arg5[%get3A_1607, %get3A_1608] : memref<2048x1024xf32, #tpu.memory_space<vmem>>, vector<1x1024xf32>
      %swap3A_1610 = arith.index_cast %scan3A_1603 : i32 to index
      %swap3A_1611 = arith.constant 0 : index
      %swap3A_1612 = vector.load %arg12[%swap3A_1610, %swap3A_1611] : memref<256x1024xf32, #tpu.memory_space<vmem>>, vector<1x1024xf32>
      tpu.vector_store %arg12[%swap3A_1610, %swap3A_1611], %get3A_1609 {strides = array<i32>} : memref<256x1024xf32, #tpu.memory_space<vmem>>, vector<1x1024xf32>,
      %scan3A_1613 = arith.constant 159 : i32
      %get3A_1614 = arith.index_cast %arg0 : i32 to index
      %get3A_1615 = arith.index_cast %scan3A_1613 : i32 to index
      %get3A_1616 = memref.load %arg3[%get3A_1614, %get3A_1615] : memref<24x256xi32, #tpu.memory_space<smem>>
      %get3A_1617 = arith.index_cast %get3A_1616 : i32 to index
      %get3A_1618 = arith.constant 0 : index
      %get3A_1619 = vector.load %arg5[%get3A_1617, %get3A_1618] : memref<2048x1024xf32, #tpu.memory_space<vmem>>, vector<1x1024xf32>
      %swap3A_1620 = arith.index_cast %scan3A_1613 : i32 to index
      %swap3A_1621 = arith.constant 0 : index
      %swap3A_1622 = vector.load %arg12[%swap3A_1620, %swap3A_1621] : memref<256x1024xf32, #tpu.memory_space<vmem>>, vector<1x1024xf32>
      tpu.vector_store %arg12[%swap3A_1620, %swap3A_1621], %get3A_1619 {strides = array<i32>} : memref<256x1024xf32, #tpu.memory_space<vmem>>, vector<1x1024xf32>,
      %scan3A_1623 = arith.constant 160 : i32
      %get3A_1624 = arith.index_cast %arg0 : i32 to index
      %get3A_1625 = arith.index_cast %scan3A_1623 : i32 to index
      %get3A_1626 = memref.load %arg3[%get3A_1624, %get3A_1625] : memref<24x256xi32, #tpu.memory_space<smem>>
      %get3A_1627 = arith.index_cast %get3A_1626 : i32 to index
      %get3A_1628 = arith.constant 0 : index
      %get3A_1629 = vector.load %arg5[%get3A_1627, %get3A_1628] : memref<2048x1024xf32, #tpu.memory_space<vmem>>, vector<1x1024xf32>
      %swap3A_1630 = arith.index_cast %scan3A_1623 : i32 to index
      %swap3A_1631 = arith.constant 0 : index
      %swap3A_1632 = vector.load %arg12[%swap3A_1630, %swap3A_1631] : memref<256x1024xf32, #tpu.memory_space<vmem>>, vector<1x1024xf32>
      tpu.vector_store %arg12[%swap3A_1630, %swap3A_1631], %get3A_1629 {strides = array<i32>} : memref<256x1024xf32, #tpu.memory_space<vmem>>, vector<1x1024xf32>,
      %scan3A_1633 = arith.constant 161 : i32
      %get3A_1634 = arith.index_cast %arg0 : i32 to index
      %get3A_1635 = arith.index_cast %scan3A_1633 : i32 to index
      %get3A_1636 = memref.load %arg3[%get3A_1634, %get3A_1635] : memref<24x256xi32, #tpu.memory_space<smem>>
      %get3A_1637 = arith.index_cast %get3A_1636 : i32 to index
      %get3A_1638 = arith.constant 0 : index
      %get3A_1639 = vector.load %arg5[%get3A_1637, %get3A_1638] : memref<2048x1024xf32, #tpu.memory_space<vmem>>, vector<1x1024xf32>
      %swap3A_1640 = arith.index_cast %scan3A_1633 : i32 to index
      %swap3A_1641 = arith.constant 0 : index
      %swap3A_1642 = vector.load %arg12[%swap3A_1640, %swap3A_1641] : memref<256x1024xf32, #tpu.memory_space<vmem>>, vector<1x1024xf32>
      tpu.vector_store %arg12[%swap3A_1640, %swap3A_1641], %get3A_1639 {strides = array<i32>} : memref<256x1024xf32, #tpu.memory_space<vmem>>, vector<1x1024xf32>,
      %scan3A_1643 = arith.constant 162 : i32
      %get3A_1644 = arith.index_cast %arg0 : i32 to index
      %get3A_1645 = arith.index_cast %scan3A_1643 : i32 to index
      %get3A_1646 = memref.load %arg3[%get3A_1644, %get3A_1645] : memref<24x256xi32, #tpu.memory_space<smem>>
      %get3A_1647 = arith.index_cast %get3A_1646 : i32 to index
      %get3A_1648 = arith.constant 0 : index
      %get3A_1649 = vector.load %arg5[%get3A_1647, %get3A_1648] : memref<2048x1024xf32, #tpu.memory_space<vmem>>, vector<1x1024xf32>
      %swap3A_1650 = arith.index_cast %scan3A_1643 : i32 to index
      %swap3A_1651 = arith.constant 0 : index
      %swap3A_1652 = vector.load %arg12[%swap3A_1650, %swap3A_1651] : memref<256x1024xf32, #tpu.memory_space<vmem>>, vector<1x1024xf32>
      tpu.vector_store %arg12[%swap3A_1650, %swap3A_1651], %get3A_1649 {strides = array<i32>} : memref<256x1024xf32, #tpu.memory_space<vmem>>, vector<1x1024xf32>,
      %scan3A_1653 = arith.constant 163 : i32
      %get3A_1654 = arith.index_cast %arg0 : i32 to index
      %get3A_1655 = arith.index_cast %scan3A_1653 : i32 to index
      %get3A_1656 = memref.load %arg3[%get3A_1654, %get3A_1655] : memref<24x256xi32, #tpu.memory_space<smem>>
      %get3A_1657 = arith.index_cast %get3A_1656 : i32 to index
      %get3A_1658 = arith.constant 0 : index
      %get3A_1659 = vector.load %arg5[%get3A_1657, %get3A_1658] : memref<2048x1024xf32, #tpu.memory_space<vmem>>, vector<1x1024xf32>
      %swap3A_1660 = arith.index_cast %scan3A_1653 : i32 to index
      %swap3A_1661 = arith.constant 0 : index
      %swap3A_1662 = vector.load %arg12[%swap3A_1660, %swap3A_1661] : memref<256x1024xf32, #tpu.memory_space<vmem>>, vector<1x1024xf32>
      tpu.vector_store %arg12[%swap3A_1660, %swap3A_1661], %get3A_1659 {strides = array<i32>} : memref<256x1024xf32, #tpu.memory_space<vmem>>, vector<1x1024xf32>,
      %scan3A_1663 = arith.constant 164 : i32
      %get3A_1664 = arith.index_cast %arg0 : i32 to index
      %get3A_1665 = arith.index_cast %scan3A_1663 : i32 to index
      %get3A_1666 = memref.load %arg3[%get3A_1664, %get3A_1665] : memref<24x256xi32, #tpu.memory_space<smem>>
      %get3A_1667 = arith.index_cast %get3A_1666 : i32 to index
      %get3A_1668 = arith.constant 0 : index
      %get3A_1669 = vector.load %arg5[%get3A_1667, %get3A_1668] : memref<2048x1024xf32, #tpu.memory_space<vmem>>, vector<1x1024xf32>
      %swap3A_1670 = arith.index_cast %scan3A_1663 : i32 to index
      %swap3A_1671 = arith.constant 0 : index
      %swap3A_1672 = vector.load %arg12[%swap3A_1670, %swap3A_1671] : memref<256x1024xf32, #tpu.memory_space<vmem>>, vector<1x1024xf32>
      tpu.vector_store %arg12[%swap3A_1670, %swap3A_1671], %get3A_1669 {strides = array<i32>} : memref<256x1024xf32, #tpu.memory_space<vmem>>, vector<1x1024xf32>,
      %scan3A_1673 = arith.constant 165 : i32
      %get3A_1674 = arith.index_cast %arg0 : i32 to index
      %get3A_1675 = arith.index_cast %scan3A_1673 : i32 to index
      %get3A_1676 = memref.load %arg3[%get3A_1674, %get3A_1675] : memref<24x256xi32, #tpu.memory_space<smem>>
      %get3A_1677 = arith.index_cast %get3A_1676 : i32 to index
      %get3A_1678 = arith.constant 0 : index
      %get3A_1679 = vector.load %arg5[%get3A_1677, %get3A_1678] : memref<2048x1024xf32, #tpu.memory_space<vmem>>, vector<1x1024xf32>
      %swap3A_1680 = arith.index_cast %scan3A_1673 : i32 to index
      %swap3A_1681 = arith.constant 0 : index
      %swap3A_1682 = vector.load %arg12[%swap3A_1680, %swap3A_1681] : memref<256x1024xf32, #tpu.memory_space<vmem>>, vector<1x1024xf32>
      tpu.vector_store %arg12[%swap3A_1680, %swap3A_1681], %get3A_1679 {strides = array<i32>} : memref<256x1024xf32, #tpu.memory_space<vmem>>, vector<1x1024xf32>,
      %scan3A_1683 = arith.constant 166 : i32
      %get3A_1684 = arith.index_cast %arg0 : i32 to index
      %get3A_1685 = arith.index_cast %scan3A_1683 : i32 to index
      %get3A_1686 = memref.load %arg3[%get3A_1684, %get3A_1685] : memref<24x256xi32, #tpu.memory_space<smem>>
      %get3A_1687 = arith.index_cast %get3A_1686 : i32 to index
      %get3A_1688 = arith.constant 0 : index
      %get3A_1689 = vector.load %arg5[%get3A_1687, %get3A_1688] : memref<2048x1024xf32, #tpu.memory_space<vmem>>, vector<1x1024xf32>
      %swap3A_1690 = arith.index_cast %scan3A_1683 : i32 to index
      %swap3A_1691 = arith.constant 0 : index
      %swap3A_1692 = vector.load %arg12[%swap3A_1690, %swap3A_1691] : memref<256x1024xf32, #tpu.memory_space<vmem>>, vector<1x1024xf32>
      tpu.vector_store %arg12[%swap3A_1690, %swap3A_1691], %get3A_1689 {strides = array<i32>} : memref<256x1024xf32, #tpu.memory_space<vmem>>, vector<1x1024xf32>,
      %scan3A_1693 = arith.constant 167 : i32
      %get3A_1694 = arith.index_cast %arg0 : i32 to index
      %get3A_1695 = arith.index_cast %scan3A_1693 : i32 to index
      %get3A_1696 = memref.load %arg3[%get3A_1694, %get3A_1695] : memref<24x256xi32, #tpu.memory_space<smem>>
      %get3A_1697 = arith.index_cast %get3A_1696 : i32 to index
      %get3A_1698 = arith.constant 0 : index
      %get3A_1699 = vector.load %arg5[%get3A_1697, %get3A_1698] : memref<2048x1024xf32, #tpu.memory_space<vmem>>, vector<1x1024xf32>
      %swap3A_1700 = arith.index_cast %scan3A_1693 : i32 to index
      %swap3A_1701 = arith.constant 0 : index
      %swap3A_1702 = vector.load %arg12[%swap3A_1700, %swap3A_1701] : memref<256x1024xf32, #tpu.memory_space<vmem>>, vector<1x1024xf32>
      tpu.vector_store %arg12[%swap3A_1700, %swap3A_1701], %get3A_1699 {strides = array<i32>} : memref<256x1024xf32, #tpu.memory_space<vmem>>, vector<1x1024xf32>,
      %scan3A_1703 = arith.constant 168 : i32
      %get3A_1704 = arith.index_cast %arg0 : i32 to index
      %get3A_1705 = arith.index_cast %scan3A_1703 : i32 to index
      %get3A_1706 = memref.load %arg3[%get3A_1704, %get3A_1705] : memref<24x256xi32, #tpu.memory_space<smem>>
      %get3A_1707 = arith.index_cast %get3A_1706 : i32 to index
      %get3A_1708 = arith.constant 0 : index
      %get3A_1709 = vector.load %arg5[%get3A_1707, %get3A_1708] : memref<2048x1024xf32, #tpu.memory_space<vmem>>, vector<1x1024xf32>
      %swap3A_1710 = arith.index_cast %scan3A_1703 : i32 to index
      %swap3A_1711 = arith.constant 0 : index
      %swap3A_1712 = vector.load %arg12[%swap3A_1710, %swap3A_1711] : memref<256x1024xf32, #tpu.memory_space<vmem>>, vector<1x1024xf32>
      tpu.vector_store %arg12[%swap3A_1710, %swap3A_1711], %get3A_1709 {strides = array<i32>} : memref<256x1024xf32, #tpu.memory_space<vmem>>, vector<1x1024xf32>,
      %scan3A_1713 = arith.constant 169 : i32
      %get3A_1714 = arith.index_cast %arg0 : i32 to index
      %get3A_1715 = arith.index_cast %scan3A_1713 : i32 to index
      %get3A_1716 = memref.load %arg3[%get3A_1714, %get3A_1715] : memref<24x256xi32, #tpu.memory_space<smem>>
      %get3A_1717 = arith.index_cast %get3A_1716 : i32 to index
      %get3A_1718 = arith.constant 0 : index
      %get3A_1719 = vector.load %arg5[%get3A_1717, %get3A_1718] : memref<2048x1024xf32, #tpu.memory_space<vmem>>, vector<1x1024xf32>
      %swap3A_1720 = arith.index_cast %scan3A_1713 : i32 to index
      %swap3A_1721 = arith.constant 0 : index
      %swap3A_1722 = vector.load %arg12[%swap3A_1720, %swap3A_1721] : memref<256x1024xf32, #tpu.memory_space<vmem>>, vector<1x1024xf32>
      tpu.vector_store %arg12[%swap3A_1720, %swap3A_1721], %get3A_1719 {strides = array<i32>} : memref<256x1024xf32, #tpu.memory_space<vmem>>, vector<1x1024xf32>,
      %scan3A_1723 = arith.constant 170 : i32
      %get3A_1724 = arith.index_cast %arg0 : i32 to index
      %get3A_1725 = arith.index_cast %scan3A_1723 : i32 to index
      %get3A_1726 = memref.load %arg3[%get3A_1724, %get3A_1725] : memref<24x256xi32, #tpu.memory_space<smem>>
      %get3A_1727 = arith.index_cast %get3A_1726 : i32 to index
      %get3A_1728 = arith.constant 0 : index
      %get3A_1729 = vector.load %arg5[%get3A_1727, %get3A_1728] : memref<2048x1024xf32, #tpu.memory_space<vmem>>, vector<1x1024xf32>
      %swap3A_1730 = arith.index_cast %scan3A_1723 : i32 to index
      %swap3A_1731 = arith.constant 0 : index
      %swap3A_1732 = vector.load %arg12[%swap3A_1730, %swap3A_1731] : memref<256x1024xf32, #tpu.memory_space<vmem>>, vector<1x1024xf32>
      tpu.vector_store %arg12[%swap3A_1730, %swap3A_1731], %get3A_1729 {strides = array<i32>} : memref<256x1024xf32, #tpu.memory_space<vmem>>, vector<1x1024xf32>,
      %scan3A_1733 = arith.constant 171 : i32
      %get3A_1734 = arith.index_cast %arg0 : i32 to index
      %get3A_1735 = arith.index_cast %scan3A_1733 : i32 to index
      %get3A_1736 = memref.load %arg3[%get3A_1734, %get3A_1735] : memref<24x256xi32, #tpu.memory_space<smem>>
      %get3A_1737 = arith.index_cast %get3A_1736 : i32 to index
      %get3A_1738 = arith.constant 0 : index
      %get3A_1739 = vector.load %arg5[%get3A_1737, %get3A_1738] : memref<2048x1024xf32, #tpu.memory_space<vmem>>, vector<1x1024xf32>
      %swap3A_1740 = arith.index_cast %scan3A_1733 : i32 to index
      %swap3A_1741 = arith.constant 0 : index
      %swap3A_1742 = vector.load %arg12[%swap3A_1740, %swap3A_1741] : memref<256x1024xf32, #tpu.memory_space<vmem>>, vector<1x1024xf32>
      tpu.vector_store %arg12[%swap3A_1740, %swap3A_1741], %get3A_1739 {strides = array<i32>} : memref<256x1024xf32, #tpu.memory_space<vmem>>, vector<1x1024xf32>,
      %scan3A_1743 = arith.constant 172 : i32
      %get3A_1744 = arith.index_cast %arg0 : i32 to index
      %get3A_1745 = arith.index_cast %scan3A_1743 : i32 to index
      %get3A_1746 = memref.load %arg3[%get3A_1744, %get3A_1745] : memref<24x256xi32, #tpu.memory_space<smem>>
      %get3A_1747 = arith.index_cast %get3A_1746 : i32 to index
      %get3A_1748 = arith.constant 0 : index
      %get3A_1749 = vector.load %arg5[%get3A_1747, %get3A_1748] : memref<2048x1024xf32, #tpu.memory_space<vmem>>, vector<1x1024xf32>
      %swap3A_1750 = arith.index_cast %scan3A_1743 : i32 to index
      %swap3A_1751 = arith.constant 0 : index
      %swap3A_1752 = vector.load %arg12[%swap3A_1750, %swap3A_1751] : memref<256x1024xf32, #tpu.memory_space<vmem>>, vector<1x1024xf32>
      tpu.vector_store %arg12[%swap3A_1750, %swap3A_1751], %get3A_1749 {strides = array<i32>} : memref<256x1024xf32, #tpu.memory_space<vmem>>, vector<1x1024xf32>,
      %scan3A_1753 = arith.constant 173 : i32
      %get3A_1754 = arith.index_cast %arg0 : i32 to index
      %get3A_1755 = arith.index_cast %scan3A_1753 : i32 to index
      %get3A_1756 = memref.load %arg3[%get3A_1754, %get3A_1755] : memref<24x256xi32, #tpu.memory_space<smem>>
      %get3A_1757 = arith.index_cast %get3A_1756 : i32 to index
      %get3A_1758 = arith.constant 0 : index
      %get3A_1759 = vector.load %arg5[%get3A_1757, %get3A_1758] : memref<2048x1024xf32, #tpu.memory_space<vmem>>, vector<1x1024xf32>
      %swap3A_1760 = arith.index_cast %scan3A_1753 : i32 to index
      %swap3A_1761 = arith.constant 0 : index
      %swap3A_1762 = vector.load %arg12[%swap3A_1760, %swap3A_1761] : memref<256x1024xf32, #tpu.memory_space<vmem>>, vector<1x1024xf32>
      tpu.vector_store %arg12[%swap3A_1760, %swap3A_1761], %get3A_1759 {strides = array<i32>} : memref<256x1024xf32, #tpu.memory_space<vmem>>, vector<1x1024xf32>,
      %scan3A_1763 = arith.constant 174 : i32
      %get3A_1764 = arith.index_cast %arg0 : i32 to index
      %get3A_1765 = arith.index_cast %scan3A_1763 : i32 to index
      %get3A_1766 = memref.load %arg3[%get3A_1764, %get3A_1765] : memref<24x256xi32, #tpu.memory_space<smem>>
      %get3A_1767 = arith.index_cast %get3A_1766 : i32 to index
      %get3A_1768 = arith.constant 0 : index
      %get3A_1769 = vector.load %arg5[%get3A_1767, %get3A_1768] : memref<2048x1024xf32, #tpu.memory_space<vmem>>, vector<1x1024xf32>
      %swap3A_1770 = arith.index_cast %scan3A_1763 : i32 to index
      %swap3A_1771 = arith.constant 0 : index
      %swap3A_1772 = vector.load %arg12[%swap3A_1770, %swap3A_1771] : memref<256x1024xf32, #tpu.memory_space<vmem>>, vector<1x1024xf32>
      tpu.vector_store %arg12[%swap3A_1770, %swap3A_1771], %get3A_1769 {strides = array<i32>} : memref<256x1024xf32, #tpu.memory_space<vmem>>, vector<1x1024xf32>,
      %scan3A_1773 = arith.constant 175 : i32
      %get3A_1774 = arith.index_cast %arg0 : i32 to index
      %get3A_1775 = arith.index_cast %scan3A_1773 : i32 to index
      %get3A_1776 = memref.load %arg3[%get3A_1774, %get3A_1775] : memref<24x256xi32, #tpu.memory_space<smem>>
      %get3A_1777 = arith.index_cast %get3A_1776 : i32 to index
      %get3A_1778 = arith.constant 0 : index
      %get3A_1779 = vector.load %arg5[%get3A_1777, %get3A_1778] : memref<2048x1024xf32, #tpu.memory_space<vmem>>, vector<1x1024xf32>
      %swap3A_1780 = arith.index_cast %scan3A_1773 : i32 to index
      %swap3A_1781 = arith.constant 0 : index
      %swap3A_1782 = vector.load %arg12[%swap3A_1780, %swap3A_1781] : memref<256x1024xf32, #tpu.memory_space<vmem>>, vector<1x1024xf32>
      tpu.vector_store %arg12[%swap3A_1780, %swap3A_1781], %get3A_1779 {strides = array<i32>} : memref<256x1024xf32, #tpu.memory_space<vmem>>, vector<1x1024xf32>,
      %scan3A_1783 = arith.constant 176 : i32
      %get3A_1784 = arith.index_cast %arg0 : i32 to index
      %get3A_1785 = arith.index_cast %scan3A_1783 : i32 to index
      %get3A_1786 = memref.load %arg3[%get3A_1784, %get3A_1785] : memref<24x256xi32, #tpu.memory_space<smem>>
      %get3A_1787 = arith.index_cast %get3A_1786 : i32 to index
      %get3A_1788 = arith.constant 0 : index
      %get3A_1789 = vector.load %arg5[%get3A_1787, %get3A_1788] : memref<2048x1024xf32, #tpu.memory_space<vmem>>, vector<1x1024xf32>
      %swap3A_1790 = arith.index_cast %scan3A_1783 : i32 to index
      %swap3A_1791 = arith.constant 0 : index
      %swap3A_1792 = vector.load %arg12[%swap3A_1790, %swap3A_1791] : memref<256x1024xf32, #tpu.memory_space<vmem>>, vector<1x1024xf32>
      tpu.vector_store %arg12[%swap3A_1790, %swap3A_1791], %get3A_1789 {strides = array<i32>} : memref<256x1024xf32, #tpu.memory_space<vmem>>, vector<1x1024xf32>,
      %scan3A_1793 = arith.constant 177 : i32
      %get3A_1794 = arith.index_cast %arg0 : i32 to index
      %get3A_1795 = arith.index_cast %scan3A_1793 : i32 to index
      %get3A_1796 = memref.load %arg3[%get3A_1794, %get3A_1795] : memref<24x256xi32, #tpu.memory_space<smem>>
      %get3A_1797 = arith.index_cast %get3A_1796 : i32 to index
      %get3A_1798 = arith.constant 0 : index
      %get3A_1799 = vector.load %arg5[%get3A_1797, %get3A_1798] : memref<2048x1024xf32, #tpu.memory_space<vmem>>, vector<1x1024xf32>
      %swap3A_1800 = arith.index_cast %scan3A_1793 : i32 to index
      %swap3A_1801 = arith.constant 0 : index
      %swap3A_1802 = vector.load %arg12[%swap3A_1800, %swap3A_1801] : memref<256x1024xf32, #tpu.memory_space<vmem>>, vector<1x1024xf32>
      tpu.vector_store %arg12[%swap3A_1800, %swap3A_1801], %get3A_1799 {strides = array<i32>} : memref<256x1024xf32, #tpu.memory_space<vmem>>, vector<1x1024xf32>,
      %scan3A_1803 = arith.constant 178 : i32
      %get3A_1804 = arith.index_cast %arg0 : i32 to index
      %get3A_1805 = arith.index_cast %scan3A_1803 : i32 to index
      %get3A_1806 = memref.load %arg3[%get3A_1804, %get3A_1805] : memref<24x256xi32, #tpu.memory_space<smem>>
      %get3A_1807 = arith.index_cast %get3A_1806 : i32 to index
      %get3A_1808 = arith.constant 0 : index
      %get3A_1809 = vector.load %arg5[%get3A_1807, %get3A_1808] : memref<2048x1024xf32, #tpu.memory_space<vmem>>, vector<1x1024xf32>
      %swap3A_1810 = arith.index_cast %scan3A_1803 : i32 to index
      %swap3A_1811 = arith.constant 0 : index
      %swap3A_1812 = vector.load %arg12[%swap3A_1810, %swap3A_1811] : memref<256x1024xf32, #tpu.memory_space<vmem>>, vector<1x1024xf32>
      tpu.vector_store %arg12[%swap3A_1810, %swap3A_1811], %get3A_1809 {strides = array<i32>} : memref<256x1024xf32, #tpu.memory_space<vmem>>, vector<1x1024xf32>,
      %scan3A_1813 = arith.constant 179 : i32
      %get3A_1814 = arith.index_cast %arg0 : i32 to index
      %get3A_1815 = arith.index_cast %scan3A_1813 : i32 to index
      %get3A_1816 = memref.load %arg3[%get3A_1814, %get3A_1815] : memref<24x256xi32, #tpu.memory_space<smem>>
      %get3A_1817 = arith.index_cast %get3A_1816 : i32 to index
      %get3A_1818 = arith.constant 0 : index
      %get3A_1819 = vector.load %arg5[%get3A_1817, %get3A_1818] : memref<2048x1024xf32, #tpu.memory_space<vmem>>, vector<1x1024xf32>
      %swap3A_1820 = arith.index_cast %scan3A_1813 : i32 to index
      %swap3A_1821 = arith.constant 0 : index
      %swap3A_1822 = vector.load %arg12[%swap3A_1820, %swap3A_1821] : memref<256x1024xf32, #tpu.memory_space<vmem>>, vector<1x1024xf32>
      tpu.vector_store %arg12[%swap3A_1820, %swap3A_1821], %get3A_1819 {strides = array<i32>} : memref<256x1024xf32, #tpu.memory_space<vmem>>, vector<1x1024xf32>,
      %scan3A_1823 = arith.constant 180 : i32
      %get3A_1824 = arith.index_cast %arg0 : i32 to index
      %get3A_1825 = arith.index_cast %scan3A_1823 : i32 to index
      %get3A_1826 = memref.load %arg3[%get3A_1824, %get3A_1825] : memref<24x256xi32, #tpu.memory_space<smem>>
      %get3A_1827 = arith.index_cast %get3A_1826 : i32 to index
      %get3A_1828 = arith.constant 0 : index
      %get3A_1829 = vector.load %arg5[%get3A_1827, %get3A_1828] : memref<2048x1024xf32, #tpu.memory_space<vmem>>, vector<1x1024xf32>
      %swap3A_1830 = arith.index_cast %scan3A_1823 : i32 to index
      %swap3A_1831 = arith.constant 0 : index
      %swap3A_1832 = vector.load %arg12[%swap3A_1830, %swap3A_1831] : memref<256x1024xf32, #tpu.memory_space<vmem>>, vector<1x1024xf32>
      tpu.vector_store %arg12[%swap3A_1830, %swap3A_1831], %get3A_1829 {strides = array<i32>} : memref<256x1024xf32, #tpu.memory_space<vmem>>, vector<1x1024xf32>,
      %scan3A_1833 = arith.constant 181 : i32
      %get3A_1834 = arith.index_cast %arg0 : i32 to index
      %get3A_1835 = arith.index_cast %scan3A_1833 : i32 to index
      %get3A_1836 = memref.load %arg3[%get3A_1834, %get3A_1835] : memref<24x256xi32, #tpu.memory_space<smem>>
      %get3A_1837 = arith.index_cast %get3A_1836 : i32 to index
      %get3A_1838 = arith.constant 0 : index
      %get3A_1839 = vector.load %arg5[%get3A_1837, %get3A_1838] : memref<2048x1024xf32, #tpu.memory_space<vmem>>, vector<1x1024xf32>
      %swap3A_1840 = arith.index_cast %scan3A_1833 : i32 to index
      %swap3A_1841 = arith.constant 0 : index
      %swap3A_1842 = vector.load %arg12[%swap3A_1840, %swap3A_1841] : memref<256x1024xf32, #tpu.memory_space<vmem>>, vector<1x1024xf32>
      tpu.vector_store %arg12[%swap3A_1840, %swap3A_1841], %get3A_1839 {strides = array<i32>} : memref<256x1024xf32, #tpu.memory_space<vmem>>, vector<1x1024xf32>,
      %scan3A_1843 = arith.constant 182 : i32
      %get3A_1844 = arith.index_cast %arg0 : i32 to index
      %get3A_1845 = arith.index_cast %scan3A_1843 : i32 to index
      %get3A_1846 = memref.load %arg3[%get3A_1844, %get3A_1845] : memref<24x256xi32, #tpu.memory_space<smem>>
      %get3A_1847 = arith.index_cast %get3A_1846 : i32 to index
      %get3A_1848 = arith.constant 0 : index
      %get3A_1849 = vector.load %arg5[%get3A_1847, %get3A_1848] : memref<2048x1024xf32, #tpu.memory_space<vmem>>, vector<1x1024xf32>
      %swap3A_1850 = arith.index_cast %scan3A_1843 : i32 to index
      %swap3A_1851 = arith.constant 0 : index
      %swap3A_1852 = vector.load %arg12[%swap3A_1850, %swap3A_1851] : memref<256x1024xf32, #tpu.memory_space<vmem>>, vector<1x1024xf32>
      tpu.vector_store %arg12[%swap3A_1850, %swap3A_1851], %get3A_1849 {strides = array<i32>} : memref<256x1024xf32, #tpu.memory_space<vmem>>, vector<1x1024xf32>,
      %scan3A_1853 = arith.constant 183 : i32
      %get3A_1854 = arith.index_cast %arg0 : i32 to index
      %get3A_1855 = arith.index_cast %scan3A_1853 : i32 to index
      %get3A_1856 = memref.load %arg3[%get3A_1854, %get3A_1855] : memref<24x256xi32, #tpu.memory_space<smem>>
      %get3A_1857 = arith.index_cast %get3A_1856 : i32 to index
      %get3A_1858 = arith.constant 0 : index
      %get3A_1859 = vector.load %arg5[%get3A_1857, %get3A_1858] : memref<2048x1024xf32, #tpu.memory_space<vmem>>, vector<1x1024xf32>
      %swap3A_1860 = arith.index_cast %scan3A_1853 : i32 to index
      %swap3A_1861 = arith.constant 0 : index
      %swap3A_1862 = vector.load %arg12[%swap3A_1860, %swap3A_1861] : memref<256x1024xf32, #tpu.memory_space<vmem>>, vector<1x1024xf32>
      tpu.vector_store %arg12[%swap3A_1860, %swap3A_1861], %get3A_1859 {strides = array<i32>} : memref<256x1024xf32, #tpu.memory_space<vmem>>, vector<1x1024xf32>,
      %scan3A_1863 = arith.constant 184 : i32
      %get3A_1864 = arith.index_cast %arg0 : i32 to index
      %get3A_1865 = arith.index_cast %scan3A_1863 : i32 to index
      %get3A_1866 = memref.load %arg3[%get3A_1864, %get3A_1865] : memref<24x256xi32, #tpu.memory_space<smem>>
      %get3A_1867 = arith.index_cast %get3A_1866 : i32 to index
      %get3A_1868 = arith.constant 0 : index
      %get3A_1869 = vector.load %arg5[%get3A_1867, %get3A_1868] : memref<2048x1024xf32, #tpu.memory_space<vmem>>, vector<1x1024xf32>
      %swap3A_1870 = arith.index_cast %scan3A_1863 : i32 to index
      %swap3A_1871 = arith.constant 0 : index
      %swap3A_1872 = vector.load %arg12[%swap3A_1870, %swap3A_1871] : memref<256x1024xf32, #tpu.memory_space<vmem>>, vector<1x1024xf32>
      tpu.vector_store %arg12[%swap3A_1870, %swap3A_1871], %get3A_1869 {strides = array<i32>} : memref<256x1024xf32, #tpu.memory_space<vmem>>, vector<1x1024xf32>,
      %scan3A_1873 = arith.constant 185 : i32
      %get3A_1874 = arith.index_cast %arg0 : i32 to index
      %get3A_1875 = arith.index_cast %scan3A_1873 : i32 to index
      %get3A_1876 = memref.load %arg3[%get3A_1874, %get3A_1875] : memref<24x256xi32, #tpu.memory_space<smem>>
      %get3A_1877 = arith.index_cast %get3A_1876 : i32 to index
      %get3A_1878 = arith.constant 0 : index
      %get3A_1879 = vector.load %arg5[%get3A_1877, %get3A_1878] : memref<2048x1024xf32, #tpu.memory_space<vmem>>, vector<1x1024xf32>
      %swap3A_1880 = arith.index_cast %scan3A_1873 : i32 to index
      %swap3A_1881 = arith.constant 0 : index
      %swap3A_1882 = vector.load %arg12[%swap3A_1880, %swap3A_1881] : memref<256x1024xf32, #tpu.memory_space<vmem>>, vector<1x1024xf32>
      tpu.vector_store %arg12[%swap3A_1880, %swap3A_1881], %get3A_1879 {strides = array<i32>} : memref<256x1024xf32, #tpu.memory_space<vmem>>, vector<1x1024xf32>,
      %scan3A_1883 = arith.constant 186 : i32
      %get3A_1884 = arith.index_cast %arg0 : i32 to index
      %get3A_1885 = arith.index_cast %scan3A_1883 : i32 to index
      %get3A_1886 = memref.load %arg3[%get3A_1884, %get3A_1885] : memref<24x256xi32, #tpu.memory_space<smem>>
      %get3A_1887 = arith.index_cast %get3A_1886 : i32 to index
      %get3A_1888 = arith.constant 0 : index
      %get3A_1889 = vector.load %arg5[%get3A_1887, %get3A_1888] : memref<2048x1024xf32, #tpu.memory_space<vmem>>, vector<1x1024xf32>
      %swap3A_1890 = arith.index_cast %scan3A_1883 : i32 to index
      %swap3A_1891 = arith.constant 0 : index
      %swap3A_1892 = vector.load %arg12[%swap3A_1890, %swap3A_1891] : memref<256x1024xf32, #tpu.memory_space<vmem>>, vector<1x1024xf32>
      tpu.vector_store %arg12[%swap3A_1890, %swap3A_1891], %get3A_1889 {strides = array<i32>} : memref<256x1024xf32, #tpu.memory_space<vmem>>, vector<1x1024xf32>,
      %scan3A_1893 = arith.constant 187 : i32
      %get3A_1894 = arith.index_cast %arg0 : i32 to index
      %get3A_1895 = arith.index_cast %scan3A_1893 : i32 to index
      %get3A_1896 = memref.load %arg3[%get3A_1894, %get3A_1895] : memref<24x256xi32, #tpu.memory_space<smem>>
      %get3A_1897 = arith.index_cast %get3A_1896 : i32 to index
      %get3A_1898 = arith.constant 0 : index
      %get3A_1899 = vector.load %arg5[%get3A_1897, %get3A_1898] : memref<2048x1024xf32, #tpu.memory_space<vmem>>, vector<1x1024xf32>
      %swap3A_1900 = arith.index_cast %scan3A_1893 : i32 to index
      %swap3A_1901 = arith.constant 0 : index
      %swap3A_1902 = vector.load %arg12[%swap3A_1900, %swap3A_1901] : memref<256x1024xf32, #tpu.memory_space<vmem>>, vector<1x1024xf32>
      tpu.vector_store %arg12[%swap3A_1900, %swap3A_1901], %get3A_1899 {strides = array<i32>} : memref<256x1024xf32, #tpu.memory_space<vmem>>, vector<1x1024xf32>,
      %scan3A_1903 = arith.constant 188 : i32
      %get3A_1904 = arith.index_cast %arg0 : i32 to index
      %get3A_1905 = arith.index_cast %scan3A_1903 : i32 to index
      %get3A_1906 = memref.load %arg3[%get3A_1904, %get3A_1905] : memref<24x256xi32, #tpu.memory_space<smem>>
      %get3A_1907 = arith.index_cast %get3A_1906 : i32 to index
      %get3A_1908 = arith.constant 0 : index
      %get3A_1909 = vector.load %arg5[%get3A_1907, %get3A_1908] : memref<2048x1024xf32, #tpu.memory_space<vmem>>, vector<1x1024xf32>
      %swap3A_1910 = arith.index_cast %scan3A_1903 : i32 to index
      %swap3A_1911 = arith.constant 0 : index
      %swap3A_1912 = vector.load %arg12[%swap3A_1910, %swap3A_1911] : memref<256x1024xf32, #tpu.memory_space<vmem>>, vector<1x1024xf32>
      tpu.vector_store %arg12[%swap3A_1910, %swap3A_1911], %get3A_1909 {strides = array<i32>} : memref<256x1024xf32, #tpu.memory_space<vmem>>, vector<1x1024xf32>,
      %scan3A_1913 = arith.constant 189 : i32
      %get3A_1914 = arith.index_cast %arg0 : i32 to index
      %get3A_1915 = arith.index_cast %scan3A_1913 : i32 to index
      %get3A_1916 = memref.load %arg3[%get3A_1914, %get3A_1915] : memref<24x256xi32, #tpu.memory_space<smem>>
      %get3A_1917 = arith.index_cast %get3A_1916 : i32 to index
      %get3A_1918 = arith.constant 0 : index
      %get3A_1919 = vector.load %arg5[%get3A_1917, %get3A_1918] : memref<2048x1024xf32, #tpu.memory_space<vmem>>, vector<1x1024xf32>
      %swap3A_1920 = arith.index_cast %scan3A_1913 : i32 to index
      %swap3A_1921 = arith.constant 0 : index
      %swap3A_1922 = vector.load %arg12[%swap3A_1920, %swap3A_1921] : memref<256x1024xf32, #tpu.memory_space<vmem>>, vector<1x1024xf32>
      tpu.vector_store %arg12[%swap3A_1920, %swap3A_1921], %get3A_1919 {strides = array<i32>} : memref<256x1024xf32, #tpu.memory_space<vmem>>, vector<1x1024xf32>,
      %scan3A_1923 = arith.constant 190 : i32
      %get3A_1924 = arith.index_cast %arg0 : i32 to index
      %get3A_1925 = arith.index_cast %scan3A_1923 : i32 to index
      %get3A_1926 = memref.load %arg3[%get3A_1924, %get3A_1925] : memref<24x256xi32, #tpu.memory_space<smem>>
      %get3A_1927 = arith.index_cast %get3A_1926 : i32 to index
      %get3A_1928 = arith.constant 0 : index
      %get3A_1929 = vector.load %arg5[%get3A_1927, %get3A_1928] : memref<2048x1024xf32, #tpu.memory_space<vmem>>, vector<1x1024xf32>
      %swap3A_1930 = arith.index_cast %scan3A_1923 : i32 to index
      %swap3A_1931 = arith.constant 0 : index
      %swap3A_1932 = vector.load %arg12[%swap3A_1930, %swap3A_1931] : memref<256x1024xf32, #tpu.memory_space<vmem>>, vector<1x1024xf32>
      tpu.vector_store %arg12[%swap3A_1930, %swap3A_1931], %get3A_1929 {strides = array<i32>} : memref<256x1024xf32, #tpu.memory_space<vmem>>, vector<1x1024xf32>,
      %scan3A_1933 = arith.constant 191 : i32
      %get3A_1934 = arith.index_cast %arg0 : i32 to index
      %get3A_1935 = arith.index_cast %scan3A_1933 : i32 to index
      %get3A_1936 = memref.load %arg3[%get3A_1934, %get3A_1935] : memref<24x256xi32, #tpu.memory_space<smem>>
      %get3A_1937 = arith.index_cast %get3A_1936 : i32 to index
      %get3A_1938 = arith.constant 0 : index
      %get3A_1939 = vector.load %arg5[%get3A_1937, %get3A_1938] : memref<2048x1024xf32, #tpu.memory_space<vmem>>, vector<1x1024xf32>
      %swap3A_1940 = arith.index_cast %scan3A_1933 : i32 to index
      %swap3A_1941 = arith.constant 0 : index
      %swap3A_1942 = vector.load %arg12[%swap3A_1940, %swap3A_1941] : memref<256x1024xf32, #tpu.memory_space<vmem>>, vector<1x1024xf32>
      tpu.vector_store %arg12[%swap3A_1940, %swap3A_1941], %get3A_1939 {strides = array<i32>} : memref<256x1024xf32, #tpu.memory_space<vmem>>, vector<1x1024xf32>,
      %scan3A_1943 = arith.constant 192 : i32
      %get3A_1944 = arith.index_cast %arg0 : i32 to index
      %get3A_1945 = arith.index_cast %scan3A_1943 : i32 to index
      %get3A_1946 = memref.load %arg3[%get3A_1944, %get3A_1945] : memref<24x256xi32, #tpu.memory_space<smem>>
      %get3A_1947 = arith.index_cast %get3A_1946 : i32 to index
      %get3A_1948 = arith.constant 0 : index
      %get3A_1949 = vector.load %arg5[%get3A_1947, %get3A_1948] : memref<2048x1024xf32, #tpu.memory_space<vmem>>, vector<1x1024xf32>
      %swap3A_1950 = arith.index_cast %scan3A_1943 : i32 to index
      %swap3A_1951 = arith.constant 0 : index
      %swap3A_1952 = vector.load %arg12[%swap3A_1950, %swap3A_1951] : memref<256x1024xf32, #tpu.memory_space<vmem>>, vector<1x1024xf32>
      tpu.vector_store %arg12[%swap3A_1950, %swap3A_1951], %get3A_1949 {strides = array<i32>} : memref<256x1024xf32, #tpu.memory_space<vmem>>, vector<1x1024xf32>,
      %scan3A_1953 = arith.constant 193 : i32
      %get3A_1954 = arith.index_cast %arg0 : i32 to index
      %get3A_1955 = arith.index_cast %scan3A_1953 : i32 to index
      %get3A_1956 = memref.load %arg3[%get3A_1954, %get3A_1955] : memref<24x256xi32, #tpu.memory_space<smem>>
      %get3A_1957 = arith.index_cast %get3A_1956 : i32 to index
      %get3A_1958 = arith.constant 0 : index
      %get3A_1959 = vector.load %arg5[%get3A_1957, %get3A_1958] : memref<2048x1024xf32, #tpu.memory_space<vmem>>, vector<1x1024xf32>
      %swap3A_1960 = arith.index_cast %scan3A_1953 : i32 to index
      %swap3A_1961 = arith.constant 0 : index
      %swap3A_1962 = vector.load %arg12[%swap3A_1960, %swap3A_1961] : memref<256x1024xf32, #tpu.memory_space<vmem>>, vector<1x1024xf32>
      tpu.vector_store %arg12[%swap3A_1960, %swap3A_1961], %get3A_1959 {strides = array<i32>} : memref<256x1024xf32, #tpu.memory_space<vmem>>, vector<1x1024xf32>,
      %scan3A_1963 = arith.constant 194 : i32
      %get3A_1964 = arith.index_cast %arg0 : i32 to index
      %get3A_1965 = arith.index_cast %scan3A_1963 : i32 to index
      %get3A_1966 = memref.load %arg3[%get3A_1964, %get3A_1965] : memref<24x256xi32, #tpu.memory_space<smem>>
      %get3A_1967 = arith.index_cast %get3A_1966 : i32 to index
      %get3A_1968 = arith.constant 0 : index
      %get3A_1969 = vector.load %arg5[%get3A_1967, %get3A_1968] : memref<2048x1024xf32, #tpu.memory_space<vmem>>, vector<1x1024xf32>
      %swap3A_1970 = arith.index_cast %scan3A_1963 : i32 to index
      %swap3A_1971 = arith.constant 0 : index
      %swap3A_1972 = vector.load %arg12[%swap3A_1970, %swap3A_1971] : memref<256x1024xf32, #tpu.memory_space<vmem>>, vector<1x1024xf32>
      tpu.vector_store %arg12[%swap3A_1970, %swap3A_1971], %get3A_1969 {strides = array<i32>} : memref<256x1024xf32, #tpu.memory_space<vmem>>, vector<1x1024xf32>,
      %scan3A_1973 = arith.constant 195 : i32
      %get3A_1974 = arith.index_cast %arg0 : i32 to index
      %get3A_1975 = arith.index_cast %scan3A_1973 : i32 to index
      %get3A_1976 = memref.load %arg3[%get3A_1974, %get3A_1975] : memref<24x256xi32, #tpu.memory_space<smem>>
      %get3A_1977 = arith.index_cast %get3A_1976 : i32 to index
      %get3A_1978 = arith.constant 0 : index
      %get3A_1979 = vector.load %arg5[%get3A_1977, %get3A_1978] : memref<2048x1024xf32, #tpu.memory_space<vmem>>, vector<1x1024xf32>
      %swap3A_1980 = arith.index_cast %scan3A_1973 : i32 to index
      %swap3A_1981 = arith.constant 0 : index
      %swap3A_1982 = vector.load %arg12[%swap3A_1980, %swap3A_1981] : memref<256x1024xf32, #tpu.memory_space<vmem>>, vector<1x1024xf32>
      tpu.vector_store %arg12[%swap3A_1980, %swap3A_1981], %get3A_1979 {strides = array<i32>} : memref<256x1024xf32, #tpu.memory_space<vmem>>, vector<1x1024xf32>,
      %scan3A_1983 = arith.constant 196 : i32
      %get3A_1984 = arith.index_cast %arg0 : i32 to index
      %get3A_1985 = arith.index_cast %scan3A_1983 : i32 to index
      %get3A_1986 = memref.load %arg3[%get3A_1984, %get3A_1985] : memref<24x256xi32, #tpu.memory_space<smem>>
      %get3A_1987 = arith.index_cast %get3A_1986 : i32 to index
      %get3A_1988 = arith.constant 0 : index
      %get3A_1989 = vector.load %arg5[%get3A_1987, %get3A_1988] : memref<2048x1024xf32, #tpu.memory_space<vmem>>, vector<1x1024xf32>
      %swap3A_1990 = arith.index_cast %scan3A_1983 : i32 to index
      %swap3A_1991 = arith.constant 0 : index
      %swap3A_1992 = vector.load %arg12[%swap3A_1990, %swap3A_1991] : memref<256x1024xf32, #tpu.memory_space<vmem>>, vector<1x1024xf32>
      tpu.vector_store %arg12[%swap3A_1990, %swap3A_1991], %get3A_1989 {strides = array<i32>} : memref<256x1024xf32, #tpu.memory_space<vmem>>, vector<1x1024xf32>,
      %scan3A_1993 = arith.constant 197 : i32
      %get3A_1994 = arith.index_cast %arg0 : i32 to index
      %get3A_1995 = arith.index_cast %scan3A_1993 : i32 to index
      %get3A_1996 = memref.load %arg3[%get3A_1994, %get3A_1995] : memref<24x256xi32, #tpu.memory_space<smem>>
      %get3A_1997 = arith.index_cast %get3A_1996 : i32 to index
      %get3A_1998 = arith.constant 0 : index
      %get3A_1999 = vector.load %arg5[%get3A_1997, %get3A_1998] : memref<2048x1024xf32, #tpu.memory_space<vmem>>, vector<1x1024xf32>
      %swap3A_2000 = arith.index_cast %scan3A_1993 : i32 to index
      %swap3A_2001 = arith.constant 0 : index
      %swap3A_2002 = vector.load %arg12[%swap3A_2000, %swap3A_2001] : memref<256x1024xf32, #tpu.memory_space<vmem>>, vector<1x1024xf32>
      tpu.vector_store %arg12[%swap3A_2000, %swap3A_2001], %get3A_1999 {strides = array<i32>} : memref<256x1024xf32, #tpu.memory_space<vmem>>, vector<1x1024xf32>,
      %scan3A_2003 = arith.constant 198 : i32
      %get3A_2004 = arith.index_cast %arg0 : i32 to index
      %get3A_2005 = arith.index_cast %scan3A_2003 : i32 to index
      %get3A_2006 = memref.load %arg3[%get3A_2004, %get3A_2005] : memref<24x256xi32, #tpu.memory_space<smem>>
      %get3A_2007 = arith.index_cast %get3A_2006 : i32 to index
      %get3A_2008 = arith.constant 0 : index
      %get3A_2009 = vector.load %arg5[%get3A_2007, %get3A_2008] : memref<2048x1024xf32, #tpu.memory_space<vmem>>, vector<1x1024xf32>
      %swap3A_2010 = arith.index_cast %scan3A_2003 : i32 to index
      %swap3A_2011 = arith.constant 0 : index
      %swap3A_2012 = vector.load %arg12[%swap3A_2010, %swap3A_2011] : memref<256x1024xf32, #tpu.memory_space<vmem>>, vector<1x1024xf32>
      tpu.vector_store %arg12[%swap3A_2010, %swap3A_2011], %get3A_2009 {strides = array<i32>} : memref<256x1024xf32, #tpu.memory_space<vmem>>, vector<1x1024xf32>,
      %scan3A_2013 = arith.constant 199 : i32
      %get3A_2014 = arith.index_cast %arg0 : i32 to index
      %get3A_2015 = arith.index_cast %scan3A_2013 : i32 to index
      %get3A_2016 = memref.load %arg3[%get3A_2014, %get3A_2015] : memref<24x256xi32, #tpu.memory_space<smem>>
      %get3A_2017 = arith.index_cast %get3A_2016 : i32 to index
      %get3A_2018 = arith.constant 0 : index
      %get3A_2019 = vector.load %arg5[%get3A_2017, %get3A_2018] : memref<2048x1024xf32, #tpu.memory_space<vmem>>, vector<1x1024xf32>
      %swap3A_2020 = arith.index_cast %scan3A_2013 : i32 to index
      %swap3A_2021 = arith.constant 0 : index
      %swap3A_2022 = vector.load %arg12[%swap3A_2020, %swap3A_2021] : memref<256x1024xf32, #tpu.memory_space<vmem>>, vector<1x1024xf32>
      tpu.vector_store %arg12[%swap3A_2020, %swap3A_2021], %get3A_2019 {strides = array<i32>} : memref<256x1024xf32, #tpu.memory_space<vmem>>, vector<1x1024xf32>,
      %scan3A_2023 = arith.constant 200 : i32
      %get3A_2024 = arith.index_cast %arg0 : i32 to index
      %get3A_2025 = arith.index_cast %scan3A_2023 : i32 to index
      %get3A_2026 = memref.load %arg3[%get3A_2024, %get3A_2025] : memref<24x256xi32, #tpu.memory_space<smem>>
      %get3A_2027 = arith.index_cast %get3A_2026 : i32 to index
      %get3A_2028 = arith.constant 0 : index
      %get3A_2029 = vector.load %arg5[%get3A_2027, %get3A_2028] : memref<2048x1024xf32, #tpu.memory_space<vmem>>, vector<1x1024xf32>
      %swap3A_2030 = arith.index_cast %scan3A_2023 : i32 to index
      %swap3A_2031 = arith.constant 0 : index
      %swap3A_2032 = vector.load %arg12[%swap3A_2030, %swap3A_2031] : memref<256x1024xf32, #tpu.memory_space<vmem>>, vector<1x1024xf32>
      tpu.vector_store %arg12[%swap3A_2030, %swap3A_2031], %get3A_2029 {strides = array<i32>} : memref<256x1024xf32, #tpu.memory_space<vmem>>, vector<1x1024xf32>,
      %scan3A_2033 = arith.constant 201 : i32
      %get3A_2034 = arith.index_cast %arg0 : i32 to index
      %get3A_2035 = arith.index_cast %scan3A_2033 : i32 to index
      %get3A_2036 = memref.load %arg3[%get3A_2034, %get3A_2035] : memref<24x256xi32, #tpu.memory_space<smem>>
      %get3A_2037 = arith.index_cast %get3A_2036 : i32 to index
      %get3A_2038 = arith.constant 0 : index
      %get3A_2039 = vector.load %arg5[%get3A_2037, %get3A_2038] : memref<2048x1024xf32, #tpu.memory_space<vmem>>, vector<1x1024xf32>
      %swap3A_2040 = arith.index_cast %scan3A_2033 : i32 to index
      %swap3A_2041 = arith.constant 0 : index
      %swap3A_2042 = vector.load %arg12[%swap3A_2040, %swap3A_2041] : memref<256x1024xf32, #tpu.memory_space<vmem>>, vector<1x1024xf32>
      tpu.vector_store %arg12[%swap3A_2040, %swap3A_2041], %get3A_2039 {strides = array<i32>} : memref<256x1024xf32, #tpu.memory_space<vmem>>, vector<1x1024xf32>,
      %scan3A_2043 = arith.constant 202 : i32
      %get3A_2044 = arith.index_cast %arg0 : i32 to index
      %get3A_2045 = arith.index_cast %scan3A_2043 : i32 to index
      %get3A_2046 = memref.load %arg3[%get3A_2044, %get3A_2045] : memref<24x256xi32, #tpu.memory_space<smem>>
      %get3A_2047 = arith.index_cast %get3A_2046 : i32 to index
      %get3A_2048 = arith.constant 0 : index
      %get3A_2049 = vector.load %arg5[%get3A_2047, %get3A_2048] : memref<2048x1024xf32, #tpu.memory_space<vmem>>, vector<1x1024xf32>
      %swap3A_2050 = arith.index_cast %scan3A_2043 : i32 to index
      %swap3A_2051 = arith.constant 0 : index
      %swap3A_2052 = vector.load %arg12[%swap3A_2050, %swap3A_2051] : memref<256x1024xf32, #tpu.memory_space<vmem>>, vector<1x1024xf32>
      tpu.vector_store %arg12[%swap3A_2050, %swap3A_2051], %get3A_2049 {strides = array<i32>} : memref<256x1024xf32, #tpu.memory_space<vmem>>, vector<1x1024xf32>,
      %scan3A_2053 = arith.constant 203 : i32
      %get3A_2054 = arith.index_cast %arg0 : i32 to index
      %get3A_2055 = arith.index_cast %scan3A_2053 : i32 to index
      %get3A_2056 = memref.load %arg3[%get3A_2054, %get3A_2055] : memref<24x256xi32, #tpu.memory_space<smem>>
      %get3A_2057 = arith.index_cast %get3A_2056 : i32 to index
      %get3A_2058 = arith.constant 0 : index
      %get3A_2059 = vector.load %arg5[%get3A_2057, %get3A_2058] : memref<2048x1024xf32, #tpu.memory_space<vmem>>, vector<1x1024xf32>
      %swap3A_2060 = arith.index_cast %scan3A_2053 : i32 to index
      %swap3A_2061 = arith.constant 0 : index
      %swap3A_2062 = vector.load %arg12[%swap3A_2060, %swap3A_2061] : memref<256x1024xf32, #tpu.memory_space<vmem>>, vector<1x1024xf32>
      tpu.vector_store %arg12[%swap3A_2060, %swap3A_2061], %get3A_2059 {strides = array<i32>} : memref<256x1024xf32, #tpu.memory_space<vmem>>, vector<1x1024xf32>,
      %scan3A_2063 = arith.constant 204 : i32
      %get3A_2064 = arith.index_cast %arg0 : i32 to index
      %get3A_2065 = arith.index_cast %scan3A_2063 : i32 to index
      %get3A_2066 = memref.load %arg3[%get3A_2064, %get3A_2065] : memref<24x256xi32, #tpu.memory_space<smem>>
      %get3A_2067 = arith.index_cast %get3A_2066 : i32 to index
      %get3A_2068 = arith.constant 0 : index
      %get3A_2069 = vector.load %arg5[%get3A_2067, %get3A_2068] : memref<2048x1024xf32, #tpu.memory_space<vmem>>, vector<1x1024xf32>
      %swap3A_2070 = arith.index_cast %scan3A_2063 : i32 to index
      %swap3A_2071 = arith.constant 0 : index
      %swap3A_2072 = vector.load %arg12[%swap3A_2070, %swap3A_2071] : memref<256x1024xf32, #tpu.memory_space<vmem>>, vector<1x1024xf32>
      tpu.vector_store %arg12[%swap3A_2070, %swap3A_2071], %get3A_2069 {strides = array<i32>} : memref<256x1024xf32, #tpu.memory_space<vmem>>, vector<1x1024xf32>,
      %scan3A_2073 = arith.constant 205 : i32
      %get3A_2074 = arith.index_cast %arg0 : i32 to index
      %get3A_2075 = arith.index_cast %scan3A_2073 : i32 to index
      %get3A_2076 = memref.load %arg3[%get3A_2074, %get3A_2075] : memref<24x256xi32, #tpu.memory_space<smem>>
      %get3A_2077 = arith.index_cast %get3A_2076 : i32 to index
      %get3A_2078 = arith.constant 0 : index
      %get3A_2079 = vector.load %arg5[%get3A_2077, %get3A_2078] : memref<2048x1024xf32, #tpu.memory_space<vmem>>, vector<1x1024xf32>
      %swap3A_2080 = arith.index_cast %scan3A_2073 : i32 to index
      %swap3A_2081 = arith.constant 0 : index
      %swap3A_2082 = vector.load %arg12[%swap3A_2080, %swap3A_2081] : memref<256x1024xf32, #tpu.memory_space<vmem>>, vector<1x1024xf32>
      tpu.vector_store %arg12[%swap3A_2080, %swap3A_2081], %get3A_2079 {strides = array<i32>} : memref<256x1024xf32, #tpu.memory_space<vmem>>, vector<1x1024xf32>,
      %scan3A_2083 = arith.constant 206 : i32
      %get3A_2084 = arith.index_cast %arg0 : i32 to index
      %get3A_2085 = arith.index_cast %scan3A_2083 : i32 to index
      %get3A_2086 = memref.load %arg3[%get3A_2084, %get3A_2085] : memref<24x256xi32, #tpu.memory_space<smem>>
      %get3A_2087 = arith.index_cast %get3A_2086 : i32 to index
      %get3A_2088 = arith.constant 0 : index
      %get3A_2089 = vector.load %arg5[%get3A_2087, %get3A_2088] : memref<2048x1024xf32, #tpu.memory_space<vmem>>, vector<1x1024xf32>
      %swap3A_2090 = arith.index_cast %scan3A_2083 : i32 to index
      %swap3A_2091 = arith.constant 0 : index
      %swap3A_2092 = vector.load %arg12[%swap3A_2090, %swap3A_2091] : memref<256x1024xf32, #tpu.memory_space<vmem>>, vector<1x1024xf32>
      tpu.vector_store %arg12[%swap3A_2090, %swap3A_2091], %get3A_2089 {strides = array<i32>} : memref<256x1024xf32, #tpu.memory_space<vmem>>, vector<1x1024xf32>,
      %scan3A_2093 = arith.constant 207 : i32
      %get3A_2094 = arith.index_cast %arg0 : i32 to index
      %get3A_2095 = arith.index_cast %scan3A_2093 : i32 to index
      %get3A_2096 = memref.load %arg3[%get3A_2094, %get3A_2095] : memref<24x256xi32, #tpu.memory_space<smem>>
      %get3A_2097 = arith.index_cast %get3A_2096 : i32 to index
      %get3A_2098 = arith.constant 0 : index
      %get3A_2099 = vector.load %arg5[%get3A_2097, %get3A_2098] : memref<2048x1024xf32, #tpu.memory_space<vmem>>, vector<1x1024xf32>
      %swap3A_2100 = arith.index_cast %scan3A_2093 : i32 to index
      %swap3A_2101 = arith.constant 0 : index
      %swap3A_2102 = vector.load %arg12[%swap3A_2100, %swap3A_2101] : memref<256x1024xf32, #tpu.memory_space<vmem>>, vector<1x1024xf32>
      tpu.vector_store %arg12[%swap3A_2100, %swap3A_2101], %get3A_2099 {strides = array<i32>} : memref<256x1024xf32, #tpu.memory_space<vmem>>, vector<1x1024xf32>,
      %scan3A_2103 = arith.constant 208 : i32
      %get3A_2104 = arith.index_cast %arg0 : i32 to index
      %get3A_2105 = arith.index_cast %scan3A_2103 : i32 to index
      %get3A_2106 = memref.load %arg3[%get3A_2104, %get3A_2105] : memref<24x256xi32, #tpu.memory_space<smem>>
      %get3A_2107 = arith.index_cast %get3A_2106 : i32 to index
      %get3A_2108 = arith.constant 0 : index
      %get3A_2109 = vector.load %arg5[%get3A_2107, %get3A_2108] : memref<2048x1024xf32, #tpu.memory_space<vmem>>, vector<1x1024xf32>
      %swap3A_2110 = arith.index_cast %scan3A_2103 : i32 to index
      %swap3A_2111 = arith.constant 0 : index
      %swap3A_2112 = vector.load %arg12[%swap3A_2110, %swap3A_2111] : memref<256x1024xf32, #tpu.memory_space<vmem>>, vector<1x1024xf32>
      tpu.vector_store %arg12[%swap3A_2110, %swap3A_2111], %get3A_2109 {strides = array<i32>} : memref<256x1024xf32, #tpu.memory_space<vmem>>, vector<1x1024xf32>,
      %scan3A_2113 = arith.constant 209 : i32
      %get3A_2114 = arith.index_cast %arg0 : i32 to index
      %get3A_2115 = arith.index_cast %scan3A_2113 : i32 to index
      %get3A_2116 = memref.load %arg3[%get3A_2114, %get3A_2115] : memref<24x256xi32, #tpu.memory_space<smem>>
      %get3A_2117 = arith.index_cast %get3A_2116 : i32 to index
      %get3A_2118 = arith.constant 0 : index
      %get3A_2119 = vector.load %arg5[%get3A_2117, %get3A_2118] : memref<2048x1024xf32, #tpu.memory_space<vmem>>, vector<1x1024xf32>
      %swap3A_2120 = arith.index_cast %scan3A_2113 : i32 to index
      %swap3A_2121 = arith.constant 0 : index
      %swap3A_2122 = vector.load %arg12[%swap3A_2120, %swap3A_2121] : memref<256x1024xf32, #tpu.memory_space<vmem>>, vector<1x1024xf32>
      tpu.vector_store %arg12[%swap3A_2120, %swap3A_2121], %get3A_2119 {strides = array<i32>} : memref<256x1024xf32, #tpu.memory_space<vmem>>, vector<1x1024xf32>,
      %scan3A_2123 = arith.constant 210 : i32
      %get3A_2124 = arith.index_cast %arg0 : i32 to index
      %get3A_2125 = arith.index_cast %scan3A_2123 : i32 to index
      %get3A_2126 = memref.load %arg3[%get3A_2124, %get3A_2125] : memref<24x256xi32, #tpu.memory_space<smem>>
      %get3A_2127 = arith.index_cast %get3A_2126 : i32 to index
      %get3A_2128 = arith.constant 0 : index
      %get3A_2129 = vector.load %arg5[%get3A_2127, %get3A_2128] : memref<2048x1024xf32, #tpu.memory_space<vmem>>, vector<1x1024xf32>
      %swap3A_2130 = arith.index_cast %scan3A_2123 : i32 to index
      %swap3A_2131 = arith.constant 0 : index
      %swap3A_2132 = vector.load %arg12[%swap3A_2130, %swap3A_2131] : memref<256x1024xf32, #tpu.memory_space<vmem>>, vector<1x1024xf32>
      tpu.vector_store %arg12[%swap3A_2130, %swap3A_2131], %get3A_2129 {strides = array<i32>} : memref<256x1024xf32, #tpu.memory_space<vmem>>, vector<1x1024xf32>,
      %scan3A_2133 = arith.constant 211 : i32
      %get3A_2134 = arith.index_cast %arg0 : i32 to index
      %get3A_2135 = arith.index_cast %scan3A_2133 : i32 to index
      %get3A_2136 = memref.load %arg3[%get3A_2134, %get3A_2135] : memref<24x256xi32, #tpu.memory_space<smem>>
      %get3A_2137 = arith.index_cast %get3A_2136 : i32 to index
      %get3A_2138 = arith.constant 0 : index
      %get3A_2139 = vector.load %arg5[%get3A_2137, %get3A_2138] : memref<2048x1024xf32, #tpu.memory_space<vmem>>, vector<1x1024xf32>
      %swap3A_2140 = arith.index_cast %scan3A_2133 : i32 to index
      %swap3A_2141 = arith.constant 0 : index
      %swap3A_2142 = vector.load %arg12[%swap3A_2140, %swap3A_2141] : memref<256x1024xf32, #tpu.memory_space<vmem>>, vector<1x1024xf32>
      tpu.vector_store %arg12[%swap3A_2140, %swap3A_2141], %get3A_2139 {strides = array<i32>} : memref<256x1024xf32, #tpu.memory_space<vmem>>, vector<1x1024xf32>,
      %scan3A_2143 = arith.constant 212 : i32
      %get3A_2144 = arith.index_cast %arg0 : i32 to index
      %get3A_2145 = arith.index_cast %scan3A_2143 : i32 to index
      %get3A_2146 = memref.load %arg3[%get3A_2144, %get3A_2145] : memref<24x256xi32, #tpu.memory_space<smem>>
      %get3A_2147 = arith.index_cast %get3A_2146 : i32 to index
      %get3A_2148 = arith.constant 0 : index
      %get3A_2149 = vector.load %arg5[%get3A_2147, %get3A_2148] : memref<2048x1024xf32, #tpu.memory_space<vmem>>, vector<1x1024xf32>
      %swap3A_2150 = arith.index_cast %scan3A_2143 : i32 to index
      %swap3A_2151 = arith.constant 0 : index
      %swap3A_2152 = vector.load %arg12[%swap3A_2150, %swap3A_2151] : memref<256x1024xf32, #tpu.memory_space<vmem>>, vector<1x1024xf32>
      tpu.vector_store %arg12[%swap3A_2150, %swap3A_2151], %get3A_2149 {strides = array<i32>} : memref<256x1024xf32, #tpu.memory_space<vmem>>, vector<1x1024xf32>,
      %scan3A_2153 = arith.constant 213 : i32
      %get3A_2154 = arith.index_cast %arg0 : i32 to index
      %get3A_2155 = arith.index_cast %scan3A_2153 : i32 to index
      %get3A_2156 = memref.load %arg3[%get3A_2154, %get3A_2155] : memref<24x256xi32, #tpu.memory_space<smem>>
      %get3A_2157 = arith.index_cast %get3A_2156 : i32 to index
      %get3A_2158 = arith.constant 0 : index
      %get3A_2159 = vector.load %arg5[%get3A_2157, %get3A_2158] : memref<2048x1024xf32, #tpu.memory_space<vmem>>, vector<1x1024xf32>
      %swap3A_2160 = arith.index_cast %scan3A_2153 : i32 to index
      %swap3A_2161 = arith.constant 0 : index
      %swap3A_2162 = vector.load %arg12[%swap3A_2160, %swap3A_2161] : memref<256x1024xf32, #tpu.memory_space<vmem>>, vector<1x1024xf32>
      tpu.vector_store %arg12[%swap3A_2160, %swap3A_2161], %get3A_2159 {strides = array<i32>} : memref<256x1024xf32, #tpu.memory_space<vmem>>, vector<1x1024xf32>,
      %scan3A_2163 = arith.constant 214 : i32
      %get3A_2164 = arith.index_cast %arg0 : i32 to index
      %get3A_2165 = arith.index_cast %scan3A_2163 : i32 to index
      %get3A_2166 = memref.load %arg3[%get3A_2164, %get3A_2165] : memref<24x256xi32, #tpu.memory_space<smem>>
      %get3A_2167 = arith.index_cast %get3A_2166 : i32 to index
      %get3A_2168 = arith.constant 0 : index
      %get3A_2169 = vector.load %arg5[%get3A_2167, %get3A_2168] : memref<2048x1024xf32, #tpu.memory_space<vmem>>, vector<1x1024xf32>
      %swap3A_2170 = arith.index_cast %scan3A_2163 : i32 to index
      %swap3A_2171 = arith.constant 0 : index
      %swap3A_2172 = vector.load %arg12[%swap3A_2170, %swap3A_2171] : memref<256x1024xf32, #tpu.memory_space<vmem>>, vector<1x1024xf32>
      tpu.vector_store %arg12[%swap3A_2170, %swap3A_2171], %get3A_2169 {strides = array<i32>} : memref<256x1024xf32, #tpu.memory_space<vmem>>, vector<1x1024xf32>,
      %scan3A_2173 = arith.constant 215 : i32
      %get3A_2174 = arith.index_cast %arg0 : i32 to index
      %get3A_2175 = arith.index_cast %scan3A_2173 : i32 to index
      %get3A_2176 = memref.load %arg3[%get3A_2174, %get3A_2175] : memref<24x256xi32, #tpu.memory_space<smem>>
      %get3A_2177 = arith.index_cast %get3A_2176 : i32 to index
      %get3A_2178 = arith.constant 0 : index
      %get3A_2179 = vector.load %arg5[%get3A_2177, %get3A_2178] : memref<2048x1024xf32, #tpu.memory_space<vmem>>, vector<1x1024xf32>
      %swap3A_2180 = arith.index_cast %scan3A_2173 : i32 to index
      %swap3A_2181 = arith.constant 0 : index
      %swap3A_2182 = vector.load %arg12[%swap3A_2180, %swap3A_2181] : memref<256x1024xf32, #tpu.memory_space<vmem>>, vector<1x1024xf32>
      tpu.vector_store %arg12[%swap3A_2180, %swap3A_2181], %get3A_2179 {strides = array<i32>} : memref<256x1024xf32, #tpu.memory_space<vmem>>, vector<1x1024xf32>,
      %scan3A_2183 = arith.constant 216 : i32
      %get3A_2184 = arith.index_cast %arg0 : i32 to index
      %get3A_2185 = arith.index_cast %scan3A_2183 : i32 to index
      %get3A_2186 = memref.load %arg3[%get3A_2184, %get3A_2185] : memref<24x256xi32, #tpu.memory_space<smem>>
      %get3A_2187 = arith.index_cast %get3A_2186 : i32 to index
      %get3A_2188 = arith.constant 0 : index
      %get3A_2189 = vector.load %arg5[%get3A_2187, %get3A_2188] : memref<2048x1024xf32, #tpu.memory_space<vmem>>, vector<1x1024xf32>
      %swap3A_2190 = arith.index_cast %scan3A_2183 : i32 to index
      %swap3A_2191 = arith.constant 0 : index
      %swap3A_2192 = vector.load %arg12[%swap3A_2190, %swap3A_2191] : memref<256x1024xf32, #tpu.memory_space<vmem>>, vector<1x1024xf32>
      tpu.vector_store %arg12[%swap3A_2190, %swap3A_2191], %get3A_2189 {strides = array<i32>} : memref<256x1024xf32, #tpu.memory_space<vmem>>, vector<1x1024xf32>,
      %scan3A_2193 = arith.constant 217 : i32
      %get3A_2194 = arith.index_cast %arg0 : i32 to index
      %get3A_2195 = arith.index_cast %scan3A_2193 : i32 to index
      %get3A_2196 = memref.load %arg3[%get3A_2194, %get3A_2195] : memref<24x256xi32, #tpu.memory_space<smem>>
      %get3A_2197 = arith.index_cast %get3A_2196 : i32 to index
      %get3A_2198 = arith.constant 0 : index
      %get3A_2199 = vector.load %arg5[%get3A_2197, %get3A_2198] : memref<2048x1024xf32, #tpu.memory_space<vmem>>, vector<1x1024xf32>
      %swap3A_2200 = arith.index_cast %scan3A_2193 : i32 to index
      %swap3A_2201 = arith.constant 0 : index
      %swap3A_2202 = vector.load %arg12[%swap3A_2200, %swap3A_2201] : memref<256x1024xf32, #tpu.memory_space<vmem>>, vector<1x1024xf32>
      tpu.vector_store %arg12[%swap3A_2200, %swap3A_2201], %get3A_2199 {strides = array<i32>} : memref<256x1024xf32, #tpu.memory_space<vmem>>, vector<1x1024xf32>,
      %scan3A_2203 = arith.constant 218 : i32
      %get3A_2204 = arith.index_cast %arg0 : i32 to index
      %get3A_2205 = arith.index_cast %scan3A_2203 : i32 to index
      %get3A_2206 = memref.load %arg3[%get3A_2204, %get3A_2205] : memref<24x256xi32, #tpu.memory_space<smem>>
      %get3A_2207 = arith.index_cast %get3A_2206 : i32 to index
      %get3A_2208 = arith.constant 0 : index
      %get3A_2209 = vector.load %arg5[%get3A_2207, %get3A_2208] : memref<2048x1024xf32, #tpu.memory_space<vmem>>, vector<1x1024xf32>
      %swap3A_2210 = arith.index_cast %scan3A_2203 : i32 to index
      %swap3A_2211 = arith.constant 0 : index
      %swap3A_2212 = vector.load %arg12[%swap3A_2210, %swap3A_2211] : memref<256x1024xf32, #tpu.memory_space<vmem>>, vector<1x1024xf32>
      tpu.vector_store %arg12[%swap3A_2210, %swap3A_2211], %get3A_2209 {strides = array<i32>} : memref<256x1024xf32, #tpu.memory_space<vmem>>, vector<1x1024xf32>,
      %scan3A_2213 = arith.constant 219 : i32
      %get3A_2214 = arith.index_cast %arg0 : i32 to index
      %get3A_2215 = arith.index_cast %scan3A_2213 : i32 to index
      %get3A_2216 = memref.load %arg3[%get3A_2214, %get3A_2215] : memref<24x256xi32, #tpu.memory_space<smem>>
      %get3A_2217 = arith.index_cast %get3A_2216 : i32 to index
      %get3A_2218 = arith.constant 0 : index
      %get3A_2219 = vector.load %arg5[%get3A_2217, %get3A_2218] : memref<2048x1024xf32, #tpu.memory_space<vmem>>, vector<1x1024xf32>
      %swap3A_2220 = arith.index_cast %scan3A_2213 : i32 to index
      %swap3A_2221 = arith.constant 0 : index
      %swap3A_2222 = vector.load %arg12[%swap3A_2220, %swap3A_2221] : memref<256x1024xf32, #tpu.memory_space<vmem>>, vector<1x1024xf32>
      tpu.vector_store %arg12[%swap3A_2220, %swap3A_2221], %get3A_2219 {strides = array<i32>} : memref<256x1024xf32, #tpu.memory_space<vmem>>, vector<1x1024xf32>,
      %scan3A_2223 = arith.constant 220 : i32
      %get3A_2224 = arith.index_cast %arg0 : i32 to index
      %get3A_2225 = arith.index_cast %scan3A_2223 : i32 to index
      %get3A_2226 = memref.load %arg3[%get3A_2224, %get3A_2225] : memref<24x256xi32, #tpu.memory_space<smem>>
      %get3A_2227 = arith.index_cast %get3A_2226 : i32 to index
      %get3A_2228 = arith.constant 0 : index
      %get3A_2229 = vector.load %arg5[%get3A_2227, %get3A_2228] : memref<2048x1024xf32, #tpu.memory_space<vmem>>, vector<1x1024xf32>
      %swap3A_2230 = arith.index_cast %scan3A_2223 : i32 to index
      %swap3A_2231 = arith.constant 0 : index
      %swap3A_2232 = vector.load %arg12[%swap3A_2230, %swap3A_2231] : memref<256x1024xf32, #tpu.memory_space<vmem>>, vector<1x1024xf32>
      tpu.vector_store %arg12[%swap3A_2230, %swap3A_2231], %get3A_2229 {strides = array<i32>} : memref<256x1024xf32, #tpu.memory_space<vmem>>, vector<1x1024xf32>,
      %scan3A_2233 = arith.constant 221 : i32
      %get3A_2234 = arith.index_cast %arg0 : i32 to index
      %get3A_2235 = arith.index_cast %scan3A_2233 : i32 to index
      %get3A_2236 = memref.load %arg3[%get3A_2234, %get3A_2235] : memref<24x256xi32, #tpu.memory_space<smem>>
      %get3A_2237 = arith.index_cast %get3A_2236 : i32 to index
      %get3A_2238 = arith.constant 0 : index
      %get3A_2239 = vector.load %arg5[%get3A_2237, %get3A_2238] : memref<2048x1024xf32, #tpu.memory_space<vmem>>, vector<1x1024xf32>
      %swap3A_2240 = arith.index_cast %scan3A_2233 : i32 to index
      %swap3A_2241 = arith.constant 0 : index
      %swap3A_2242 = vector.load %arg12[%swap3A_2240, %swap3A_2241] : memref<256x1024xf32, #tpu.memory_space<vmem>>, vector<1x1024xf32>
      tpu.vector_store %arg12[%swap3A_2240, %swap3A_2241], %get3A_2239 {strides = array<i32>} : memref<256x1024xf32, #tpu.memory_space<vmem>>, vector<1x1024xf32>,
      %scan3A_2243 = arith.constant 222 : i32
      %get3A_2244 = arith.index_cast %arg0 : i32 to index
      %get3A_2245 = arith.index_cast %scan3A_2243 : i32 to index
      %get3A_2246 = memref.load %arg3[%get3A_2244, %get3A_2245] : memref<24x256xi32, #tpu.memory_space<smem>>
      %get3A_2247 = arith.index_cast %get3A_2246 : i32 to index
      %get3A_2248 = arith.constant 0 : index
      %get3A_2249 = vector.load %arg5[%get3A_2247, %get3A_2248] : memref<2048x1024xf32, #tpu.memory_space<vmem>>, vector<1x1024xf32>
      %swap3A_2250 = arith.index_cast %scan3A_2243 : i32 to index
      %swap3A_2251 = arith.constant 0 : index
      %swap3A_2252 = vector.load %arg12[%swap3A_2250, %swap3A_2251] : memref<256x1024xf32, #tpu.memory_space<vmem>>, vector<1x1024xf32>
      tpu.vector_store %arg12[%swap3A_2250, %swap3A_2251], %get3A_2249 {strides = array<i32>} : memref<256x1024xf32, #tpu.memory_space<vmem>>, vector<1x1024xf32>,
      %scan3A_2253 = arith.constant 223 : i32
      %get3A_2254 = arith.index_cast %arg0 : i32 to index
      %get3A_2255 = arith.index_cast %scan3A_2253 : i32 to index
      %get3A_2256 = memref.load %arg3[%get3A_2254, %get3A_2255] : memref<24x256xi32, #tpu.memory_space<smem>>
      %get3A_2257 = arith.index_cast %get3A_2256 : i32 to index
      %get3A_2258 = arith.constant 0 : index
      %get3A_2259 = vector.load %arg5[%get3A_2257, %get3A_2258] : memref<2048x1024xf32, #tpu.memory_space<vmem>>, vector<1x1024xf32>
      %swap3A_2260 = arith.index_cast %scan3A_2253 : i32 to index
      %swap3A_2261 = arith.constant 0 : index
      %swap3A_2262 = vector.load %arg12[%swap3A_2260, %swap3A_2261] : memref<256x1024xf32, #tpu.memory_space<vmem>>, vector<1x1024xf32>
      tpu.vector_store %arg12[%swap3A_2260, %swap3A_2261], %get3A_2259 {strides = array<i32>} : memref<256x1024xf32, #tpu.memory_space<vmem>>, vector<1x1024xf32>,
      %scan3A_2263 = arith.constant 224 : i32
      %get3A_2264 = arith.index_cast %arg0 : i32 to index
      %get3A_2265 = arith.index_cast %scan3A_2263 : i32 to index
      %get3A_2266 = memref.load %arg3[%get3A_2264, %get3A_2265] : memref<24x256xi32, #tpu.memory_space<smem>>
      %get3A_2267 = arith.index_cast %get3A_2266 : i32 to index
      %get3A_2268 = arith.constant 0 : index
      %get3A_2269 = vector.load %arg5[%get3A_2267, %get3A_2268] : memref<2048x1024xf32, #tpu.memory_space<vmem>>, vector<1x1024xf32>
      %swap3A_2270 = arith.index_cast %scan3A_2263 : i32 to index
      %swap3A_2271 = arith.constant 0 : index
      %swap3A_2272 = vector.load %arg12[%swap3A_2270, %swap3A_2271] : memref<256x1024xf32, #tpu.memory_space<vmem>>, vector<1x1024xf32>
      tpu.vector_store %arg12[%swap3A_2270, %swap3A_2271], %get3A_2269 {strides = array<i32>} : memref<256x1024xf32, #tpu.memory_space<vmem>>, vector<1x1024xf32>,
      %scan3A_2273 = arith.constant 225 : i32
      %get3A_2274 = arith.index_cast %arg0 : i32 to index
      %get3A_2275 = arith.index_cast %scan3A_2273 : i32 to index
      %get3A_2276 = memref.load %arg3[%get3A_2274, %get3A_2275] : memref<24x256xi32, #tpu.memory_space<smem>>
      %get3A_2277 = arith.index_cast %get3A_2276 : i32 to index
      %get3A_2278 = arith.constant 0 : index
      %get3A_2279 = vector.load %arg5[%get3A_2277, %get3A_2278] : memref<2048x1024xf32, #tpu.memory_space<vmem>>, vector<1x1024xf32>
      %swap3A_2280 = arith.index_cast %scan3A_2273 : i32 to index
      %swap3A_2281 = arith.constant 0 : index
      %swap3A_2282 = vector.load %arg12[%swap3A_2280, %swap3A_2281] : memref<256x1024xf32, #tpu.memory_space<vmem>>, vector<1x1024xf32>
      tpu.vector_store %arg12[%swap3A_2280, %swap3A_2281], %get3A_2279 {strides = array<i32>} : memref<256x1024xf32, #tpu.memory_space<vmem>>, vector<1x1024xf32>,
      %scan3A_2283 = arith.constant 226 : i32
      %get3A_2284 = arith.index_cast %arg0 : i32 to index
      %get3A_2285 = arith.index_cast %scan3A_2283 : i32 to index
      %get3A_2286 = memref.load %arg3[%get3A_2284, %get3A_2285] : memref<24x256xi32, #tpu.memory_space<smem>>
      %get3A_2287 = arith.index_cast %get3A_2286 : i32 to index
      %get3A_2288 = arith.constant 0 : index
      %get3A_2289 = vector.load %arg5[%get3A_2287, %get3A_2288] : memref<2048x1024xf32, #tpu.memory_space<vmem>>, vector<1x1024xf32>
      %swap3A_2290 = arith.index_cast %scan3A_2283 : i32 to index
      %swap3A_2291 = arith.constant 0 : index
      %swap3A_2292 = vector.load %arg12[%swap3A_2290, %swap3A_2291] : memref<256x1024xf32, #tpu.memory_space<vmem>>, vector<1x1024xf32>
      tpu.vector_store %arg12[%swap3A_2290, %swap3A_2291], %get3A_2289 {strides = array<i32>} : memref<256x1024xf32, #tpu.memory_space<vmem>>, vector<1x1024xf32>,
      %scan3A_2293 = arith.constant 227 : i32
      %get3A_2294 = arith.index_cast %arg0 : i32 to index
      %get3A_2295 = arith.index_cast %scan3A_2293 : i32 to index
      %get3A_2296 = memref.load %arg3[%get3A_2294, %get3A_2295] : memref<24x256xi32, #tpu.memory_space<smem>>
      %get3A_2297 = arith.index_cast %get3A_2296 : i32 to index
      %get3A_2298 = arith.constant 0 : index
      %get3A_2299 = vector.load %arg5[%get3A_2297, %get3A_2298] : memref<2048x1024xf32, #tpu.memory_space<vmem>>, vector<1x1024xf32>
      %swap3A_2300 = arith.index_cast %scan3A_2293 : i32 to index
      %swap3A_2301 = arith.constant 0 : index
      %swap3A_2302 = vector.load %arg12[%swap3A_2300, %swap3A_2301] : memref<256x1024xf32, #tpu.memory_space<vmem>>, vector<1x1024xf32>
      tpu.vector_store %arg12[%swap3A_2300, %swap3A_2301], %get3A_2299 {strides = array<i32>} : memref<256x1024xf32, #tpu.memory_space<vmem>>, vector<1x1024xf32>,
      %scan3A_2303 = arith.constant 228 : i32
      %get3A_2304 = arith.index_cast %arg0 : i32 to index
      %get3A_2305 = arith.index_cast %scan3A_2303 : i32 to index
      %get3A_2306 = memref.load %arg3[%get3A_2304, %get3A_2305] : memref<24x256xi32, #tpu.memory_space<smem>>
      %get3A_2307 = arith.index_cast %get3A_2306 : i32 to index
      %get3A_2308 = arith.constant 0 : index
      %get3A_2309 = vector.load %arg5[%get3A_2307, %get3A_2308] : memref<2048x1024xf32, #tpu.memory_space<vmem>>, vector<1x1024xf32>
      %swap3A_2310 = arith.index_cast %scan3A_2303 : i32 to index
      %swap3A_2311 = arith.constant 0 : index
      %swap3A_2312 = vector.load %arg12[%swap3A_2310, %swap3A_2311] : memref<256x1024xf32, #tpu.memory_space<vmem>>, vector<1x1024xf32>
      tpu.vector_store %arg12[%swap3A_2310, %swap3A_2311], %get3A_2309 {strides = array<i32>} : memref<256x1024xf32, #tpu.memory_space<vmem>>, vector<1x1024xf32>,
      %scan3A_2313 = arith.constant 229 : i32
      %get3A_2314 = arith.index_cast %arg0 : i32 to index
      %get3A_2315 = arith.index_cast %scan3A_2313 : i32 to index
      %get3A_2316 = memref.load %arg3[%get3A_2314, %get3A_2315] : memref<24x256xi32, #tpu.memory_space<smem>>
      %get3A_2317 = arith.index_cast %get3A_2316 : i32 to index
      %get3A_2318 = arith.constant 0 : index
      %get3A_2319 = vector.load %arg5[%get3A_2317, %get3A_2318] : memref<2048x1024xf32, #tpu.memory_space<vmem>>, vector<1x1024xf32>
      %swap3A_2320 = arith.index_cast %scan3A_2313 : i32 to index
      %swap3A_2321 = arith.constant 0 : index
      %swap3A_2322 = vector.load %arg12[%swap3A_2320, %swap3A_2321] : memref<256x1024xf32, #tpu.memory_space<vmem>>, vector<1x1024xf32>
      tpu.vector_store %arg12[%swap3A_2320, %swap3A_2321], %get3A_2319 {strides = array<i32>} : memref<256x1024xf32, #tpu.memory_space<vmem>>, vector<1x1024xf32>,
      %scan3A_2323 = arith.constant 230 : i32
      %get3A_2324 = arith.index_cast %arg0 : i32 to index
      %get3A_2325 = arith.index_cast %scan3A_2323 : i32 to index
      %get3A_2326 = memref.load %arg3[%get3A_2324, %get3A_2325] : memref<24x256xi32, #tpu.memory_space<smem>>
      %get3A_2327 = arith.index_cast %get3A_2326 : i32 to index
      %get3A_2328 = arith.constant 0 : index
      %get3A_2329 = vector.load %arg5[%get3A_2327, %get3A_2328] : memref<2048x1024xf32, #tpu.memory_space<vmem>>, vector<1x1024xf32>
      %swap3A_2330 = arith.index_cast %scan3A_2323 : i32 to index
      %swap3A_2331 = arith.constant 0 : index
      %swap3A_2332 = vector.load %arg12[%swap3A_2330, %swap3A_2331] : memref<256x1024xf32, #tpu.memory_space<vmem>>, vector<1x1024xf32>
      tpu.vector_store %arg12[%swap3A_2330, %swap3A_2331], %get3A_2329 {strides = array<i32>} : memref<256x1024xf32, #tpu.memory_space<vmem>>, vector<1x1024xf32>,
      %scan3A_2333 = arith.constant 231 : i32
      %get3A_2334 = arith.index_cast %arg0 : i32 to index
      %get3A_2335 = arith.index_cast %scan3A_2333 : i32 to index
      %get3A_2336 = memref.load %arg3[%get3A_2334, %get3A_2335] : memref<24x256xi32, #tpu.memory_space<smem>>
      %get3A_2337 = arith.index_cast %get3A_2336 : i32 to index
      %get3A_2338 = arith.constant 0 : index
      %get3A_2339 = vector.load %arg5[%get3A_2337, %get3A_2338] : memref<2048x1024xf32, #tpu.memory_space<vmem>>, vector<1x1024xf32>
      %swap3A_2340 = arith.index_cast %scan3A_2333 : i32 to index
      %swap3A_2341 = arith.constant 0 : index
      %swap3A_2342 = vector.load %arg12[%swap3A_2340, %swap3A_2341] : memref<256x1024xf32, #tpu.memory_space<vmem>>, vector<1x1024xf32>
      tpu.vector_store %arg12[%swap3A_2340, %swap3A_2341], %get3A_2339 {strides = array<i32>} : memref<256x1024xf32, #tpu.memory_space<vmem>>, vector<1x1024xf32>,
      %scan3A_2343 = arith.constant 232 : i32
      %get3A_2344 = arith.index_cast %arg0 : i32 to index
      %get3A_2345 = arith.index_cast %scan3A_2343 : i32 to index
      %get3A_2346 = memref.load %arg3[%get3A_2344, %get3A_2345] : memref<24x256xi32, #tpu.memory_space<smem>>
      %get3A_2347 = arith.index_cast %get3A_2346 : i32 to index
      %get3A_2348 = arith.constant 0 : index
      %get3A_2349 = vector.load %arg5[%get3A_2347, %get3A_2348] : memref<2048x1024xf32, #tpu.memory_space<vmem>>, vector<1x1024xf32>
      %swap3A_2350 = arith.index_cast %scan3A_2343 : i32 to index
      %swap3A_2351 = arith.constant 0 : index
      %swap3A_2352 = vector.load %arg12[%swap3A_2350, %swap3A_2351] : memref<256x1024xf32, #tpu.memory_space<vmem>>, vector<1x1024xf32>
      tpu.vector_store %arg12[%swap3A_2350, %swap3A_2351], %get3A_2349 {strides = array<i32>} : memref<256x1024xf32, #tpu.memory_space<vmem>>, vector<1x1024xf32>,
      %scan3A_2353 = arith.constant 233 : i32
      %get3A_2354 = arith.index_cast %arg0 : i32 to index
      %get3A_2355 = arith.index_cast %scan3A_2353 : i32 to index
      %get3A_2356 = memref.load %arg3[%get3A_2354, %get3A_2355] : memref<24x256xi32, #tpu.memory_space<smem>>
      %get3A_2357 = arith.index_cast %get3A_2356 : i32 to index
      %get3A_2358 = arith.constant 0 : index
      %get3A_2359 = vector.load %arg5[%get3A_2357, %get3A_2358] : memref<2048x1024xf32, #tpu.memory_space<vmem>>, vector<1x1024xf32>
      %swap3A_2360 = arith.index_cast %scan3A_2353 : i32 to index
      %swap3A_2361 = arith.constant 0 : index
      %swap3A_2362 = vector.load %arg12[%swap3A_2360, %swap3A_2361] : memref<256x1024xf32, #tpu.memory_space<vmem>>, vector<1x1024xf32>
      tpu.vector_store %arg12[%swap3A_2360, %swap3A_2361], %get3A_2359 {strides = array<i32>} : memref<256x1024xf32, #tpu.memory_space<vmem>>, vector<1x1024xf32>,
      %scan3A_2363 = arith.constant 234 : i32
      %get3A_2364 = arith.index_cast %arg0 : i32 to index
      %get3A_2365 = arith.index_cast %scan3A_2363 : i32 to index
      %get3A_2366 = memref.load %arg3[%get3A_2364, %get3A_2365] : memref<24x256xi32, #tpu.memory_space<smem>>
      %get3A_2367 = arith.index_cast %get3A_2366 : i32 to index
      %get3A_2368 = arith.constant 0 : index
      %get3A_2369 = vector.load %arg5[%get3A_2367, %get3A_2368] : memref<2048x1024xf32, #tpu.memory_space<vmem>>, vector<1x1024xf32>
      %swap3A_2370 = arith.index_cast %scan3A_2363 : i32 to index
      %swap3A_2371 = arith.constant 0 : index
      %swap3A_2372 = vector.load %arg12[%swap3A_2370, %swap3A_2371] : memref<256x1024xf32, #tpu.memory_space<vmem>>, vector<1x1024xf32>
      tpu.vector_store %arg12[%swap3A_2370, %swap3A_2371], %get3A_2369 {strides = array<i32>} : memref<256x1024xf32, #tpu.memory_space<vmem>>, vector<1x1024xf32>,
      %scan3A_2373 = arith.constant 235 : i32
      %get3A_2374 = arith.index_cast %arg0 : i32 to index
      %get3A_2375 = arith.index_cast %scan3A_2373 : i32 to index
      %get3A_2376 = memref.load %arg3[%get3A_2374, %get3A_2375] : memref<24x256xi32, #tpu.memory_space<smem>>
      %get3A_2377 = arith.index_cast %get3A_2376 : i32 to index
      %get3A_2378 = arith.constant 0 : index
      %get3A_2379 = vector.load %arg5[%get3A_2377, %get3A_2378] : memref<2048x1024xf32, #tpu.memory_space<vmem>>, vector<1x1024xf32>
      %swap3A_2380 = arith.index_cast %scan3A_2373 : i32 to index
      %swap3A_2381 = arith.constant 0 : index
      %swap3A_2382 = vector.load %arg12[%swap3A_2380, %swap3A_2381] : memref<256x1024xf32, #tpu.memory_space<vmem>>, vector<1x1024xf32>
      tpu.vector_store %arg12[%swap3A_2380, %swap3A_2381], %get3A_2379 {strides = array<i32>} : memref<256x1024xf32, #tpu.memory_space<vmem>>, vector<1x1024xf32>,
      %scan3A_2383 = arith.constant 236 : i32
      %get3A_2384 = arith.index_cast %arg0 : i32 to index
      %get3A_2385 = arith.index_cast %scan3A_2383 : i32 to index
      %get3A_2386 = memref.load %arg3[%get3A_2384, %get3A_2385] : memref<24x256xi32, #tpu.memory_space<smem>>
      %get3A_2387 = arith.index_cast %get3A_2386 : i32 to index
      %get3A_2388 = arith.constant 0 : index
      %get3A_2389 = vector.load %arg5[%get3A_2387, %get3A_2388] : memref<2048x1024xf32, #tpu.memory_space<vmem>>, vector<1x1024xf32>
      %swap3A_2390 = arith.index_cast %scan3A_2383 : i32 to index
      %swap3A_2391 = arith.constant 0 : index
      %swap3A_2392 = vector.load %arg12[%swap3A_2390, %swap3A_2391] : memref<256x1024xf32, #tpu.memory_space<vmem>>, vector<1x1024xf32>
      tpu.vector_store %arg12[%swap3A_2390, %swap3A_2391], %get3A_2389 {strides = array<i32>} : memref<256x1024xf32, #tpu.memory_space<vmem>>, vector<1x1024xf32>,
      %scan3A_2393 = arith.constant 237 : i32
      %get3A_2394 = arith.index_cast %arg0 : i32 to index
      %get3A_2395 = arith.index_cast %scan3A_2393 : i32 to index
      %get3A_2396 = memref.load %arg3[%get3A_2394, %get3A_2395] : memref<24x256xi32, #tpu.memory_space<smem>>
      %get3A_2397 = arith.index_cast %get3A_2396 : i32 to index
      %get3A_2398 = arith.constant 0 : index
      %get3A_2399 = vector.load %arg5[%get3A_2397, %get3A_2398] : memref<2048x1024xf32, #tpu.memory_space<vmem>>, vector<1x1024xf32>
      %swap3A_2400 = arith.index_cast %scan3A_2393 : i32 to index
      %swap3A_2401 = arith.constant 0 : index
      %swap3A_2402 = vector.load %arg12[%swap3A_2400, %swap3A_2401] : memref<256x1024xf32, #tpu.memory_space<vmem>>, vector<1x1024xf32>
      tpu.vector_store %arg12[%swap3A_2400, %swap3A_2401], %get3A_2399 {strides = array<i32>} : memref<256x1024xf32, #tpu.memory_space<vmem>>, vector<1x1024xf32>,
      %scan3A_2403 = arith.constant 238 : i32
      %get3A_2404 = arith.index_cast %arg0 : i32 to index
      %get3A_2405 = arith.index_cast %scan3A_2403 : i32 to index
      %get3A_2406 = memref.load %arg3[%get3A_2404, %get3A_2405] : memref<24x256xi32, #tpu.memory_space<smem>>
      %get3A_2407 = arith.index_cast %get3A_2406 : i32 to index
      %get3A_2408 = arith.constant 0 : index
      %get3A_2409 = vector.load %arg5[%get3A_2407, %get3A_2408] : memref<2048x1024xf32, #tpu.memory_space<vmem>>, vector<1x1024xf32>
      %swap3A_2410 = arith.index_cast %scan3A_2403 : i32 to index
      %swap3A_2411 = arith.constant 0 : index
      %swap3A_2412 = vector.load %arg12[%swap3A_2410, %swap3A_2411] : memref<256x1024xf32, #tpu.memory_space<vmem>>, vector<1x1024xf32>
      tpu.vector_store %arg12[%swap3A_2410, %swap3A_2411], %get3A_2409 {strides = array<i32>} : memref<256x1024xf32, #tpu.memory_space<vmem>>, vector<1x1024xf32>,
      %scan3A_2413 = arith.constant 239 : i32
      %get3A_2414 = arith.index_cast %arg0 : i32 to index
      %get3A_2415 = arith.index_cast %scan3A_2413 : i32 to index
      %get3A_2416 = memref.load %arg3[%get3A_2414, %get3A_2415] : memref<24x256xi32, #tpu.memory_space<smem>>
      %get3A_2417 = arith.index_cast %get3A_2416 : i32 to index
      %get3A_2418 = arith.constant 0 : index
      %get3A_2419 = vector.load %arg5[%get3A_2417, %get3A_2418] : memref<2048x1024xf32, #tpu.memory_space<vmem>>, vector<1x1024xf32>
      %swap3A_2420 = arith.index_cast %scan3A_2413 : i32 to index
      %swap3A_2421 = arith.constant 0 : index
      %swap3A_2422 = vector.load %arg12[%swap3A_2420, %swap3A_2421] : memref<256x1024xf32, #tpu.memory_space<vmem>>, vector<1x1024xf32>
      tpu.vector_store %arg12[%swap3A_2420, %swap3A_2421], %get3A_2419 {strides = array<i32>} : memref<256x1024xf32, #tpu.memory_space<vmem>>, vector<1x1024xf32>,
      %scan3A_2423 = arith.constant 240 : i32
      %get3A_2424 = arith.index_cast %arg0 : i32 to index
      %get3A_2425 = arith.index_cast %scan3A_2423 : i32 to index
      %get3A_2426 = memref.load %arg3[%get3A_2424, %get3A_2425] : memref<24x256xi32, #tpu.memory_space<smem>>
      %get3A_2427 = arith.index_cast %get3A_2426 : i32 to index
      %get3A_2428 = arith.constant 0 : index
      %get3A_2429 = vector.load %arg5[%get3A_2427, %get3A_2428] : memref<2048x1024xf32, #tpu.memory_space<vmem>>, vector<1x1024xf32>
      %swap3A_2430 = arith.index_cast %scan3A_2423 : i32 to index
      %swap3A_2431 = arith.constant 0 : index
      %swap3A_2432 = vector.load %arg12[%swap3A_2430, %swap3A_2431] : memref<256x1024xf32, #tpu.memory_space<vmem>>, vector<1x1024xf32>
      tpu.vector_store %arg12[%swap3A_2430, %swap3A_2431], %get3A_2429 {strides = array<i32>} : memref<256x1024xf32, #tpu.memory_space<vmem>>, vector<1x1024xf32>,
      %scan3A_2433 = arith.constant 241 : i32
      %get3A_2434 = arith.index_cast %arg0 : i32 to index
      %get3A_2435 = arith.index_cast %scan3A_2433 : i32 to index
      %get3A_2436 = memref.load %arg3[%get3A_2434, %get3A_2435] : memref<24x256xi32, #tpu.memory_space<smem>>
      %get3A_2437 = arith.index_cast %get3A_2436 : i32 to index
      %get3A_2438 = arith.constant 0 : index
      %get3A_2439 = vector.load %arg5[%get3A_2437, %get3A_2438] : memref<2048x1024xf32, #tpu.memory_space<vmem>>, vector<1x1024xf32>
      %swap3A_2440 = arith.index_cast %scan3A_2433 : i32 to index
      %swap3A_2441 = arith.constant 0 : index
      %swap3A_2442 = vector.load %arg12[%swap3A_2440, %swap3A_2441] : memref<256x1024xf32, #tpu.memory_space<vmem>>, vector<1x1024xf32>
      tpu.vector_store %arg12[%swap3A_2440, %swap3A_2441], %get3A_2439 {strides = array<i32>} : memref<256x1024xf32, #tpu.memory_space<vmem>>, vector<1x1024xf32>,
      %scan3A_2443 = arith.constant 242 : i32
      %get3A_2444 = arith.index_cast %arg0 : i32 to index
      %get3A_2445 = arith.index_cast %scan3A_2443 : i32 to index
      %get3A_2446 = memref.load %arg3[%get3A_2444, %get3A_2445] : memref<24x256xi32, #tpu.memory_space<smem>>
      %get3A_2447 = arith.index_cast %get3A_2446 : i32 to index
      %get3A_2448 = arith.constant 0 : index
      %get3A_2449 = vector.load %arg5[%get3A_2447, %get3A_2448] : memref<2048x1024xf32, #tpu.memory_space<vmem>>, vector<1x1024xf32>
      %swap3A_2450 = arith.index_cast %scan3A_2443 : i32 to index
      %swap3A_2451 = arith.constant 0 : index
      %swap3A_2452 = vector.load %arg12[%swap3A_2450, %swap3A_2451] : memref<256x1024xf32, #tpu.memory_space<vmem>>, vector<1x1024xf32>
      tpu.vector_store %arg12[%swap3A_2450, %swap3A_2451], %get3A_2449 {strides = array<i32>} : memref<256x1024xf32, #tpu.memory_space<vmem>>, vector<1x1024xf32>,
      %scan3A_2453 = arith.constant 243 : i32
      %get3A_2454 = arith.index_cast %arg0 : i32 to index
      %get3A_2455 = arith.index_cast %scan3A_2453 : i32 to index
      %get3A_2456 = memref.load %arg3[%get3A_2454, %get3A_2455] : memref<24x256xi32, #tpu.memory_space<smem>>
      %get3A_2457 = arith.index_cast %get3A_2456 : i32 to index
      %get3A_2458 = arith.constant 0 : index
      %get3A_2459 = vector.load %arg5[%get3A_2457, %get3A_2458] : memref<2048x1024xf32, #tpu.memory_space<vmem>>, vector<1x1024xf32>
      %swap3A_2460 = arith.index_cast %scan3A_2453 : i32 to index
      %swap3A_2461 = arith.constant 0 : index
      %swap3A_2462 = vector.load %arg12[%swap3A_2460, %swap3A_2461] : memref<256x1024xf32, #tpu.memory_space<vmem>>, vector<1x1024xf32>
      tpu.vector_store %arg12[%swap3A_2460, %swap3A_2461], %get3A_2459 {strides = array<i32>} : memref<256x1024xf32, #tpu.memory_space<vmem>>, vector<1x1024xf32>,
      %scan3A_2463 = arith.constant 244 : i32
      %get3A_2464 = arith.index_cast %arg0 : i32 to index
      %get3A_2465 = arith.index_cast %scan3A_2463 : i32 to index
      %get3A_2466 = memref.load %arg3[%get3A_2464, %get3A_2465] : memref<24x256xi32, #tpu.memory_space<smem>>
      %get3A_2467 = arith.index_cast %get3A_2466 : i32 to index
      %get3A_2468 = arith.constant 0 : index
      %get3A_2469 = vector.load %arg5[%get3A_2467, %get3A_2468] : memref<2048x1024xf32, #tpu.memory_space<vmem>>, vector<1x1024xf32>
      %swap3A_2470 = arith.index_cast %scan3A_2463 : i32 to index
      %swap3A_2471 = arith.constant 0 : index
      %swap3A_2472 = vector.load %arg12[%swap3A_2470, %swap3A_2471] : memref<256x1024xf32, #tpu.memory_space<vmem>>, vector<1x1024xf32>
      tpu.vector_store %arg12[%swap3A_2470, %swap3A_2471], %get3A_2469 {strides = array<i32>} : memref<256x1024xf32, #tpu.memory_space<vmem>>, vector<1x1024xf32>,
      %scan3A_2473 = arith.constant 245 : i32
      %get3A_2474 = arith.index_cast %arg0 : i32 to index
      %get3A_2475 = arith.index_cast %scan3A_2473 : i32 to index
      %get3A_2476 = memref.load %arg3[%get3A_2474, %get3A_2475] : memref<24x256xi32, #tpu.memory_space<smem>>
      %get3A_2477 = arith.index_cast %get3A_2476 : i32 to index
      %get3A_2478 = arith.constant 0 : index
      %get3A_2479 = vector.load %arg5[%get3A_2477, %get3A_2478] : memref<2048x1024xf32, #tpu.memory_space<vmem>>, vector<1x1024xf32>
      %swap3A_2480 = arith.index_cast %scan3A_2473 : i32 to index
      %swap3A_2481 = arith.constant 0 : index
      %swap3A_2482 = vector.load %arg12[%swap3A_2480, %swap3A_2481] : memref<256x1024xf32, #tpu.memory_space<vmem>>, vector<1x1024xf32>
      tpu.vector_store %arg12[%swap3A_2480, %swap3A_2481], %get3A_2479 {strides = array<i32>} : memref<256x1024xf32, #tpu.memory_space<vmem>>, vector<1x1024xf32>,
      %scan3A_2483 = arith.constant 246 : i32
      %get3A_2484 = arith.index_cast %arg0 : i32 to index
      %get3A_2485 = arith.index_cast %scan3A_2483 : i32 to index
      %get3A_2486 = memref.load %arg3[%get3A_2484, %get3A_2485] : memref<24x256xi32, #tpu.memory_space<smem>>
      %get3A_2487 = arith.index_cast %get3A_2486 : i32 to index
      %get3A_2488 = arith.constant 0 : index
      %get3A_2489 = vector.load %arg5[%get3A_2487, %get3A_2488] : memref<2048x1024xf32, #tpu.memory_space<vmem>>, vector<1x1024xf32>
      %swap3A_2490 = arith.index_cast %scan3A_2483 : i32 to index
      %swap3A_2491 = arith.constant 0 : index
      %swap3A_2492 = vector.load %arg12[%swap3A_2490, %swap3A_2491] : memref<256x1024xf32, #tpu.memory_space<vmem>>, vector<1x1024xf32>
      tpu.vector_store %arg12[%swap3A_2490, %swap3A_2491], %get3A_2489 {strides = array<i32>} : memref<256x1024xf32, #tpu.memory_space<vmem>>, vector<1x1024xf32>,
      %scan3A_2493 = arith.constant 247 : i32
      %get3A_2494 = arith.index_cast %arg0 : i32 to index
      %get3A_2495 = arith.index_cast %scan3A_2493 : i32 to index
      %get3A_2496 = memref.load %arg3[%get3A_2494, %get3A_2495] : memref<24x256xi32, #tpu.memory_space<smem>>
      %get3A_2497 = arith.index_cast %get3A_2496 : i32 to index
      %get3A_2498 = arith.constant 0 : index
      %get3A_2499 = vector.load %arg5[%get3A_2497, %get3A_2498] : memref<2048x1024xf32, #tpu.memory_space<vmem>>, vector<1x1024xf32>
      %swap3A_2500 = arith.index_cast %scan3A_2493 : i32 to index
      %swap3A_2501 = arith.constant 0 : index
      %swap3A_2502 = vector.load %arg12[%swap3A_2500, %swap3A_2501] : memref<256x1024xf32, #tpu.memory_space<vmem>>, vector<1x1024xf32>
      tpu.vector_store %arg12[%swap3A_2500, %swap3A_2501], %get3A_2499 {strides = array<i32>} : memref<256x1024xf32, #tpu.memory_space<vmem>>, vector<1x1024xf32>,
      %scan3A_2503 = arith.constant 248 : i32
      %get3A_2504 = arith.index_cast %arg0 : i32 to index
      %get3A_2505 = arith.index_cast %scan3A_2503 : i32 to index
      %get3A_2506 = memref.load %arg3[%get3A_2504, %get3A_2505] : memref<24x256xi32, #tpu.memory_space<smem>>
      %get3A_2507 = arith.index_cast %get3A_2506 : i32 to index
      %get3A_2508 = arith.constant 0 : index
      %get3A_2509 = vector.load %arg5[%get3A_2507, %get3A_2508] : memref<2048x1024xf32, #tpu.memory_space<vmem>>, vector<1x1024xf32>
      %swap3A_2510 = arith.index_cast %scan3A_2503 : i32 to index
      %swap3A_2511 = arith.constant 0 : index
      %swap3A_2512 = vector.load %arg12[%swap3A_2510, %swap3A_2511] : memref<256x1024xf32, #tpu.memory_space<vmem>>, vector<1x1024xf32>
      tpu.vector_store %arg12[%swap3A_2510, %swap3A_2511], %get3A_2509 {strides = array<i32>} : memref<256x1024xf32, #tpu.memory_space<vmem>>, vector<1x1024xf32>,
      %scan3A_2513 = arith.constant 249 : i32
      %get3A_2514 = arith.index_cast %arg0 : i32 to index
      %get3A_2515 = arith.index_cast %scan3A_2513 : i32 to index
      %get3A_2516 = memref.load %arg3[%get3A_2514, %get3A_2515] : memref<24x256xi32, #tpu.memory_space<smem>>
      %get3A_2517 = arith.index_cast %get3A_2516 : i32 to index
      %get3A_2518 = arith.constant 0 : index
      %get3A_2519 = vector.load %arg5[%get3A_2517, %get3A_2518] : memref<2048x1024xf32, #tpu.memory_space<vmem>>, vector<1x1024xf32>
      %swap3A_2520 = arith.index_cast %scan3A_2513 : i32 to index
      %swap3A_2521 = arith.constant 0 : index
      %swap3A_2522 = vector.load %arg12[%swap3A_2520, %swap3A_2521] : memref<256x1024xf32, #tpu.memory_space<vmem>>, vector<1x1024xf32>
      tpu.vector_store %arg12[%swap3A_2520, %swap3A_2521], %get3A_2519 {strides = array<i32>} : memref<256x1024xf32, #tpu.memory_space<vmem>>, vector<1x1024xf32>,
      %scan3A_2523 = arith.constant 250 : i32
      %get3A_2524 = arith.index_cast %arg0 : i32 to index
      %get3A_2525 = arith.index_cast %scan3A_2523 : i32 to index
      %get3A_2526 = memref.load %arg3[%get3A_2524, %get3A_2525] : memref<24x256xi32, #tpu.memory_space<smem>>
      %get3A_2527 = arith.index_cast %get3A_2526 : i32 to index
      %get3A_2528 = arith.constant 0 : index
      %get3A_2529 = vector.load %arg5[%get3A_2527, %get3A_2528] : memref<2048x1024xf32, #tpu.memory_space<vmem>>, vector<1x1024xf32>
      %swap3A_2530 = arith.index_cast %scan3A_2523 : i32 to index
      %swap3A_2531 = arith.constant 0 : index
      %swap3A_2532 = vector.load %arg12[%swap3A_2530, %swap3A_2531] : memref<256x1024xf32, #tpu.memory_space<vmem>>, vector<1x1024xf32>
      tpu.vector_store %arg12[%swap3A_2530, %swap3A_2531], %get3A_2529 {strides = array<i32>} : memref<256x1024xf32, #tpu.memory_space<vmem>>, vector<1x1024xf32>,
      %scan3A_2533 = arith.constant 251 : i32
      %get3A_2534 = arith.index_cast %arg0 : i32 to index
      %get3A_2535 = arith.index_cast %scan3A_2533 : i32 to index
      %get3A_2536 = memref.load %arg3[%get3A_2534, %get3A_2535] : memref<24x256xi32, #tpu.memory_space<smem>>
      %get3A_2537 = arith.index_cast %get3A_2536 : i32 to index
      %get3A_2538 = arith.constant 0 : index
      %get3A_2539 = vector.load %arg5[%get3A_2537, %get3A_2538] : memref<2048x1024xf32, #tpu.memory_space<vmem>>, vector<1x1024xf32>
      %swap3A_2540 = arith.index_cast %scan3A_2533 : i32 to index
      %swap3A_2541 = arith.constant 0 : index
      %swap3A_2542 = vector.load %arg12[%swap3A_2540, %swap3A_2541] : memref<256x1024xf32, #tpu.memory_space<vmem>>, vector<1x1024xf32>
      tpu.vector_store %arg12[%swap3A_2540, %swap3A_2541], %get3A_2539 {strides = array<i32>} : memref<256x1024xf32, #tpu.memory_space<vmem>>, vector<1x1024xf32>,
      %scan3A_2543 = arith.constant 252 : i32
      %get3A_2544 = arith.index_cast %arg0 : i32 to index
      %get3A_2545 = arith.index_cast %scan3A_2543 : i32 to index
      %get3A_2546 = memref.load %arg3[%get3A_2544, %get3A_2545] : memref<24x256xi32, #tpu.memory_space<smem>>
      %get3A_2547 = arith.index_cast %get3A_2546 : i32 to index
      %get3A_2548 = arith.constant 0 : index
      %get3A_2549 = vector.load %arg5[%get3A_2547, %get3A_2548] : memref<2048x1024xf32, #tpu.memory_space<vmem>>, vector<1x1024xf32>
      %swap3A_2550 = arith.index_cast %scan3A_2543 : i32 to index
      %swap3A_2551 = arith.constant 0 : index
      %swap3A_2552 = vector.load %arg12[%swap3A_2550, %swap3A_2551] : memref<256x1024xf32, #tpu.memory_space<vmem>>, vector<1x1024xf32>
      tpu.vector_store %arg12[%swap3A_2550, %swap3A_2551], %get3A_2549 {strides = array<i32>} : memref<256x1024xf32, #tpu.memory_space<vmem>>, vector<1x1024xf32>,
      %scan3A_2553 = arith.constant 253 : i32
      %get3A_2554 = arith.index_cast %arg0 : i32 to index
      %get3A_2555 = arith.index_cast %scan3A_2553 : i32 to index
      %get3A_2556 = memref.load %arg3[%get3A_2554, %get3A_2555] : memref<24x256xi32, #tpu.memory_space<smem>>
      %get3A_2557 = arith.index_cast %get3A_2556 : i32 to index
      %get3A_2558 = arith.constant 0 : index
      %get3A_2559 = vector.load %arg5[%get3A_2557, %get3A_2558] : memref<2048x1024xf32, #tpu.memory_space<vmem>>, vector<1x1024xf32>
      %swap3A_2560 = arith.index_cast %scan3A_2553 : i32 to index
      %swap3A_2561 = arith.constant 0 : index
      %swap3A_2562 = vector.load %arg12[%swap3A_2560, %swap3A_2561] : memref<256x1024xf32, #tpu.memory_space<vmem>>, vector<1x1024xf32>
      tpu.vector_store %arg12[%swap3A_2560, %swap3A_2561], %get3A_2559 {strides = array<i32>} : memref<256x1024xf32, #tpu.memory_space<vmem>>, vector<1x1024xf32>,
      %scan3A_2563 = arith.constant 254 : i32
      %get3A_2564 = arith.index_cast %arg0 : i32 to index
      %get3A_2565 = arith.index_cast %scan3A_2563 : i32 to index
      %get3A_2566 = memref.load %arg3[%get3A_2564, %get3A_2565] : memref<24x256xi32, #tpu.memory_space<smem>>
      %get3A_2567 = arith.index_cast %get3A_2566 : i32 to index
      %get3A_2568 = arith.constant 0 : index
      %get3A_2569 = vector.load %arg5[%get3A_2567, %get3A_2568] : memref<2048x1024xf32, #tpu.memory_space<vmem>>, vector<1x1024xf32>
      %swap3A_2570 = arith.index_cast %scan3A_2563 : i32 to index
      %swap3A_2571 = arith.constant 0 : index
      %swap3A_2572 = vector.load %arg12[%swap3A_2570, %swap3A_2571] : memref<256x1024xf32, #tpu.memory_space<vmem>>, vector<1x1024xf32>
      tpu.vector_store %arg12[%swap3A_2570, %swap3A_2571], %get3A_2569 {strides = array<i32>} : memref<256x1024xf32, #tpu.memory_space<vmem>>, vector<1x1024xf32>,
      %scan3A_2573 = arith.constant 255 : i32
      %get3A_2574 = arith.index_cast %arg0 : i32 to index
      %get3A_2575 = arith.index_cast %scan3A_2573 : i32 to index
      %get3A_2576 = memref.load %arg3[%get3A_2574, %get3A_2575] : memref<24x256xi32, #tpu.memory_space<smem>>
      %get3A_2577 = arith.index_cast %get3A_2576 : i32 to index
      %get3A_2578 = arith.constant 0 : index
      %get3A_2579 = vector.load %arg5[%get3A_2577, %get3A_2578] : memref<2048x1024xf32, #tpu.memory_space<vmem>>, vector<1x1024xf32>
      %swap3A_2580 = arith.index_cast %scan3A_2573 : i32 to index
      %swap3A_2581 = arith.constant 0 : index
      %swap3A_2582 = vector.load %arg12[%swap3A_2580, %swap3A_2581] : memref<256x1024xf32, #tpu.memory_space<vmem>>, vector<1x1024xf32>
      tpu.vector_store %arg12[%swap3A_2580, %swap3A_2581], %get3A_2579 {strides = array<i32>} : memref<256x1024xf32, #tpu.memory_space<vmem>>, vector<1x1024xf32>,
      %scan3A_2583 = arith.constant 256 : i32
    } else {
    }
    %gt3A_12 = arith.constant 0 : i32
    %gt3A_13 = arith.cmpi sgt, %get3A_0, %gt3A_12 : i32
    %convert_element_type3A_14 = arith.extui %gt3A_13 : i1 to i32
    %cond3A_15 = arith.constant 0 : i32
    %cond3A_16 = arith.cmpi ne, %convert_element_type3A_14, %cond3A_15 : i32
    scf.if %cond3A_16 {
      %get3A_25 = arith.constant 0 : index
      %get3A_26 = arith.constant 0 : index
      %get3A_27 = vector.load %arg12[%get3A_25, %get3A_26] : memref<256x1024xf32, #tpu.memory_space<vmem>>, vector<256x1024xf32>
      %get3A_28 = arith.constant 0 : index
      %get3A_29 = arith.constant 0 : index
      %get3A_30 = arith.constant 0 : index
      %get3A_31 = vector.load %arg6[%get3A_28, %get3A_29, %get3A_30] : memref<1x1024x1024xf32, #tpu.memory_space<vmem>>, vector<1x1024x1024xf32>
      %get3A_32 = vector.shape_cast %get3A_31 : vector<1x1024x1024xf32> to vector<1024x1024xf32>
      %dot_general3A = arith.constant dense<0.000000e+00> : vector<256x1024xf32>
      %dot_general3A_33 = tpu.matmul %get3A_27, %get3A_32, %dot_general3A {dimension_numbers = #tpu.dot_dimension_numbers<[1], [1], [0], [0], [0, 0, 1, 0], [], []>, transpose_lhs_hint = false} : vector<256x1024xf32>, vector<1024x1024xf32>, vector<256x1024xf32> -> vector<256x1024xf32>
      %get3A_34 = arith.constant 0 : index
      %get3A_35 = arith.constant 0 : index
      %get3A_36 = arith.constant 0 : index
      %get3A_37 = vector.load %arg7[%get3A_34, %get3A_35, %get3A_36] : memref<1x1x1024xf32, #tpu.memory_space<vmem>>, vector<1x1x1024xf32>
      %get3A_38 = vector.shape_cast %get3A_37 : vector<1x1x1024xf32> to vector<1x1024xf32>
      %add3A = vector.broadcast %get3A_38 : vector<1x1024xf32> to vector<256x1024xf32>
      %add3A_39 = arith.addf %dot_general3A_33, %add3A : vector<256x1024xf32>
      %integer_pow3A = arith.mulf %add3A_39, %add3A_39 : vector<256x1024xf32>
      %integer_pow3A_40 = arith.mulf %add3A_39, %integer_pow3A : vector<256x1024xf32>
      %mul3A = arith.constant 4.471500e-02 : f32
      %mul3A_41 = vector.broadcast %mul3A : f32 to vector<256x1024xf32>
      %mul3A_42 = arith.mulf %mul3A_41, %integer_pow3A_40 : vector<256x1024xf32>
      %add3A_43 = arith.addf %add3A_39, %mul3A_42 : vector<256x1024xf32>
      %mul3A_44 = arith.constant 0.797884583 : f32
      %mul3A_45 = vector.broadcast %mul3A_44 : f32 to vector<256x1024xf32>
      %mul3A_46 = arith.mulf %mul3A_45, %add3A_43 : vector<256x1024xf32>
      %tanh3A = math.tanh %mul3A_46 : vector<256x1024xf32>
      %add3A_47 = arith.constant 1.000000e+00 : f32
      %add3A_48 = vector.broadcast %add3A_47 : f32 to vector<256x1024xf32>
      %add3A_49 = arith.addf %add3A_48, %tanh3A : vector<256x1024xf32>
      %mul3A_50 = arith.constant 5.000000e-01 : f32
      %mul3A_51 = vector.broadcast %mul3A_50 : f32 to vector<256x1024xf32>
      %mul3A_52 = arith.mulf %mul3A_51, %add3A_49 : vector<256x1024xf32>
      %mul3A_53 = arith.mulf %add3A_39, %mul3A_52 : vector<256x1024xf32>
      %get3A_54 = arith.constant 0 : index
      %get3A_55 = arith.constant 0 : index
      %get3A_56 = arith.constant 0 : index
      %get3A_57 = vector.load %arg8[%get3A_54, %get3A_55, %get3A_56] : memref<1x1024x1024xf32, #tpu.memory_space<vmem>>, vector<1x1024x1024xf32>
      %get3A_58 = vector.shape_cast %get3A_57 : vector<1x1024x1024xf32> to vector<1024x1024xf32>
      %dot_general3A_59 = arith.constant dense<0.000000e+00> : vector<256x1024xf32>
      %dot_general3A_60 = tpu.matmul %mul3A_53, %get3A_58, %dot_general3A_59 {dimension_numbers = #tpu.dot_dimension_numbers<[1], [1], [0], [0], [0, 0, 1, 0], [], []>, transpose_lhs_hint = false} : vector<256x1024xf32>, vector<1024x1024xf32>, vector<256x1024xf32> -> vector<256x1024xf32>
      %eq3A_61 = arith.constant 0 : i32
      %eq3A_62 = arith.cmpi eq, %arg1, %eq3A_61 : i32
      %convert_element_type3A_63 = arith.extui %eq3A_62 : i1 to i32
      %cond3A_64 = arith.constant 0 : i32
      %cond3A_65 = arith.cmpi ne, %convert_element_type3A_63, %cond3A_64 : i32
      scf.if %cond3A_65 {
        %get3A_71 = arith.constant 0 : index
        %get3A_72 = arith.constant 0 : index
        %get3A_73 = arith.constant 0 : index
        %get3A_74 = vector.load %arg9[%get3A_71, %get3A_72, %get3A_73] : memref<1x1x1024xf32, #tpu.memory_space<vmem>>, vector<1x1x1024xf32>
        %get3A_75 = vector.shape_cast %get3A_74 : vector<1x1x1024xf32> to vector<1x1024xf32>
        %add3A_76 = vector.broadcast %get3A_75 : vector<1x1024xf32> to vector<256x1024xf32>
        %add3A_77 = arith.addf %dot_general3A_60, %add3A_76 : vector<256x1024xf32>
        %swap3A = arith.constant 0 : index
        %swap3A_78 = arith.constant 0 : index
        %swap3A_79 = vector.load %arg13[%swap3A, %swap3A_78] : memref<256x1024xf32, #tpu.memory_space<vmem>>, vector<256x1024xf32>
        tpu.vector_store %arg13[%swap3A, %swap3A_78], %add3A_77 {strides = array<i32>} : memref<256x1024xf32, #tpu.memory_space<vmem>>, vector<256x1024xf32>,
      } else {
      }
      %gt3A_66 = arith.constant 0 : i32
      %gt3A_67 = arith.cmpi sgt, %arg1, %gt3A_66 : i32
      %convert_element_type3A_68 = arith.extui %gt3A_67 : i1 to i32
      %cond3A_69 = arith.constant 0 : i32
      %cond3A_70 = arith.cmpi ne, %convert_element_type3A_68, %cond3A_69 : i32
      scf.if %cond3A_70 {
        %get3A_71 = arith.constant 0 : index
        %get3A_72 = arith.constant 0 : index
        %get3A_73 = vector.load %arg13[%get3A_71, %get3A_72] : memref<256x1024xf32, #tpu.memory_space<vmem>>, vector<256x1024xf32>
        %add3A_74 = arith.addf %get3A_73, %dot_general3A_60 : vector<256x1024xf32>
        %swap3A = arith.constant 0 : index
        %swap3A_75 = arith.constant 0 : index
        %swap3A_76 = vector.load %arg13[%swap3A, %swap3A_75] : memref<256x1024xf32, #tpu.memory_space<vmem>>, vector<256x1024xf32>
        tpu.vector_store %arg13[%swap3A, %swap3A_75], %add3A_74 {strides = array<i32>} : memref<256x1024xf32, #tpu.memory_space<vmem>>, vector<256x1024xf32>,
      } else {
      }
    } else {
    }
    %gt3A_17 = arith.constant 0 : i32
    %gt3A_18 = arith.cmpi sgt, %get3A_0, %gt3A_17 : i32
    %eq3A_19 = arith.constant 3 : i32
    %eq3A_20 = arith.cmpi eq, %arg1, %eq3A_19 : i32
    %and3A_21 = arith.andi %gt3A_18, %eq3A_20 : i1
    %convert_element_type3A_22 = arith.extui %and3A_21 : i1 to i32
    %cond3A_23 = arith.constant 0 : i32
    %cond3A_24 = arith.cmpi ne, %convert_element_type3A_22, %cond3A_23 : i32
    scf.if %cond3A_24 {
      %get3A_25 = arith.constant 0 : index
      %get3A_26 = arith.constant 0 : index
      %get3A_27 = arith.constant 0 : index
      %get3A_28 = vector.load %arg10[%get3A_25, %get3A_26, %get3A_27] : memref<1x1x256xf32, #tpu.memory_space<vmem>>, vector<1x1x256xf32>
      %get3A_29 = vector.shape_cast %get3A_28 : vector<1x1x256xf32> to vector<1x256xf32>
      %get3A_30 = arith.constant 0 : index
      %get3A_31 = arith.constant 0 : index
      %get3A_32 = vector.load %arg13[%get3A_30, %get3A_31] : memref<256x1024xf32, #tpu.memory_space<vmem>>, vector<256x1024xf32>
      %reshape3A = vector.shape_cast %get3A_29 : vector<1x256xf32> to vector<256x1xf32>
      %mul3A = vector.broadcast %reshape3A : vector<256x1xf32> to vector<256x1024xf32>
      %mul3A_33 = arith.mulf %get3A_32, %mul3A : vector<256x1024xf32>
      %swap3A = arith.constant 0 : index
      %swap3A_34 = arith.constant 0 : index
      %swap3A_35 = vector.load %arg13[%swap3A, %swap3A_34] : memref<256x1024xf32, #tpu.memory_space<vmem>>, vector<256x1024xf32>
      tpu.vector_store %arg13[%swap3A, %swap3A_34], %mul3A_33 {strides = array<i32>} : memref<256x1024xf32, #tpu.memory_space<vmem>>, vector<256x1024xf32>,
      %while3A = arith.constant 0 : i32
      %while3A_36 = arith.constant 0 : i32
      %while3A_37 = arith.subi %get3A_0, %while3A : i32
      %while3A_38 = arith.addi %while3A, %while3A_37 : i32
      %while3A_39 = arith.constant 1 : i32
      %while3A_40 = arith.divsi %while3A_37, %while3A_39 : i32
      %while3A_41 = arith.muli %while3A_40, %while3A_39 : i32
      %while3A_42 = arith.addi %while3A, %while3A_41 : i32
      %while3A_43 = arith.constant 1 : i32
      %while3A_44 = scf.for %while3A_47 = %while3A to %while3A_42 step %while3A_43 iter_args(%while3A_48 = %while3A_36) -> (i32)  : i32 {
        %get3A_49 = arith.index_cast %arg0 : i32 to index
        %get3A_50 = arith.index_cast %while3A_47 : i32 to index
        %get3A_51 = memref.load %arg3[%get3A_49, %get3A_50] : memref<24x256xi32, #tpu.memory_space<smem>>
        %get3A_52 = arith.index_cast %get3A_51 : i32 to index
        %get3A_53 = arith.constant 0 : index
        %get3A_54 = vector.load %arg11[%get3A_52, %get3A_53] : memref<2048x1024xf32, #tpu.memory_space<vmem>>, vector<1x1024xf32>
        %get3A_55 = arith.index_cast %while3A_47 : i32 to index
        %get3A_56 = arith.constant 0 : index
        %get3A_57 = vector.load %arg13[%get3A_55, %get3A_56] : memref<256x1024xf32, #tpu.memory_space<vmem>>, vector<1x1024xf32>
        %add3A = arith.addf %get3A_54, %get3A_57 : vector<1x1024xf32>
        %swap3A_58 = arith.index_cast %get3A_51 : i32 to index
        %swap3A_59 = arith.constant 0 : index
        %swap3A_60 = vector.load %arg11[%swap3A_58, %swap3A_59] : memref<2048x1024xf32, #tpu.memory_space<vmem>>, vector<1x1024xf32>
        tpu.vector_store %arg11[%swap3A_58, %swap3A_59], %add3A {strides = array<i32>} : memref<2048x1024xf32, #tpu.memory_space<vmem>>, vector<1x1024xf32>,
        %while3A_61 = arith.constant 0 : i32
        scf.yield %while3A_61 : i32
      }
      %while3A_45 = arith.constant 1 : i32
      %while3A_46 = scf.for %while3A_47 = %while3A_42 to %while3A_38 step %while3A_45 iter_args(%while3A_48 = %while3A_44) -> (i32)  : i32 {
        %get3A_49 = arith.index_cast %arg0 : i32 to index
        %get3A_50 = arith.index_cast %while3A_47 : i32 to index
        %get3A_51 = memref.load %arg3[%get3A_49, %get3A_50] : memref<24x256xi32, #tpu.memory_space<smem>>
        %get3A_52 = arith.index_cast %get3A_51 : i32 to index
        %get3A_53 = arith.constant 0 : index
        %get3A_54 = vector.load %arg11[%get3A_52, %get3A_53] : memref<2048x1024xf32, #tpu.memory_space<vmem>>, vector<1x1024xf32>
        %get3A_55 = arith.index_cast %while3A_47 : i32 to index
        %get3A_56 = arith.constant 0 : index
        %get3A_57 = vector.load %arg13[%get3A_55, %get3A_56] : memref<256x1024xf32, #tpu.memory_space<vmem>>, vector<1x1024xf32>
        %add3A = arith.addf %get3A_54, %get3A_57 : vector<1x1024xf32>
        %swap3A_58 = arith.index_cast %get3A_51 : i32 to index
        %swap3A_59 = arith.constant 0 : index
        %swap3A_60 = vector.load %arg11[%swap3A_58, %swap3A_59] : memref<2048x1024xf32, #tpu.memory_space<vmem>>, vector<1x1024xf32>
        tpu.vector_store %arg11[%swap3A_58, %swap3A_59], %add3A {strides = array<i32>} : memref<2048x1024xf32, #tpu.memory_space<vmem>>, vector<1x1024xf32>,
        %while3A_61 = arith.constant 0 : i32
        scf.yield %while3A_61 : i32
      }
    } else {
    }
    return
  }
  func.func @transform_0(%arg0: i32, %arg1: i32, %arg2: memref<24xi32, #tpu.memory_space<smem>>, %arg3: memref<24x256xi32, #tpu.memory_space<smem>>, %arg4: memref<24xi32, #tpu.memory_space<smem>>) -> (i32, i32) {
    %c0_i32 = arith.constant 0 : i32
    %c0_i32_0 = arith.constant 0 : i32
    %c0_i32_1 = arith.constant 0 : i32
    return %c0_i32, %c0_i32_0 : i32, i32
  }
  func.func @transform_1(%arg0: i32, %arg1: i32, %arg2: memref<24xi32, #tpu.memory_space<smem>>, %arg3: memref<24x256xi32, #tpu.memory_space<smem>>, %arg4: memref<24xi32, #tpu.memory_space<smem>>) -> (i32, i32, i32) {
    %get3A = arith.index_cast %arg0 : i32 to index
    %get3A_0 = memref.load %arg4[%get3A] : memref<24xi32, #tpu.memory_space<smem>>
    %c0_i32 = arith.constant 0 : i32
    %c0_i32_1 = arith.constant 0 : i32
    return %get3A_0, %arg1, %c0_i32 : i32, i32, i32
  }
  func.func @transform_2(%arg0: i32, %arg1: i32, %arg2: memref<24xi32, #tpu.memory_space<smem>>, %arg3: memref<24x256xi32, #tpu.memory_space<smem>>, %arg4: memref<24xi32, #tpu.memory_space<smem>>) -> (i32, i32, i32) {
    %get3A = arith.index_cast %arg0 : i32 to index
    %get3A_0 = memref.load %arg4[%get3A] : memref<24xi32, #tpu.memory_space<smem>>
    %c0_i32 = arith.constant 0 : i32
    %c0_i32_1 = arith.constant 0 : i32
    return %get3A_0, %c0_i32, %arg1 : i32, i32, i32
  }
  func.func @transform_3(%arg0: i32, %arg1: i32, %arg2: memref<24xi32, #tpu.memory_space<smem>>, %arg3: memref<24x256xi32, #tpu.memory_space<smem>>, %arg4: memref<24xi32, #tpu.memory_space<smem>>) -> (i32, i32, i32) {
    %get3A = arith.index_cast %arg0 : i32 to index
    %get3A_0 = memref.load %arg4[%get3A] : memref<24xi32, #tpu.memory_space<smem>>
    %c0_i32 = arith.constant 0 : i32
    %c0_i32_1 = arith.constant 0 : i32
    return %get3A_0, %c0_i32, %arg1 : i32, i32, i32
  }
  func.func @transform_4(%arg0: i32, %arg1: i32, %arg2: memref<24xi32, #tpu.memory_space<smem>>, %arg3: memref<24x256xi32, #tpu.memory_space<smem>>, %arg4: memref<24xi32, #tpu.memory_space<smem>>) -> (i32, i32, i32) {
    %get3A = arith.index_cast %arg0 : i32 to index
    %get3A_0 = memref.load %arg4[%get3A] : memref<24xi32, #tpu.memory_space<smem>>
    %c0_i32 = arith.constant 0 : i32
    %c0_i32_1 = arith.constant 0 : i32
    %c0_i32_2 = arith.constant 0 : i32
    return %get3A_0, %c0_i32, %c0_i32_1 : i32, i32, i32
  }
  func.func @transform_5(%arg0: i32, %arg1: i32, %arg2: memref<24xi32, #tpu.memory_space<smem>>, %arg3: memref<24x256xi32, #tpu.memory_space<smem>>, %arg4: memref<24xi32, #tpu.memory_space<smem>>) -> (i32, i32, i32) {
    %c0_i32 = arith.constant 0 : i32
    %c0_i32_0 = arith.constant 0 : i32
    %c0_i32_1 = arith.constant 0 : i32
    return %arg0, %c0_i32, %c0_i32_0 : i32, i32, i32
  }
  func.func @transform_6(%arg0: i32, %arg1: i32, %arg2: memref<24xi32, #tpu.memory_space<smem>>, %arg3: memref<24x256xi32, #tpu.memory_space<smem>>, %arg4: memref<24xi32, #tpu.memory_space<smem>>) -> (i32, i32) {
    %c0_i32 = arith.constant 0 : i32
    %c0_i32_0 = arith.constant 0 : i32
    %c0_i32_1 = arith.constant 0 : i32
    return %c0_i32, %c0_i32_0 : i32, i32
  }
}

</mosaic_0001>

<sc_bundles>
// kernel: gather_offload_async_start.1
scs
__scs_entry_jumppad:
0x0: {  	(pc) =	sbr.rel $0x88, $3  }
0x1: {  	(tag) =	ssettag $0x0;
	lr =	simm.s32 $0x1  }
0x2: {  	[smem:$0x3F9A] =	sst lr;
	_ =	strace $0xD0000000  }
0x3: {  	_ = 	snop  }
0x4: {  	_ = 	snop  }
0x5: {  	_ = 	snop  }
0x6: {  	_ = 	snop  }
0x7: {  	_ = 	snop  }
__scs_overlays_trampoline_lowered:
0x8: {  	[smem:$0x3FA9] =	sst s0  }
0x9: {  	[smem:$0x3FAA] =	sst s1  }
0xa: {  	[smem:$0x3FAB] =	sst s2  }
0xb: {  	[smem:$0x3FAC] =	sst s3  }
0xc: {  	[smem:$0x3FAD] =	sst s4  }
0xd: {  	[smem:$0x3FAE] =	sst s5  }
0xe: {  	[smem:$0x3FAF] =	sst s6  }
0xf: {  	[smem:$0x3FB0] =	sst s7  }
0x10: {  	[smem:$0x3FB1] =	sst s8  }
0x11: {  	[smem:$0x3FB2] =	sst s9;
	s0 =	simm.s32 @!p0 $0x0  }
0x12: {  	s1 =	sld [smem:$0x3F98];
	s0 =	simm.s32 @p0 $0x1  }
0x13: {  	[smem:$0x3FB3] =	sst s0;
	s0 =	simm.s32 @!p1 $0x0  }
0x14: {  	s2 =	sld [smem:$0x3F97];
	s0 =	simm.s32 @p1 $0x1  }
0x15: {  	[smem:$0x3FB4] =	sst s0;
	s0 =	simm.s32 @!p2 $0x0  }
0x16: {  	s3 =	sld [smem:$0x3FDB];
	s0 =	simm.s32 @p2 $0x1  }
0x17: {  	s4 =	simm.s32 $0x1BF5;
	[smem:$0x3FB6] =	sst s0  }
0x18: {  	s0 =	sld [smem:$0x3F99];
	_ =	swait.ge [sflag:s4], $0x0  }
0x19: {  	s7 =	sld [smem:$0x3F9A]  }
0x1a: {  	s8 =	sadd.s32 $0xFFFFE003, lr  }
0x1b: {  	s9 =	sadd.s32 $0xFFFFFEF7, lr;
	s5 =	simm.s32 $0xFFFFFFFF;
	p2 =	slt.u32 s8, $0xFFFFF086  }
0x1c: {  	p1 =	slt.u32 s9, $0xF7A;
	s5 =	simm.s32 @!p2 $0x0  }
0x1d: {  	s5 =	simm.s32 @p1 $0x1;
	p0 =	seq.s32 s7, s2  }
0x1e: {  	s7 =	smul.u32 @!p0 $0xF7A, s2;
	p2 =	seq.s32 @!p0 s5, $0x0  }
0x1f: {  	s9 =	smul.u32 $0xF7A, s1;
	s8 =	simm.s32 @!p0 $0x1BF5;
	p2 =	por !p2, p0  }
0x20: {  	[sflag:s8] =	ssyncset.s32 @!p0 $0xFFFFF086;
	s6 =	sadd.s32 @!p0 s3, s7;
	s7 =	simm.s32 @!p0 $0x108  }
0x21: {  	s3 =	sadd.s32 s3, s9;
	s6 =	sadd.s32 @!p0 $0x88, s6;
	s7 =	simm.s32 @p2 $0x1082  }
0x22: {  	[simem:s7], [sflag:s8] =	dma.local @!p0 [hbm:s6], $0xF7A  }
0x23: {  	s9 =	sor.u32 $0xD0000000, s2;
	s6 =	simm.s32 $0x108;
	_ =	swait.ge @!p0 [sflag:s8], $0x0  }
0x24: {  	s3 =	sadd.s32 $0x88, s3;
	s6 =	simm.s32 @!p1 $0x1082;
	[sflag:s4] =	ssyncset.s32 $0xFFFFF086  }
0x25: {  	[simem:s6], [sflag:s4] =	dma.local [hbm:s3], $0xF7A  }
0x26: {  	[smem:$0x3F9A] =	sst s1;
	(tag) =	ssettag s2;
	_ =	strace s9  }
0x27: {  	s1 =	sld [smem:$0x3FAA]  }
0x28: {  	s2 =	sld [smem:$0x3FAB]  }
0x29: {  	s4 =	sld [smem:$0x3FAD]  }
0x2a: {  	p0 =	seq.s32 s5, $0x0;
	s5 =	sld [smem:$0x3FAE]  }
0x2b: {  	s6 =	sld [smem:$0x3FAF]  }
0x2c: {  	s7 =	sld [smem:$0x3FB0]  }
0x2d: {  	s3 =	simm.s32 $0x108;
	s8 =	sld [smem:$0x3FB1]  }
0x2e: {  	s3 =	simm.s32 @!p0 $0x1082;
	s9 =	sld [smem:$0x3FB2]  }
0x2f: {  	lr =	sadd.s32 s0, s3;
	s0 =	sld [smem:$0x3FA9]  }
0x30: {  	s3 =	sld [smem:$0x3FAC]  }
0x31: {  	[smem:$0x3FB5] =	sst s10  }
0x32: {  	s10 =	sld [smem:$0x3FB3];
	_ =	sdelay $0x3  }
0x33: {  	p0 =	seq.s32 s10, $0x1;
	s10 =	sld [smem:$0x3FB5];
	_ =	sdelay $0x3  }
0x34: {  	[smem:$0x3FB5] =	sst s10  }
0x35: {  	s10 =	sld [smem:$0x3FB4];
	_ =	sdelay $0x3  }
0x36: {  	p1 =	seq.s32 s10, $0x1;
	s10 =	sld [smem:$0x3FB5];
	_ =	sdelay $0x3  }
0x37: {  	[smem:$0x3FB5] =	sst s10  }
0x38: {  	s10 =	sld [smem:$0x3FB6]  }
0x39: {  	_ = 	snop;
	(pc) =	sbr.ind lr, $3  }
0x3a: {  	_ = 	snop  }
0x3b: {  	_ = 	snop  }
0x3c: {  	p2 =	seq.s32 s10, $0x1;
	s10 =	sld [smem:$0x3FB5]  }
0x3d: {  	_ =	shalt  }
0x3e: {  	_ =	shalt  }
0x3f: {  	_ =	shalt  }
0x40: {  	_ =	shalt  }
0x41: {  	_ =	shalt  }
0x42: {  	_ =	shalt  }
0x43: {  	_ =	shalt  }
0x44: {  	_ =	shalt  }
0x45: {  	_ =	shalt  }
0x46: {  	_ =	shalt  }
0x47: {  	_ =	shalt  }
0x48: {  	_ =	shalt  }
0x49: {  	_ =	shalt  }
0x4a: {  	_ =	shalt  }
0x4b: {  	_ =	shalt  }
0x4c: {  	_ =	shalt  }
0x4d: {  	_ =	shalt  }
0x4e: {  	_ =	shalt  }
0x4f: {  	_ =	shalt  }
0x50: {  	_ =	shalt  }
0x51: {  	_ =	shalt  }
0x52: {  	_ =	shalt  }
0x53: {  	_ =	shalt  }
0x54: {  	_ =	shalt  }
0x55: {  	_ =	shalt  }
0x56: {  	_ =	shalt  }
0x57: {  	_ =	shalt  }
0x58: {  	_ =	shalt  }
0x59: {  	_ =	shalt  }
0x5a: {  	_ =	shalt  }
0x5b: {  	_ =	shalt  }
0x5c: {  	_ =	shalt  }
0x5d: {  	_ =	shalt  }
0x5e: {  	_ =	shalt  }
0x5f: {  	_ =	shalt  }
0x60: {  	_ =	shalt  }
0x61: {  	_ =	shalt  }
0x62: {  	_ =	shalt  }
0x63: {  	_ =	shalt  }
0x64: {  	_ =	shalt  }
0x65: {  	_ =	shalt  }
0x66: {  	_ =	shalt  }
0x67: {  	_ =	shalt  }
0x68: {  	_ =	shalt  }
0x69: {  	_ =	shalt  }
0x6a: {  	_ =	shalt  }
0x6b: {  	_ =	shalt  }
0x6c: {  	_ =	shalt  }
0x6d: {  	_ =	shalt  }
0x6e: {  	_ =	shalt  }
0x6f: {  	_ =	shalt  }
0x70: {  	_ =	shalt  }
0x71: {  	_ =	shalt  }
0x72: {  	_ =	shalt  }
0x73: {  	_ =	shalt  }
0x74: {  	_ =	shalt  }
0x75: {  	_ =	shalt  }
0x76: {  	_ =	shalt  }
0x77: {  	_ =	shalt  }
0x78: {  	_ =	shalt  }
0x79: {  	_ =	shalt  }
0x7a: {  	_ =	shalt  }
0x7b: {  	_ =	shalt  }
0x7c: {  	_ =	shalt  }
0x7d: {  	_ =	shalt  }
0x7e: {  	_ =	shalt  }
0x7f: {  	_ =	shalt  }
0x80: {  	_ =	shalt  }
0x81: {  	_ =	shalt  }
0x82: {  	_ =	shalt  }
0x83: {  	_ =	shalt  }
0x84: {  	_ =	shalt  }
0x85: {  	_ =	shalt  }
0x86: {  	_ =	shalt  }
0x87: {  	_ =	shalt  }
.Lfunc_end0:
.L_simem_size_0:
called_computation.1_lowered:
.L_overlay_start_0:
0x88: {  	s2 =	sld [smem:$0x3FD9]  }
0x89: {  	s3 =	sld [smem:$0x3FFE];
	_ =	sdelay $0x1  }
0x8a: {  	s1 =	srdreg.scid  }
0x8b: {  	s0 =	sand.u32 $0x1, s1  }
0x8c: {  	s15 =	sshll.u32 s0, $0xA;
	s2 =	sadd.s32 s3, s2  }
0x8d: {  	s2 =	sadd.s32 s2, s15  }
0x8e: {  	[smem:$0x3FC1] =	sst s2  }
0x8f: {  	_ = 	snop  }
0x90: {  	s2 =	sld [smem:$0x3FD0];
	_ =	sdelay $0x2  }
0x91: {  	s16 =	simm.s32 $0xB;
	s4 =	simm.s32 $0x10  }
0x92: {  	[smem:s4], [sflag:s16] =	dma.local [hbm:s2], $0x1  }
0x93: {  	_ =	swait.eq [sflag:s16], $0x1  }
0x94: {  	[sflag:s16] =	ssyncset.done $0x0  }
0x95: {  	[sflag:s16] =	ssyncadd.s32 $0xFFFFFFFF  }
0x96: {  	s17 =	sld [smem:$0x10];
	(tm) =	ssettm $0x1  }
0x97: {  	s18 =	sld [smem:$0x3FFB];
	_ =	sdelay $0x3  }
0x98: {  	_ =	strace s18  }
0x99: {  	s2 =	sld [smem:$0x3FFC];
	_ =	sdelay $0x3  }
0x9a: {  	_ =	strace s2  }
0x9b: {  	s2 =	sld [smem:$0x3FFD];
	_ =	sdelay $0x3  }
0x9c: {  	_ =	strace s2  }
0x9d: {  	_ =	strace $0x8FFFFFFF  }
0x9e: {  	s19 =	sld [smem:$0x3FDB];
	_ =	sdelay $0x1  }
0x9f: {  	s20 =	simm.s32 $_scs_section_size  }
0xa0: {  	s5 =	simm.s32 $_size__tile_overlayer_lowered;
	s6 =	simm.s32 $_tile_overlayer_lowered  }
0xa1: {  	s7 =	simm.s32 $0x1BFF;
	s21 =	sshll.u32 s6, $0x1;
	s4 =	sadd.s32 s20, s19  }
0xa2: {  	s22 =	simm.s32 $0x0;
	s5 =	sshll.u32 s5, $0x1;
	s6 =	sadd.s32 s21, s4  }
0xa3: {  	[timem:s22], [sflag:s7] =	dma.local [hbm:s6], s5  }
0xa4: {  	_ =	swait.ge [sflag:s7], s5  }
0xa5: {  	s5 =	ssub.s32 $0x0, s5;
	[sflag:s7] =	ssyncset.done $0x0  }
0xa6: {  	[sflag:s7] =	ssyncadd.s32 s5;
	_ =	sdelay $0x1  }
0xa7: {  	s23 =	simm.s32 $0x1B8B  }
0xa8: {  	_ =	swait.ge [sflag:s23], $0x1  }
0xa9: {  	[sflag:s23] =	ssyncset.done $0x0  }
0xaa: {  	[sflag:s23] =	ssyncadd.s32 $0xFFFFFFFF  }
0xab: {  	s5 =	sld [smem:$0x0]  }
0xac: {  	s6 =	sand.u32 $0xFFFFFFFE, s1  }
0xad: {  	p0 =	sne.s32 s1, s6  }
0xae: {  	s6 =	sshll.u32 @p0 s6, $0xE  }
0xaf: {  	s6 =	sadd.s32 @p0 $0x11B8D, s6;
	s7 =	sshll.u32 @p0 s5, $0x11  }
0xb0: {  	s6 =	sor.u32 @p0 s7, s6  }
0xb1: {  	[sflag:s6] =	ssyncadd.remote.s32 @p0 $0x1;
	_ =	sdelay $0x1  }
0xb2: {  	s6 =	simm.s32 @p0 $0x1B8D  }
0xb3: {  	_ =	swait.eq @p0 [sflag:s6], $0x1  }
0xb4: {  	[sflag:s6] =	ssyncadd.s32 @p0 $0xFFFFFFFF  }
0xb5: {  	s7 =	sshll.u32 @!p0 s1, $0xE  }
0xb6: {  	s7 =	sor.u32 @!p0 $0x4000, s7;
	s6 =	simm.s32 @!p0 $0x1B8D  }
0xb7: {  	s5 =	sshll.u32 @!p0 s5, $0x11;
	s7 =	sadd.s32 @!p0 $0x11B8D, s7;
	_ =	swait.eq @!p0 [sflag:s6], $0x1  }
0xb8: {  	s5 =	sor.u32 @!p0 s5, s7;
	[sflag:s6] =	ssyncadd.s32 @!p0 $0xFFFFFFFF  }
0xb9: {  	s25 =	simm.s32 $0x1B8E;
	s24 =	sld [smem:$0x3FFE];
	[sflag:s5] =	ssyncadd.remote.s32 @!p0 $0x1  }
0xba: {  	s26 =	simm.s32 $execute0_lowered;
	[smem:$0x3FD2] =	sst s25  }
0xbb: {  	s6 =	sshll.u32 s26, $0x1;
	_ =	strace $0x8000004C;
	[dreg:$0x1] =	wrdreg $0xFFFFFFFF  }
0xbc: {  	s28 =	simm.s32 $_size_execute0_lowered;
	s4 =	sadd.s32 s4, s6;
	[dreg:$0x0] =	wrdreg $0x0  }
0xbd: {  	s6 =	sshll.u32 s28, $0x1;
	[dreg:$0x2] =	wrdreg s4  }
0xbe: {  	[dreg:$0x3] =	wrdreg s6  }
0xbf: {  	[dreg:$0x4] =	wrdreg $0xC0  }
0xc0: {  	_ =	task [dreg:s22], $0x5FFFF  }
0xc1: {  	[dreg:$0x1] =	wrdreg $0xFFFFFFFF  }
0xc2: {  	[dreg:$0x0] =	wrdreg $0x60  }
0xc3: {  	[dreg:$0x2] =	wrdreg s24  }
0xc4: {  	[dreg:$0x3] =	wrdreg s17  }
0xc5: {  	[dreg:$0x4] =	wrdreg $0x9  }
0xc6: {  	_ =	task.clear_ibuf [dreg:s22], $0x5FFFF;
	_ =	strace $0x9000004C  }
0xc7: {  	s29 =	simm.s32 $0x9;
	_ =	strace $0x8000004E  }
0xc8: {  	_ =	swait.ge [sflag:s29], $0x1  }
0xc9: {  	[sflag:s29] =	ssyncadd.s32 $0xFFFFFFFF  }
0xca: {  	_ =	strace $0x9000004E  }
0xcb: {  	_ =	sfence  }
0xcc: {  	s30 =	sld [smem:$0x0];
	_ =	sdelay $0x2  }
0xcd: {  	s31 =	sshll.u32 s1, $0xD;
	s1 =	sshrl.u32 s1, $0x2  }
0xce: {  	s4 =	sand.u32 $0x4000, s31;
	s1 =	sadd.s32 s1, s30  }
0xcf: {  	s0 =	sor.u32 s4, s0;
	s1 =	sshll.u32 s1, $0x11  }
0xd0: {  	s0 =	sor.u32 s1, s0  }
0xd1: {  	s0 =	sadd.s32 $0x8F2B, s0  }
0xd2: {  	[sflag:s0] =	ssyncadd.remote.s32 $0x1  }
0xd3: {  	_ =	sfence.sel $0xFFFF  }
0xd4: {  	[dreg:$0x0] =	wrdreg $0xFFFFFFFF;
	(pc) =	sbr.abs _section_cstart, $3  }
0xd5: {  	[dreg:$0x1] =	wrdreg $0xFFFFFFFF  }
0xd6: {  	_ =	task.clear_ibuf [dreg:s22], $0x2FFFF;
	_ =	strace $0x9FFFFFFF  }
0xd7: {  	(tm) =	ssettm $0x7FFFFFFF  }
tec
execute0_lowered:
.L_overlay_start_1:
0x0: {  	(tag) =	ssettag $0x1  }
0x1: {  	s1 =	srdreg.scid;
	s2 =	rddreg [dreg:$0x0]  }
0x2: {  	s0 =	stileid.u32;
	s3 =	rddreg [dreg:$0x1]  }
0x3: {  	s6 =	simm.s32 $0x1;
	s9 =	simm.s32 $0x1;
	s1 =	sshll.u32 s1, $0x7  }
0x4: {  	s10 =	simm.s32 $0x3;
	s4 =	sshll.u32 s0, $0x8;
	s5 =	sand.u32 $0x80, s1  }
0x5: {  	s13 =	simm.s32 $0x0;
	s12 =	simm.s32 $0x0;
	s4 =	sor.u32 s4, s5  }
0x6: {  	s1 =	rddreg [dreg:$0x2];
	_ =	strace $0x8000004D;
	s8 =	ssub.s32 $0x1800, s4  }
.Ltmp0:
0x7: {  	s5 =	sadd.s32 $0x800, s2;
	s7 =	sand.u32 $0xF80, s8;
	(pc) =	sbr.rel .LBB2_1-.Ltmp0, $4  }
0x8: {  	[sflag:s6] =	ssyncpa.u1 $0x0;
	s11 =	smov.u32 s4;
	p0 =	sne.s32 s7, $0x0  }
0x9: {  	s8 =	sshrl.u32 s8, $0xC;
	s7 =	simm.s32 $0x2;
	s9 =	simm.s32 @!p0 $0x0  }
0xa: {  	[sflag:s7] =	ssyncpa.u1 $0x0;
	p0 =	por $0x0, $0x0;
	s8 =	sadd.s32 s9, s8  }
0xb: {  	vm0 =	vmmov $0xffff;
	[sflag:s10] =	ssyncpa.u1 $0x0;
	s10 =	simm.s32 $0x0;
	s9 =	sadd.s32 $0x1, s8  }
.LBB2_4:
0xc: {  	v2 =	vnsel vm1, $0x0, v2  }
0xd: {  	vm1 =	vgt.s32 v0, $0x0;
	v2 =	vmin.u32 v2, $0xFFF  }
0xe: {  	v0 =	vnsel vm1, $0x0, v0  }
0xf: {  	v0 =	vmin.u32 v0, $0xFFF  }
0x10: {  	[tilespmem:s15], [sflag:$0x1] =	stream.indirect_vreg.gather [hbm4b:s2+s10], $0x1, v1, vm0, $0x4038;
	[tilespmem:$0x200] =	vst v63  }
0x11: {  	(ifvalue) =	ssetifvalue $0x7FFFFFFF  }
0x12: {  	[tilespmem:s16], [sflag:$0x1] =	stream.indirect_vreg.gather [hbm4b:s2+s10], $0x1, v2, vm0, $0x4038;
	[tilespmem:$0x200] =	vst v63  }
0x13: {  	s29 =	sadd.s32 $0x10, s16;
	(ifvalue) =	ssetifvalue $0x7FFFFFFF  }
0x14: {  	[tilespmem:s29], [sflag:$0x1] =	stream.indirect_vreg.gather [hbm4b:s2+s10], $0x1, v0, vm0, $0x4038;
	[tilespmem:$0x200] =	vst v63  }
0x15: {  	_ =	swait.ge [sflag:s6], $0x80  }
0x16: {  	s30 =	sshrl.u32 s13, $0x3;
	[sflag:s6] =	ssyncset.done $0x0  }
0x17: {  	s31 =	sand.u32 $0x7, s13;
	s15 =	sadd.s32 s5, s30;
	[sflag:s6] =	ssyncadd.s32 $0xFFFFFF80  }
0x18: {  	[hbm4b:s15+s31] =	stream.linear.scatter [tilespmem:s14], [sflag:$0x3], $0x80, $0x38;
	[tilespmem:$0x200] =	vst v63  }
.LBB2_5:
0x19: {  	s15 =	sadd.s32 $0x1000, s11  }
0x1a: {  	p2 =	sgt.s32 s15, $0x17FF  }
0x1b: {  	s15 =	smov.u32 @p2 s4;
	p2 =	sne.s32 s12, s9  }
.Ltmp1:
0x1c: {  	p1 =	slt.u32 s12, $0x2;
	(pc) =	sbr.rel @!p2 .LBB2_6-.Ltmp1, $4  }
0x1d: {  	s14 =	simm.s32 @!p1 $0x3  }
0x1e: {  	s16 =	sadd.s32 $0x1, s12;
	_ =	swait.ge @!p1 [sflag:s14], $0x80  }
0x1f: {  	s13 =	smov.u32 s11;
	p0 =	por !p0, !p0;
	[sflag:s14] =	ssyncset.done @!p1 $0x0  }
0x20: {  	s12 =	smov.u32 s16;
	s11 =	smov.u32 s15;
	[sflag:s14] =	ssyncadd.s32 @!p1 $0xFFFFFF80  }
.LBB2_1:
0x21: {  	p1 =	sge.u32 s12, s8  }
0x22: {  	s14 =	sxor.u32 @!p1 $0xFFFFFFFF, s12  }
0x23: {  	s31 =	sadd.s32 $0xFFFFFFFF, s12;
	s15 =	sshrl.u32 @!p1 s11, $0x3;
	s14 =	sshll.u32 @!p1 s14, $0x7  }
0x24: {  	s16 =	sand.u32 @!p1 $0x7, s11;
	s15 =	sadd.s32 @!p1 s3, s15;
	s14 =	sand.u32 @!p1 $0x80, s14  }
0x25: {  	[tilespmem:s14], [sflag:$0x2] =	stream.linear.gather @!p1 [hbm4b:s15+s16], $0x80, $0x38;
	[tilespmem:$0x200] =	vst v63  }
0x26: {  	p1 =	sge.u32 s31, s8  }
.Ltmp2:
0x27: {  	_ = 	snop;
	(pc) =	sbr.rel @p1 .LBB2_5-.Ltmp2, $1  }
0x28: {  	_ =	sdelay $0x3  }
0x29: {  	s14 =	simm.s32 $0x1  }
0x2a: {  	_ =	swait.ge [sflag:s7], $0x80;
	s14 =	simm.s32 @!p0 $0x0  }
0x2b: {  	[sflag:s7] =	ssyncset.done $0x0;
	s14 =	sshll.u32 s14, $0x7  }
0x2c: {  	[sflag:s7] =	ssyncadd.s32 $0xFFFFFF80;
	(ifvalue) =	ssetifvalue $0x7FFFFFFF;
	v0 =	vld.msk [tilespmem:s14+$0x0 ss:$0x1], $0xffff;
	_ =	sdelay $0x4  }
0x2d: {  	s15 =	sadd.s32 $0x10, s14;
	vm1 =	vgt.s32 v0, $0x0  }
0x2e: {  	v2 =	vld.msk [tilespmem:s15+$0x0 ss:$0x1], $0xffff;
	v1 =	vnsel vm1, $0x0, v0  }
0x2f: {  	v1 =	vmin.u32 v1, $0xFFF;
	_ =	sdelay $0x1  }
0x30: {  	s16 =	sshll.u32 s12, $0x7;
	s18 =	simm.s32 $0x20  }
0x31: {  	s16 =	sand.u32 $0x80, s16;
	s17 =	sadd.s32 $0x10, s15;
	s15 =	sor.u32 $0x100, s14  }
0x32: {  	s14 =	sor.u32 $0x100, s16;
	s16 =	sadd.s32 $0x10, s15;
	v0 =	vld.msk [tilespmem:s17+$0x0 ss:$0x1], $0xffff;
	vm1 =	vgt.s32 v2, $0x0;
	(ifvalue) =	ssetifvalue $0x7FFFFFFF  }
.LBB2_3:
0x33: {  	[tilespmem:s15], [sflag:$0x1] =	stream.indirect_vreg.gather [hbm4b:s2+s10], $0x1, v1, vm0, $0x4038;
	[tilespmem:$0x200] =	vst v63  }
0x34: {  	s18 =	sadd.s32 $0x10, s18  }
0x35: {  	v2 =	vnsel vm1, $0x0, v2;
	p1 =	slt.u32 s18, $0x70  }
.Ltmp3:
0x36: {  	s15 =	smov.u32 s16;
	v1 =	vmin.u32 v2, $0xFFF;
	(pc) =	sbr.rel @p1 .LBB2_3-.Ltmp3, $3  }
0x37: {  	_ =	sdelay $0x1  }
0x38: {  	s17 =	sadd.s32 $0x10, s17  }
0x39: {  	vm1 =	vgt.s32 v0, $0x0;
	s16 =	sadd.s32 $0x10, s16;
	v2 =	vmov v0;
	(ifvalue) =	ssetifvalue $0x7FFFFFFF;
	v0 =	vld.msk [tilespmem:s17+$0x0 ss:$0x1], $0xffff  }
.Ltmp4:
0x3a: {  	_ = 	snop;
	(pc) =	sbr.rel .LBB2_4-.Ltmp4, $1  }
0x3b: {  	_ =	sdelay $0x3  }
.LBB2_6:
0x3c: {  	_ =	sfence.sel $0x180000  }
0x3d: {  	s2 =	simm.s32 $0x2;
	[bflag:$0x0] =	sbarrier.arrive $0xFFFF  }
0x3e: {  	s30 =	simm.s32 $0x3;
	[sflag:s2] =	ssyncpa.u1 $0x1  }
0x3f: {  	s31 =	simm.s32 $0x1;
	[sflag:s30] =	ssyncpa.u1 $0x1  }
0x40: {  	[sflag:s31] =	ssyncpa.u1 $0x1  }
0x41: {  	p0 =	sne.s32 s0, $0x0;
	_ =	strace $0x9000004D  }
0x42: {  	s0 =	sadd.s32 @!p0 $0x100000, s1;
	[bflag:$0x2] =	sbarrier.arrive $0xFFFF  }
0x43: {  	[sflag:s0] =	ssyncadd.tile.s32 @!p0 $0x1;
	_ =	shalt  }
.Lfunc_end2:
_tile_overlayer_lowered:
.L_overlay_start_2:
0x44: {  	(tag) =	ssettag $0x2  }
0x45: {  	s0 =	rddreg [dreg:$0x0];
	s2 =	stileid.u32  }
0x46: {  	s1 =	rddreg [dreg:$0x1];
	p0 =	sne.s32 s2, $0x0  }
0x47: {  	s3 =	rddreg [dreg:$0x2];
	[bflag:$0x3] =	sbarrier.arrive $0xFFFF;
	s2 =	simm.s32 @!p0 $0x1C01  }
0x48: {  	[timem:s3], [sflag:s2] =	dma.local @!p0 [hbm:s0], s1  }
0x49: {  	s0 =	simm.s32 @!p0 $0x1  }
0x4a: {  	_ =	swait.ge @!p0 [sflag:s0], s1  }
0x4b: {  	s1 =	ssub.s32 @!p0 $0x0, s1;
	[sflag:s0] =	ssyncset.done @!p0 $0x0  }
0x4c: {  	[sflag:s0] =	ssyncadd.s32 @!p0 s1  }
0x4d: {  	[bflag:$0x3] =	sbarrier.arrive $0xFFFF  }
0x4e: {  	_ =	shalt  }

// kernel: gather_offload_async_start.2
scs
__scs_entry_jumppad:
0x0: {  	(pc) =	sbr.rel $0x88, $3  }
0x1: {  	(tag) =	ssettag $0x0;
	lr =	simm.s32 $0x1  }
0x2: {  	[smem:$0x3F9A] =	sst lr;
	_ =	strace $0xD0000000  }
0x3: {  	_ = 	snop  }
0x4: {  	_ = 	snop  }
0x5: {  	_ = 	snop  }
0x6: {  	_ = 	snop  }
0x7: {  	_ = 	snop  }
__scs_overlays_trampoline_lowered:
0x8: {  	[smem:$0x3FA9] =	sst s0  }
0x9: {  	[smem:$0x3FAA] =	sst s1  }
0xa: {  	[smem:$0x3FAB] =	sst s2  }
0xb: {  	[smem:$0x3FAC] =	sst s3  }
0xc: {  	[smem:$0x3FAD] =	sst s4  }
0xd: {  	[smem:$0x3FAE] =	sst s5  }
0xe: {  	[smem:$0x3FAF] =	sst s6  }
0xf: {  	[smem:$0x3FB0] =	sst s7  }
0x10: {  	[smem:$0x3FB1] =	sst s8  }
0x11: {  	[smem:$0x3FB2] =	sst s9;
	s0 =	simm.s32 @!p0 $0x0  }
0x12: {  	s1 =	sld [smem:$0x3F98];
	s0 =	simm.s32 @p0 $0x1  }
0x13: {  	[smem:$0x3FB3] =	sst s0;
	s0 =	simm.s32 @!p1 $0x0  }
0x14: {  	s2 =	sld [smem:$0x3F97];
	s0 =	simm.s32 @p1 $0x1  }
0x15: {  	[smem:$0x3FB4] =	sst s0;
	s0 =	simm.s32 @!p2 $0x0  }
0x16: {  	s3 =	sld [smem:$0x3FDB];
	s0 =	simm.s32 @p2 $0x1  }
0x17: {  	s4 =	simm.s32 $0x1BF5;
	[smem:$0x3FB6] =	sst s0  }
0x18: {  	s0 =	sld [smem:$0x3F99];
	_ =	swait.ge [sflag:s4], $0x0  }
0x19: {  	s7 =	sld [smem:$0x3F9A]  }
0x1a: {  	s8 =	sadd.s32 $0xFFFFE003, lr  }
0x1b: {  	s9 =	sadd.s32 $0xFFFFFEF7, lr;
	s5 =	simm.s32 $0xFFFFFFFF;
	p2 =	slt.u32 s8, $0xFFFFF086  }
0x1c: {  	p1 =	slt.u32 s9, $0xF7A;
	s5 =	simm.s32 @!p2 $0x0  }
0x1d: {  	s5 =	simm.s32 @p1 $0x1;
	p0 =	seq.s32 s7, s2  }
0x1e: {  	s7 =	smul.u32 @!p0 $0xF7A, s2;
	p2 =	seq.s32 @!p0 s5, $0x0  }
0x1f: {  	s9 =	smul.u32 $0xF7A, s1;
	s8 =	simm.s32 @!p0 $0x1BF5;
	p2 =	por !p2, p0  }
0x20: {  	[sflag:s8] =	ssyncset.s32 @!p0 $0xFFFFF086;
	s6 =	sadd.s32 @!p0 s3, s7;
	s7 =	simm.s32 @!p0 $0x108  }
0x21: {  	s3 =	sadd.s32 s3, s9;
	s6 =	sadd.s32 @!p0 $0x88, s6;
	s7 =	simm.s32 @p2 $0x1082  }
0x22: {  	[simem:s7], [sflag:s8] =	dma.local @!p0 [hbm:s6], $0xF7A  }
0x23: {  	s9 =	sor.u32 $0xD0000000, s2;
	s6 =	simm.s32 $0x108;
	_ =	swait.ge @!p0 [sflag:s8], $0x0  }
0x24: {  	s3 =	sadd.s32 $0x88, s3;
	s6 =	simm.s32 @!p1 $0x1082;
	[sflag:s4] =	ssyncset.s32 $0xFFFFF086  }
0x25: {  	[simem:s6], [sflag:s4] =	dma.local [hbm:s3], $0xF7A  }
0x26: {  	[smem:$0x3F9A] =	sst s1;
	(tag) =	ssettag s2;
	_ =	strace s9  }
0x27: {  	s1 =	sld [smem:$0x3FAA]  }
0x28: {  	s2 =	sld [smem:$0x3FAB]  }
0x29: {  	s4 =	sld [smem:$0x3FAD]  }
0x2a: {  	p0 =	seq.s32 s5, $0x0;
	s5 =	sld [smem:$0x3FAE]  }
0x2b: {  	s6 =	sld [smem:$0x3FAF]  }
0x2c: {  	s7 =	sld [smem:$0x3FB0]  }
0x2d: {  	s3 =	simm.s32 $0x108;
	s8 =	sld [smem:$0x3FB1]  }
0x2e: {  	s3 =	simm.s32 @!p0 $0x1082;
	s9 =	sld [smem:$0x3FB2]  }
0x2f: {  	lr =	sadd.s32 s0, s3;
	s0 =	sld [smem:$0x3FA9]  }
0x30: {  	s3 =	sld [smem:$0x3FAC]  }
0x31: {  	[smem:$0x3FB5] =	sst s10  }
0x32: {  	s10 =	sld [smem:$0x3FB3];
	_ =	sdelay $0x3  }
0x33: {  	p0 =	seq.s32 s10, $0x1;
	s10 =	sld [smem:$0x3FB5];
	_ =	sdelay $0x3  }
0x34: {  	[smem:$0x3FB5] =	sst s10  }
0x35: {  	s10 =	sld [smem:$0x3FB4];
	_ =	sdelay $0x3  }
0x36: {  	p1 =	seq.s32 s10, $0x1;
	s10 =	sld [smem:$0x3FB5];
	_ =	sdelay $0x3  }
0x37: {  	[smem:$0x3FB5] =	sst s10  }
0x38: {  	s10 =	sld [smem:$0x3FB6]  }
0x39: {  	_ = 	snop;
	(pc) =	sbr.ind lr, $3  }
0x3a: {  	_ = 	snop  }
0x3b: {  	_ = 	snop  }
0x3c: {  	p2 =	seq.s32 s10, $0x1;
	s10 =	sld [smem:$0x3FB5]  }
0x3d: {  	_ =	shalt  }
0x3e: {  	_ =	shalt  }
0x3f: {  	_ =	shalt  }
0x40: {  	_ =	shalt  }
0x41: {  	_ =	shalt  }
0x42: {  	_ =	shalt  }
0x43: {  	_ =	shalt  }
0x44: {  	_ =	shalt  }
0x45: {  	_ =	shalt  }
0x46: {  	_ =	shalt  }
0x47: {  	_ =	shalt  }
0x48: {  	_ =	shalt  }
0x49: {  	_ =	shalt  }
0x4a: {  	_ =	shalt  }
0x4b: {  	_ =	shalt  }
0x4c: {  	_ =	shalt  }
0x4d: {  	_ =	shalt  }
0x4e: {  	_ =	shalt  }
0x4f: {  	_ =	shalt  }
0x50: {  	_ =	shalt  }
0x51: {  	_ =	shalt  }
0x52: {  	_ =	shalt  }
0x53: {  	_ =	shalt  }
0x54: {  	_ =	shalt  }
0x55: {  	_ =	shalt  }
0x56: {  	_ =	shalt  }
0x57: {  	_ =	shalt  }
0x58: {  	_ =	shalt  }
0x59: {  	_ =	shalt  }
0x5a: {  	_ =	shalt  }
0x5b: {  	_ =	shalt  }
0x5c: {  	_ =	shalt  }
0x5d: {  	_ =	shalt  }
0x5e: {  	_ =	shalt  }
0x5f: {  	_ =	shalt  }
0x60: {  	_ =	shalt  }
0x61: {  	_ =	shalt  }
0x62: {  	_ =	shalt  }
0x63: {  	_ =	shalt  }
0x64: {  	_ =	shalt  }
0x65: {  	_ =	shalt  }
0x66: {  	_ =	shalt  }
0x67: {  	_ =	shalt  }
0x68: {  	_ =	shalt  }
0x69: {  	_ =	shalt  }
0x6a: {  	_ =	shalt  }
0x6b: {  	_ =	shalt  }
0x6c: {  	_ =	shalt  }
0x6d: {  	_ =	shalt  }
0x6e: {  	_ =	shalt  }
0x6f: {  	_ =	shalt  }
0x70: {  	_ =	shalt  }
0x71: {  	_ =	shalt  }
0x72: {  	_ =	shalt  }
0x73: {  	_ =	shalt  }
0x74: {  	_ =	shalt  }
0x75: {  	_ =	shalt  }
0x76: {  	_ =	shalt  }
0x77: {  	_ =	shalt  }
0x78: {  	_ =	shalt  }
0x79: {  	_ =	shalt  }
0x7a: {  	_ =	shalt  }
0x7b: {  	_ =	shalt  }
0x7c: {  	_ =	shalt  }
0x7d: {  	_ =	shalt  }
0x7e: {  	_ =	shalt  }
0x7f: {  	_ =	shalt  }
0x80: {  	_ =	shalt  }
0x81: {  	_ =	shalt  }
0x82: {  	_ =	shalt  }
0x83: {  	_ =	shalt  }
0x84: {  	_ =	shalt  }
0x85: {  	_ =	shalt  }
0x86: {  	_ =	shalt  }
0x87: {  	_ =	shalt  }
.Lfunc_end0:
.L_simem_size_0:
called_computation.2_lowered:
.L_overlay_start_0:
0x88: {  	s2 =	sld [smem:$0x3FD9]  }
0x89: {  	s3 =	sld [smem:$0x3FFE];
	_ =	sdelay $0x1  }
0x8a: {  	s1 =	srdreg.scid  }
0x8b: {  	s0 =	sand.u32 $0x1, s1  }
0x8c: {  	s14 =	sshll.u32 s0, $0xA;
	s2 =	sadd.s32 s3, s2  }
0x8d: {  	s2 =	sadd.s32 s2, s14  }
0x8e: {  	[smem:$0x3FC1] =	sst s2  }
0x8f: {  	_ = 	snop  }
0x90: {  	s2 =	sld [smem:$0x3FD0];
	_ =	sdelay $0x2  }
0x91: {  	s15 =	simm.s32 $0xB;
	s4 =	simm.s32 $0x10  }
0x92: {  	[smem:s4], [sflag:s15] =	dma.local [hbm:s2], $0x1  }
0x93: {  	_ =	swait.eq [sflag:s15], $0x1  }
0x94: {  	[sflag:s15] =	ssyncset.done $0x0  }
0x95: {  	[sflag:s15] =	ssyncadd.s32 $0xFFFFFFFF  }
0x96: {  	s16 =	sld [smem:$0x10];
	(tm) =	ssettm $0x1  }
0x97: {  	s17 =	sld [smem:$0x3FFB];
	_ =	sdelay $0x3  }
0x98: {  	_ =	strace s17  }
0x99: {  	s3 =	sld [smem:$0x3FFC];
	_ =	sdelay $0x3  }
0x9a: {  	_ =	strace s3  }
0x9b: {  	s3 =	sld [smem:$0x3FFD];
	_ =	sdelay $0x3  }
0x9c: {  	_ =	strace s3  }
0x9d: {  	_ =	strace $0x8FFFFFFF  }
0x9e: {  	s18 =	sld [smem:$0x3FDB];
	_ =	sdelay $0x1  }
0x9f: {  	s19 =	simm.s32 $_scs_section_size  }
0xa0: {  	s5 =	simm.s32 $_size__tile_overlayer_lowered;
	s6 =	simm.s32 $_tile_overlayer_lowered  }
0xa1: {  	s22 =	simm.s32 $0x1BFF;
	s21 =	sshll.u32 s6, $0x1;
	s3 =	sadd.s32 s19, s18  }
0xa2: {  	s7 =	simm.s32 $0x0;
	s20 =	sshll.u32 s5, $0x1;
	s5 =	sadd.s32 s21, s3  }
0xa3: {  	[timem:s7], [sflag:s22] =	dma.local [hbm:s5], s20  }
0xa4: {  	_ =	swait.ge [sflag:s22], s20  }
0xa5: {  	s4 =	ssub.s32 $0x0, s20;
	[sflag:s22] =	ssyncset.done $0x0  }
0xa6: {  	[sflag:s22] =	ssyncadd.s32 s4;
	_ =	sdelay $0x1  }
0xa7: {  	s23 =	simm.s32 $0x1B8B  }
0xa8: {  	_ =	swait.ge [sflag:s23], $0x1  }
0xa9: {  	[sflag:s23] =	ssyncset.done $0x0  }
0xaa: {  	s25 =	simm.s32 $0x1B8E;
	s24 =	sld [smem:$0x3FFE];
	[sflag:s23] =	ssyncadd.s32 $0xFFFFFFFF  }
0xab: {  	s26 =	simm.s32 $execute0_lowered;
	[smem:$0x3FD2] =	sst s25  }
0xac: {  	s5 =	sshll.u32 s26, $0x1;
	_ =	strace $0x80000049;
	[dreg:$0x1] =	wrdreg $0xFFFFFFFF  }
0xad: {  	s28 =	simm.s32 $_size_execute0_lowered;
	s3 =	sadd.s32 s3, s5;
	[dreg:$0x0] =	wrdreg $0x0  }
0xae: {  	s5 =	sshll.u32 s28, $0x1;
	[dreg:$0x2] =	wrdreg s3  }
0xaf: {  	[dreg:$0x3] =	wrdreg s5  }
0xb0: {  	[dreg:$0x4] =	wrdreg $0xC0  }
0xb1: {  	_ =	task [dreg:s7], $0x5FFFF  }
0xb2: {  	[dreg:$0x1] =	wrdreg $0xFFFFFFFF  }
0xb3: {  	[dreg:$0x0] =	wrdreg $0x60  }
0xb4: {  	[dreg:$0x2] =	wrdreg s24  }
0xb5: {  	[dreg:$0x3] =	wrdreg s16  }
0xb6: {  	[dreg:$0x4] =	wrdreg $0xA  }
0xb7: {  	_ =	task.clear_ibuf [dreg:s7], $0x5FFFF;
	_ =	strace $0x90000049  }
0xb8: {  	s29 =	simm.s32 $0xA;
	_ =	strace $0x8000004B  }
0xb9: {  	_ =	swait.ge [sflag:s29], $0x1  }
0xba: {  	[sflag:s29] =	ssyncadd.s32 $0xFFFFFFFF  }
0xbb: {  	_ =	strace $0x9000004B  }
0xbc: {  	_ =	sfence  }
0xbd: {  	s30 =	sld [smem:$0x0];
	_ =	sdelay $0x2  }
0xbe: {  	s31 =	sshll.u32 s1, $0xD;
	s1 =	sshrl.u32 s1, $0x2  }
0xbf: {  	s3 =	sand.u32 $0x4000, s31;
	s1 =	sadd.s32 s1, s30  }
0xc0: {  	s0 =	sor.u32 s3, s0;
	s1 =	sshll.u32 s1, $0x11  }
0xc1: {  	s0 =	sor.u32 s1, s0  }
0xc2: {  	s0 =	sadd.s32 $0x8F2B, s0  }
0xc3: {  	[sflag:s0] =	ssyncadd.remote.s32 $0x1  }
0xc4: {  	_ =	sfence.sel $0xFFFF  }
0xc5: {  	[dreg:$0x0] =	wrdreg $0xFFFFFFFF;
	(pc) =	sbr.abs _section_cstart, $3  }
0xc6: {  	[dreg:$0x1] =	wrdreg $0xFFFFFFFF  }
0xc7: {  	_ =	task.clear_ibuf [dreg:s7], $0x2FFFF;
	_ =	strace $0x9FFFFFFF  }
0xc8: {  	(tm) =	ssettm $0x7FFFFFFF  }
0xc9: {  	_ =	shalt  }
tec
execute0_lowered:
.L_overlay_start_1:
0x0: {  	(tag) =	ssettag $0x1  }
0x1: {  	s1 =	srdreg.scid;
	s5 =	rddreg [dreg:$0x0]  }
0x2: {  	s0 =	stileid.u32;
	s2 =	rddreg [dreg:$0x1];
	s6 =	simm.s32 $0x1  }
0x3: {  	s9 =	simm.s32 $0x1;
	s10 =	simm.s32 $0x3;
	s1 =	sshll.u32 s1, $0x7  }
0x4: {  	s13 =	simm.s32 $0x0;
	s3 =	sshll.u32 s0, $0x8;
	s4 =	sand.u32 $0x80, s1  }
0x5: {  	s12 =	simm.s32 $0x0;
	s1 =	rddreg [dreg:$0x2];
	s3 =	sor.u32 s3, s4  }
0x6: {  	_ =	strace $0x8000004A;
	s4 =	sadd.s32 $0x200, s5;
	s8 =	ssub.s32 $0x1800, s3  }
.Ltmp0:
0x7: {  	s5 =	sadd.s32 $0x400, s5;
	s7 =	sand.u32 $0xF80, s8;
	(pc) =	sbr.rel .LBB2_1-.Ltmp0, $4  }
0x8: {  	[sflag:s6] =	ssyncpa.u1 $0x0;
	s11 =	smov.u32 s3;
	p0 =	sne.s32 s7, $0x0  }
0x9: {  	s8 =	sshrl.u32 s8, $0xC;
	s7 =	simm.s32 $0x2;
	s9 =	simm.s32 @!p0 $0x0  }
0xa: {  	[sflag:s7] =	ssyncpa.u1 $0x0;
	p0 =	por $0x0, $0x0;
	s8 =	sadd.s32 s9, s8  }
0xb: {  	vm0 =	vmmov $0xffff;
	[sflag:s10] =	ssyncpa.u1 $0x0;
	s10 =	simm.s32 $0x0;
	s9 =	sadd.s32 $0x1, s8  }
.LBB2_4:
0xc: {  	v2 =	vnsel vm1, $0x0, v2  }
0xd: {  	vm1 =	vgt.s32 v0, $0x0;
	v2 =	vmin.u32 v2, $0xFFF  }
0xe: {  	v0 =	vnsel vm1, $0x0, v0  }
0xf: {  	v0 =	vmin.u32 v0, $0xFFF  }
0x10: {  	[tilespmem:s15], [sflag:$0x1] =	stream.indirect_vreg.gather [hbm4b:s4+s10], $0x1, v1, vm0, $0x4038;
	[tilespmem:$0x200] =	vst v63  }
0x11: {  	(ifvalue) =	ssetifvalue $0x7FFFFFFF  }
0x12: {  	[tilespmem:s16], [sflag:$0x1] =	stream.indirect_vreg.gather [hbm4b:s4+s10], $0x1, v2, vm0, $0x4038;
	[tilespmem:$0x200] =	vst v63  }
0x13: {  	s29 =	sadd.s32 $0x10, s16;
	(ifvalue) =	ssetifvalue $0x7FFFFFFF  }
0x14: {  	[tilespmem:s29], [sflag:$0x1] =	stream.indirect_vreg.gather [hbm4b:s4+s10], $0x1, v0, vm0, $0x4038;
	[tilespmem:$0x200] =	vst v63  }
0x15: {  	_ =	swait.ge [sflag:s6], $0x80  }
0x16: {  	s30 =	sshrl.u32 s13, $0x3;
	[sflag:s6] =	ssyncset.done $0x0  }
0x17: {  	s31 =	sand.u32 $0x7, s13;
	s15 =	sadd.s32 s5, s30;
	[sflag:s6] =	ssyncadd.s32 $0xFFFFFF80  }
0x18: {  	[hbm4b:s15+s31] =	stream.linear.scatter [tilespmem:s14], [sflag:$0x3], $0x80, $0x38;
	[tilespmem:$0x200] =	vst v63  }
.LBB2_5:
0x19: {  	s15 =	sadd.s32 $0x1000, s11  }
0x1a: {  	p2 =	sgt.s32 s15, $0x17FF  }
0x1b: {  	s15 =	smov.u32 @p2 s3;
	p2 =	sne.s32 s12, s9  }
.Ltmp1:
0x1c: {  	p1 =	slt.u32 s12, $0x2;
	(pc) =	sbr.rel @!p2 .LBB2_6-.Ltmp1, $4  }
0x1d: {  	s14 =	simm.s32 @!p1 $0x3  }
0x1e: {  	s16 =	sadd.s32 $0x1, s12;
	_ =	swait.ge @!p1 [sflag:s14], $0x80  }
0x1f: {  	s13 =	smov.u32 s11;
	p0 =	por !p0, !p0;
	[sflag:s14] =	ssyncset.done @!p1 $0x0  }
0x20: {  	s12 =	smov.u32 s16;
	s11 =	smov.u32 s15;
	[sflag:s14] =	ssyncadd.s32 @!p1 $0xFFFFFF80  }
.LBB2_1:
0x21: {  	p1 =	sge.u32 s12, s8  }
0x22: {  	s14 =	sxor.u32 @!p1 $0xFFFFFFFF, s12  }
0x23: {  	s31 =	sadd.s32 $0xFFFFFFFF, s12;
	s15 =	sshrl.u32 @!p1 s11, $0x3;
	s14 =	sshll.u32 @!p1 s14, $0x7  }
0x24: {  	s16 =	sand.u32 @!p1 $0x7, s11;
	s15 =	sadd.s32 @!p1 s2, s15;
	s14 =	sand.u32 @!p1 $0x80, s14  }
0x25: {  	[tilespmem:s14], [sflag:$0x2] =	stream.linear.gather @!p1 [hbm4b:s15+s16], $0x80, $0x38;
	[tilespmem:$0x200] =	vst v63  }
0x26: {  	p1 =	sge.u32 s31, s8  }
.Ltmp2:
0x27: {  	_ = 	snop;
	(pc) =	sbr.rel @p1 .LBB2_5-.Ltmp2, $1  }
0x28: {  	_ =	sdelay $0x3  }
0x29: {  	s14 =	simm.s32 $0x1  }
0x2a: {  	_ =	swait.ge [sflag:s7], $0x80;
	s14 =	simm.s32 @!p0 $0x0  }
0x2b: {  	[sflag:s7] =	ssyncset.done $0x0;
	s14 =	sshll.u32 s14, $0x7  }
0x2c: {  	[sflag:s7] =	ssyncadd.s32 $0xFFFFFF80;
	(ifvalue) =	ssetifvalue $0x7FFFFFFF;
	v0 =	vld.msk [tilespmem:s14+$0x0 ss:$0x1], $0xffff;
	_ =	sdelay $0x4  }
0x2d: {  	s15 =	sadd.s32 $0x10, s14;
	vm1 =	vgt.s32 v0, $0x0  }
0x2e: {  	v2 =	vld.msk [tilespmem:s15+$0x0 ss:$0x1], $0xffff;
	v1 =	vnsel vm1, $0x0, v0  }
0x2f: {  	v1 =	vmin.u32 v1, $0xFFF;
	_ =	sdelay $0x1  }
0x30: {  	s16 =	sshll.u32 s12, $0x7;
	s18 =	simm.s32 $0x20  }
0x31: {  	s16 =	sand.u32 $0x80, s16;
	s17 =	sadd.s32 $0x10, s15;
	s15 =	sor.u32 $0x100, s14  }
0x32: {  	s14 =	sor.u32 $0x100, s16;
	s16 =	sadd.s32 $0x10, s15;
	v0 =	vld.msk [tilespmem:s17+$0x0 ss:$0x1], $0xffff;
	vm1 =	vgt.s32 v2, $0x0;
	(ifvalue) =	ssetifvalue $0x7FFFFFFF  }
.LBB2_3:
0x33: {  	[tilespmem:s15], [sflag:$0x1] =	stream.indirect_vreg.gather [hbm4b:s4+s10], $0x1, v1, vm0, $0x4038;
	[tilespmem:$0x200] =	vst v63  }
0x34: {  	s18 =	sadd.s32 $0x10, s18  }
0x35: {  	v2 =	vnsel vm1, $0x0, v2;
	p1 =	slt.u32 s18, $0x70  }
.Ltmp3:
0x36: {  	s15 =	smov.u32 s16;
	v1 =	vmin.u32 v2, $0xFFF;
	(pc) =	sbr.rel @p1 .LBB2_3-.Ltmp3, $3  }
0x37: {  	_ =	sdelay $0x1  }
0x38: {  	s17 =	sadd.s32 $0x10, s17  }
0x39: {  	vm1 =	vgt.s32 v0, $0x0;
	s16 =	sadd.s32 $0x10, s16;
	v2 =	vmov v0;
	(ifvalue) =	ssetifvalue $0x7FFFFFFF;
	v0 =	vld.msk [tilespmem:s17+$0x0 ss:$0x1], $0xffff  }
.Ltmp4:
0x3a: {  	_ = 	snop;
	(pc) =	sbr.rel .LBB2_4-.Ltmp4, $1  }
0x3b: {  	_ =	sdelay $0x3  }
.LBB2_6:
0x3c: {  	_ =	sfence.sel $0x180000  }
0x3d: {  	s2 =	simm.s32 $0x2;
	[bflag:$0x0] =	sbarrier.arrive $0xFFFF  }
0x3e: {  	s30 =	simm.s32 $0x3;
	[sflag:s2] =	ssyncpa.u1 $0x1  }
0x3f: {  	s31 =	simm.s32 $0x1;
	[sflag:s30] =	ssyncpa.u1 $0x1  }
0x40: {  	[sflag:s31] =	ssyncpa.u1 $0x1  }
0x41: {  	p0 =	sne.s32 s0, $0x0;
	_ =	strace $0x9000004A  }
0x42: {  	s0 =	sadd.s32 @!p0 $0x100000, s1;
	[bflag:$0x2] =	sbarrier.arrive $0xFFFF  }
0x43: {  	[sflag:s0] =	ssyncadd.tile.s32 @!p0 $0x1;
	_ =	shalt  }
.Lfunc_end2:
_tile_overlayer_lowered:
.L_overlay_start_2:
0x44: {  	(tag) =	ssettag $0x2  }
0x45: {  	s0 =	rddreg [dreg:$0x0];
	s2 =	stileid.u32  }
0x46: {  	s1 =	rddreg [dreg:$0x1];
	p0 =	sne.s32 s2, $0x0  }
0x47: {  	s3 =	rddreg [dreg:$0x2];
	[bflag:$0x3] =	sbarrier.arrive $0xFFFF;
	s2 =	simm.s32 @!p0 $0x1C01  }
0x48: {  	[timem:s3], [sflag:s2] =	dma.local @!p0 [hbm:s0], s1  }
0x49: {  	s0 =	simm.s32 @!p0 $0x1  }
0x4a: {  	_ =	swait.ge @!p0 [sflag:s0], s1  }
0x4b: {  	s1 =	ssub.s32 @!p0 $0x0, s1;
	[sflag:s0] =	ssyncset.done @!p0 $0x0  }
0x4c: {  	[sflag:s0] =	ssyncadd.s32 @!p0 s1  }
0x4d: {  	[bflag:$0x3] =	sbarrier.arrive $0xFFFF  }
0x4e: {  	_ =	shalt  }

// kernel: gather_offload_async_start
scs
__scs_entry_jumppad:
0x0: {  	(pc) =	sbr.rel $0x88, $3  }
0x1: {  	(tag) =	ssettag $0x0;
	lr =	simm.s32 $0x1  }
0x2: {  	[smem:$0x3F9A] =	sst lr;
	_ =	strace $0xD0000000  }
0x3: {  	_ = 	snop  }
0x4: {  	_ = 	snop  }
0x5: {  	_ = 	snop  }
0x6: {  	_ = 	snop  }
0x7: {  	_ = 	snop  }
__scs_overlays_trampoline_lowered:
0x8: {  	[smem:$0x3FA9] =	sst s0  }
0x9: {  	[smem:$0x3FAA] =	sst s1  }
0xa: {  	[smem:$0x3FAB] =	sst s2  }
0xb: {  	[smem:$0x3FAC] =	sst s3  }
0xc: {  	[smem:$0x3FAD] =	sst s4  }
0xd: {  	[smem:$0x3FAE] =	sst s5  }
0xe: {  	[smem:$0x3FAF] =	sst s6  }
0xf: {  	[smem:$0x3FB0] =	sst s7  }
0x10: {  	[smem:$0x3FB1] =	sst s8  }
0x11: {  	[smem:$0x3FB2] =	sst s9;
	s0 =	simm.s32 @!p0 $0x0  }
0x12: {  	s1 =	sld [smem:$0x3F98];
	s0 =	simm.s32 @p0 $0x1  }
0x13: {  	[smem:$0x3FB3] =	sst s0;
	s0 =	simm.s32 @!p1 $0x0  }
0x14: {  	s2 =	sld [smem:$0x3F97];
	s0 =	simm.s32 @p1 $0x1  }
0x15: {  	[smem:$0x3FB4] =	sst s0;
	s0 =	simm.s32 @!p2 $0x0  }
0x16: {  	s3 =	sld [smem:$0x3FDB];
	s0 =	simm.s32 @p2 $0x1  }
0x17: {  	s4 =	simm.s32 $0x1BF5;
	[smem:$0x3FB6] =	sst s0  }
0x18: {  	s0 =	sld [smem:$0x3F99];
	_ =	swait.ge [sflag:s4], $0x0  }
0x19: {  	s7 =	sld [smem:$0x3F9A]  }
0x1a: {  	s8 =	sadd.s32 $0xFFFFE003, lr  }
0x1b: {  	s9 =	sadd.s32 $0xFFFFFEF7, lr;
	s5 =	simm.s32 $0xFFFFFFFF;
	p2 =	slt.u32 s8, $0xFFFFF086  }
0x1c: {  	p1 =	slt.u32 s9, $0xF7A;
	s5 =	simm.s32 @!p2 $0x0  }
0x1d: {  	s5 =	simm.s32 @p1 $0x1;
	p0 =	seq.s32 s7, s2  }
0x1e: {  	s7 =	smul.u32 @!p0 $0xF7A, s2;
	p2 =	seq.s32 @!p0 s5, $0x0  }
0x1f: {  	s9 =	smul.u32 $0xF7A, s1;
	s8 =	simm.s32 @!p0 $0x1BF5;
	p2 =	por !p2, p0  }
0x20: {  	[sflag:s8] =	ssyncset.s32 @!p0 $0xFFFFF086;
	s6 =	sadd.s32 @!p0 s3, s7;
	s7 =	simm.s32 @!p0 $0x108  }
0x21: {  	s3 =	sadd.s32 s3, s9;
	s6 =	sadd.s32 @!p0 $0x88, s6;
	s7 =	simm.s32 @p2 $0x1082  }
0x22: {  	[simem:s7], [sflag:s8] =	dma.local @!p0 [hbm:s6], $0xF7A  }
0x23: {  	s9 =	sor.u32 $0xD0000000, s2;
	s6 =	simm.s32 $0x108;
	_ =	swait.ge @!p0 [sflag:s8], $0x0  }
0x24: {  	s3 =	sadd.s32 $0x88, s3;
	s6 =	simm.s32 @!p1 $0x1082;
	[sflag:s4] =	ssyncset.s32 $0xFFFFF086  }
0x25: {  	[simem:s6], [sflag:s4] =	dma.local [hbm:s3], $0xF7A  }
0x26: {  	[smem:$0x3F9A] =	sst s1;
	(tag) =	ssettag s2;
	_ =	strace s9  }
0x27: {  	s1 =	sld [smem:$0x3FAA]  }
0x28: {  	s2 =	sld [smem:$0x3FAB]  }
0x29: {  	s4 =	sld [smem:$0x3FAD]  }
0x2a: {  	p0 =	seq.s32 s5, $0x0;
	s5 =	sld [smem:$0x3FAE]  }
0x2b: {  	s6 =	sld [smem:$0x3FAF]  }
0x2c: {  	s7 =	sld [smem:$0x3FB0]  }
0x2d: {  	s3 =	simm.s32 $0x108;
	s8 =	sld [smem:$0x3FB1]  }
0x2e: {  	s3 =	simm.s32 @!p0 $0x1082;
	s9 =	sld [smem:$0x3FB2]  }
0x2f: {  	lr =	sadd.s32 s0, s3;
	s0 =	sld [smem:$0x3FA9]  }
0x30: {  	s3 =	sld [smem:$0x3FAC]  }
0x31: {  	[smem:$0x3FB5] =	sst s10  }
0x32: {  	s10 =	sld [smem:$0x3FB3];
	_ =	sdelay $0x3  }
0x33: {  	p0 =	seq.s32 s10, $0x1;
	s10 =	sld [smem:$0x3FB5];
	_ =	sdelay $0x3  }
0x34: {  	[smem:$0x3FB5] =	sst s10  }
0x35: {  	s10 =	sld [smem:$0x3FB4];
	_ =	sdelay $0x3  }
0x36: {  	p1 =	seq.s32 s10, $0x1;
	s10 =	sld [smem:$0x3FB5];
	_ =	sdelay $0x3  }
0x37: {  	[smem:$0x3FB5] =	sst s10  }
0x38: {  	s10 =	sld [smem:$0x3FB6]  }
0x39: {  	_ = 	snop;
	(pc) =	sbr.ind lr, $3  }
0x3a: {  	_ = 	snop  }
0x3b: {  	_ = 	snop  }
0x3c: {  	p2 =	seq.s32 s10, $0x1;
	s10 =	sld [smem:$0x3FB5]  }
0x3d: {  	_ =	shalt  }
0x3e: {  	_ =	shalt  }
0x3f: {  	_ =	shalt  }
0x40: {  	_ =	shalt  }
0x41: {  	_ =	shalt  }
0x42: {  	_ =	shalt  }
0x43: {  	_ =	shalt  }
0x44: {  	_ =	shalt  }
0x45: {  	_ =	shalt  }
0x46: {  	_ =	shalt  }
0x47: {  	_ =	shalt  }
0x48: {  	_ =	shalt  }
0x49: {  	_ =	shalt  }
0x4a: {  	_ =	shalt  }
0x4b: {  	_ =	shalt  }
0x4c: {  	_ =	shalt  }
0x4d: {  	_ =	shalt  }
0x4e: {  	_ =	shalt  }
0x4f: {  	_ =	shalt  }
0x50: {  	_ =	shalt  }
0x51: {  	_ =	shalt  }
0x52: {  	_ =	shalt  }
0x53: {  	_ =	shalt  }
0x54: {  	_ =	shalt  }
0x55: {  	_ =	shalt  }
0x56: {  	_ =	shalt  }
0x57: {  	_ =	shalt  }
0x58: {  	_ =	shalt  }
0x59: {  	_ =	shalt  }
0x5a: {  	_ =	shalt  }
0x5b: {  	_ =	shalt  }
0x5c: {  	_ =	shalt  }
0x5d: {  	_ =	shalt  }
0x5e: {  	_ =	shalt  }
0x5f: {  	_ =	shalt  }
0x60: {  	_ =	shalt  }
0x61: {  	_ =	shalt  }
0x62: {  	_ =	shalt  }
0x63: {  	_ =	shalt  }
0x64: {  	_ =	shalt  }
0x65: {  	_ =	shalt  }
0x66: {  	_ =	shalt  }
0x67: {  	_ =	shalt  }
0x68: {  	_ =	shalt  }
0x69: {  	_ =	shalt  }
0x6a: {  	_ =	shalt  }
0x6b: {  	_ =	shalt  }
0x6c: {  	_ =	shalt  }
0x6d: {  	_ =	shalt  }
0x6e: {  	_ =	shalt  }
0x6f: {  	_ =	shalt  }
0x70: {  	_ =	shalt  }
0x71: {  	_ =	shalt  }
0x72: {  	_ =	shalt  }
0x73: {  	_ =	shalt  }
0x74: {  	_ =	shalt  }
0x75: {  	_ =	shalt  }
0x76: {  	_ =	shalt  }
0x77: {  	_ =	shalt  }
0x78: {  	_ =	shalt  }
0x79: {  	_ =	shalt  }
0x7a: {  	_ =	shalt  }
0x7b: {  	_ =	shalt  }
0x7c: {  	_ =	shalt  }
0x7d: {  	_ =	shalt  }
0x7e: {  	_ =	shalt  }
0x7f: {  	_ =	shalt  }
0x80: {  	_ =	shalt  }
0x81: {  	_ =	shalt  }
0x82: {  	_ =	shalt  }
0x83: {  	_ =	shalt  }
0x84: {  	_ =	shalt  }
0x85: {  	_ =	shalt  }
0x86: {  	_ =	shalt  }
0x87: {  	_ =	shalt  }
.Lfunc_end0:
.L_simem_size_0:
called_computation_lowered:
.L_overlay_start_0:
0x88: {  	s2 =	sld [smem:$0x3FD9]  }
0x89: {  	s3 =	sld [smem:$0x3FFE];
	_ =	sdelay $0x1  }
0x8a: {  	s1 =	srdreg.scid  }
0x8b: {  	s0 =	sand.u32 $0x1, s1  }
0x8c: {  	s14 =	sshll.u32 s0, $0xA;
	s2 =	sadd.s32 s3, s2  }
0x8d: {  	s2 =	sadd.s32 s2, s14  }
0x8e: {  	[smem:$0x3FC1] =	sst s2  }
0x8f: {  	_ = 	snop  }
0x90: {  	s2 =	sld [smem:$0x3FD0];
	_ =	sdelay $0x2  }
0x91: {  	s15 =	simm.s32 $0xB;
	s4 =	simm.s32 $0x10  }
0x92: {  	[smem:s4], [sflag:s15] =	dma.local [hbm:s2], $0x1  }
0x93: {  	_ =	swait.eq [sflag:s15], $0x1  }
0x94: {  	[sflag:s15] =	ssyncset.done $0x0  }
0x95: {  	[sflag:s15] =	ssyncadd.s32 $0xFFFFFFFF  }
0x96: {  	s16 =	sld [smem:$0x10];
	(tm) =	ssettm $0x1  }
0x97: {  	s17 =	sld [smem:$0x3FFB];
	_ =	sdelay $0x3  }
0x98: {  	_ =	strace s17  }
0x99: {  	s3 =	sld [smem:$0x3FFC];
	_ =	sdelay $0x3  }
0x9a: {  	_ =	strace s3  }
0x9b: {  	s3 =	sld [smem:$0x3FFD];
	_ =	sdelay $0x3  }
0x9c: {  	_ =	strace s3  }
0x9d: {  	_ =	strace $0x8FFFFFFF  }
0x9e: {  	s18 =	sld [smem:$0x3FDB];
	_ =	sdelay $0x1  }
0x9f: {  	s19 =	simm.s32 $_scs_section_size  }
0xa0: {  	s5 =	simm.s32 $_size__tile_overlayer_lowered;
	s6 =	simm.s32 $_tile_overlayer_lowered  }
0xa1: {  	s22 =	simm.s32 $0x1BFF;
	s21 =	sshll.u32 s6, $0x1;
	s3 =	sadd.s32 s19, s18  }
0xa2: {  	s7 =	simm.s32 $0x0;
	s20 =	sshll.u32 s5, $0x1;
	s5 =	sadd.s32 s21, s3  }
0xa3: {  	[timem:s7], [sflag:s22] =	dma.local [hbm:s5], s20  }
0xa4: {  	_ =	swait.ge [sflag:s22], s20  }
0xa5: {  	s4 =	ssub.s32 $0x0, s20;
	[sflag:s22] =	ssyncset.done $0x0  }
0xa6: {  	[sflag:s22] =	ssyncadd.s32 s4;
	_ =	sdelay $0x1  }
0xa7: {  	s23 =	simm.s32 $0x1B8B  }
0xa8: {  	_ =	swait.ge [sflag:s23], $0x1  }
0xa9: {  	[sflag:s23] =	ssyncset.done $0x0  }
0xaa: {  	s25 =	simm.s32 $0x1B8E;
	s24 =	sld [smem:$0x3FFE];
	[sflag:s23] =	ssyncadd.s32 $0xFFFFFFFF  }
0xab: {  	s26 =	simm.s32 $execute0_lowered;
	[smem:$0x3FD2] =	sst s25  }
0xac: {  	s5 =	sshll.u32 s26, $0x1;
	_ =	strace $0x80000046;
	[dreg:$0x1] =	wrdreg $0xFFFFFFFF  }
0xad: {  	s28 =	simm.s32 $_size_execute0_lowered;
	s3 =	sadd.s32 s3, s5;
	[dreg:$0x0] =	wrdreg $0x0  }
0xae: {  	s5 =	sshll.u32 s28, $0x1;
	[dreg:$0x2] =	wrdreg s3  }
0xaf: {  	[dreg:$0x3] =	wrdreg s5  }
0xb0: {  	[dreg:$0x4] =	wrdreg $0xC0  }
0xb1: {  	_ =	task [dreg:s7], $0x5FFFF  }
0xb2: {  	[dreg:$0x1] =	wrdreg $0xFFFFFFFF  }
0xb3: {  	[dreg:$0x0] =	wrdreg $0x60  }
0xb4: {  	[dreg:$0x2] =	wrdreg s24  }
0xb5: {  	[dreg:$0x3] =	wrdreg s16  }
0xb6: {  	[dreg:$0x4] =	wrdreg $0x9  }
0xb7: {  	_ =	task.clear_ibuf [dreg:s7], $0x5FFFF;
	_ =	strace $0x90000046  }
0xb8: {  	s29 =	simm.s32 $0x9;
	_ =	strace $0x80000048  }
0xb9: {  	_ =	swait.ge [sflag:s29], $0x1  }
0xba: {  	[sflag:s29] =	ssyncadd.s32 $0xFFFFFFFF  }
0xbb: {  	_ =	strace $0x90000048  }
0xbc: {  	_ =	sfence  }
0xbd: {  	s30 =	sld [smem:$0x0];
	_ =	sdelay $0x2  }
0xbe: {  	s31 =	sshll.u32 s1, $0xD;
	s1 =	sshrl.u32 s1, $0x2  }
0xbf: {  	s3 =	sand.u32 $0x4000, s31;
	s1 =	sadd.s32 s1, s30  }
0xc0: {  	s0 =	sor.u32 s3, s0;
	s1 =	sshll.u32 s1, $0x11  }
0xc1: {  	s0 =	sor.u32 s1, s0  }
0xc2: {  	s0 =	sadd.s32 $0x8F2B, s0  }
0xc3: {  	[sflag:s0] =	ssyncadd.remote.s32 $0x1  }
0xc4: {  	_ =	sfence.sel $0xFFFF  }
0xc5: {  	[dreg:$0x0] =	wrdreg $0xFFFFFFFF;
	(pc) =	sbr.abs _section_cstart, $3  }
0xc6: {  	[dreg:$0x1] =	wrdreg $0xFFFFFFFF  }
0xc7: {  	_ =	task.clear_ibuf [dreg:s7], $0x2FFFF;
	_ =	strace $0x9FFFFFFF  }
0xc8: {  	(tm) =	ssettm $0x7FFFFFFF  }
0xc9: {  	_ =	shalt  }
tec
execute0_lowered:
.L_overlay_start_1:
0x0: {  	(tag) =	ssettag $0x1  }
0x1: {  	s1 =	srdreg.scid;
	s5 =	rddreg [dreg:$0x0]  }
0x2: {  	s0 =	stileid.u32;
	s2 =	rddreg [dreg:$0x1];
	s6 =	simm.s32 $0x1  }
0x3: {  	s9 =	simm.s32 $0x1;
	s10 =	simm.s32 $0x3;
	s1 =	sshll.u32 s1, $0x7  }
0x4: {  	s13 =	simm.s32 $0x0;
	s3 =	sshll.u32 s0, $0x8;
	s4 =	sand.u32 $0x80, s1  }
0x5: {  	s12 =	simm.s32 $0x0;
	s1 =	rddreg [dreg:$0x2];
	s3 =	sor.u32 s3, s4  }
0x6: {  	_ =	strace $0x80000047;
	s4 =	sadd.s32 $0x400, s5;
	s8 =	ssub.s32 $0x1800, s3  }
.Ltmp0:
0x7: {  	s5 =	sadd.s32 $0x600, s5;
	s7 =	sand.u32 $0xF80, s8;
	(pc) =	sbr.rel .LBB2_1-.Ltmp0, $4  }
0x8: {  	[sflag:s6] =	ssyncpa.u1 $0x0;
	s11 =	smov.u32 s3;
	p0 =	sne.s32 s7, $0x0  }
0x9: {  	s8 =	sshrl.u32 s8, $0xC;
	s7 =	simm.s32 $0x2;
	s9 =	simm.s32 @!p0 $0x0  }
0xa: {  	[sflag:s7] =	ssyncpa.u1 $0x0;
	p0 =	por $0x0, $0x0;
	s8 =	sadd.s32 s9, s8  }
0xb: {  	vm0 =	vmmov $0xffff;
	[sflag:s10] =	ssyncpa.u1 $0x0;
	s10 =	simm.s32 $0x0;
	s9 =	sadd.s32 $0x1, s8  }
.LBB2_4:
0xc: {  	v2 =	vnsel vm1, $0x0, v2  }
0xd: {  	vm1 =	vgt.s32 v0, $0x0;
	v2 =	vmin.u32 v2, $0xFFF  }
0xe: {  	v0 =	vnsel vm1, $0x0, v0  }
0xf: {  	v0 =	vmin.u32 v0, $0xFFF  }
0x10: {  	[tilespmem:s15], [sflag:$0x1] =	stream.indirect_vreg.gather [hbm4b:s4+s10], $0x1, v1, vm0, $0x4038;
	[tilespmem:$0x200] =	vst v63  }
0x11: {  	(ifvalue) =	ssetifvalue $0x7FFFFFFF  }
0x12: {  	[tilespmem:s16], [sflag:$0x1] =	stream.indirect_vreg.gather [hbm4b:s4+s10], $0x1, v2, vm0, $0x4038;
	[tilespmem:$0x200] =	vst v63  }
0x13: {  	s29 =	sadd.s32 $0x10, s16;
	(ifvalue) =	ssetifvalue $0x7FFFFFFF  }
0x14: {  	[tilespmem:s29], [sflag:$0x1] =	stream.indirect_vreg.gather [hbm4b:s4+s10], $0x1, v0, vm0, $0x4038;
	[tilespmem:$0x200] =	vst v63  }
0x15: {  	_ =	swait.ge [sflag:s6], $0x80  }
0x16: {  	s30 =	sshrl.u32 s13, $0x3;
	[sflag:s6] =	ssyncset.done $0x0  }
0x17: {  	s31 =	sand.u32 $0x7, s13;
	s15 =	sadd.s32 s5, s30;
	[sflag:s6] =	ssyncadd.s32 $0xFFFFFF80  }
0x18: {  	[hbm4b:s15+s31] =	stream.linear.scatter [tilespmem:s14], [sflag:$0x3], $0x80, $0x38;
	[tilespmem:$0x200] =	vst v63  }
.LBB2_5:
0x19: {  	s15 =	sadd.s32 $0x1000, s11  }
0x1a: {  	p2 =	sgt.s32 s15, $0x17FF  }
0x1b: {  	s15 =	smov.u32 @p2 s3;
	p2 =	sne.s32 s12, s9  }
.Ltmp1:
0x1c: {  	p1 =	slt.u32 s12, $0x2;
	(pc) =	sbr.rel @!p2 .LBB2_6-.Ltmp1, $4  }
0x1d: {  	s14 =	simm.s32 @!p1 $0x3  }
0x1e: {  	s16 =	sadd.s32 $0x1, s12;
	_ =	swait.ge @!p1 [sflag:s14], $0x80  }
0x1f: {  	s13 =	smov.u32 s11;
	p0 =	por !p0, !p0;
	[sflag:s14] =	ssyncset.done @!p1 $0x0  }
0x20: {  	s12 =	smov.u32 s16;
	s11 =	smov.u32 s15;
	[sflag:s14] =	ssyncadd.s32 @!p1 $0xFFFFFF80  }
.LBB2_1:
0x21: {  	p1 =	sge.u32 s12, s8  }
0x22: {  	s14 =	sxor.u32 @!p1 $0xFFFFFFFF, s12  }
0x23: {  	s31 =	sadd.s32 $0xFFFFFFFF, s12;
	s15 =	sshrl.u32 @!p1 s11, $0x3;
	s14 =	sshll.u32 @!p1 s14, $0x7  }
0x24: {  	s16 =	sand.u32 @!p1 $0x7, s11;
	s15 =	sadd.s32 @!p1 s2, s15;
	s14 =	sand.u32 @!p1 $0x80, s14  }
0x25: {  	[tilespmem:s14], [sflag:$0x2] =	stream.linear.gather @!p1 [hbm4b:s15+s16], $0x80, $0x38;
	[tilespmem:$0x200] =	vst v63  }
0x26: {  	p1 =	sge.u32 s31, s8  }
.Ltmp2:
0x27: {  	_ = 	snop;
	(pc) =	sbr.rel @p1 .LBB2_5-.Ltmp2, $1  }
0x28: {  	_ =	sdelay $0x3  }
0x29: {  	s14 =	simm.s32 $0x1  }
0x2a: {  	_ =	swait.ge [sflag:s7], $0x80;
	s14 =	simm.s32 @!p0 $0x0  }
0x2b: {  	[sflag:s7] =	ssyncset.done $0x0;
	s14 =	sshll.u32 s14, $0x7  }
0x2c: {  	[sflag:s7] =	ssyncadd.s32 $0xFFFFFF80;
	(ifvalue) =	ssetifvalue $0x7FFFFFFF;
	v0 =	vld.msk [tilespmem:s14+$0x0 ss:$0x1], $0xffff;
	_ =	sdelay $0x4  }
0x2d: {  	s15 =	sadd.s32 $0x10, s14;
	vm1 =	vgt.s32 v0, $0x0  }
0x2e: {  	v2 =	vld.msk [tilespmem:s15+$0x0 ss:$0x1], $0xffff;
	v1 =	vnsel vm1, $0x0, v0  }
0x2f: {  	v1 =	vmin.u32 v1, $0xFFF;
	_ =	sdelay $0x1  }
0x30: {  	s16 =	sshll.u32 s12, $0x7;
	s18 =	simm.s32 $0x20  }
0x31: {  	s16 =	sand.u32 $0x80, s16;
	s17 =	sadd.s32 $0x10, s15;
	s15 =	sor.u32 $0x100, s14  }
0x32: {  	s14 =	sor.u32 $0x100, s16;
	s16 =	sadd.s32 $0x10, s15;
	v0 =	vld.msk [tilespmem:s17+$0x0 ss:$0x1], $0xffff;
	vm1 =	vgt.s32 v2, $0x0;
	(ifvalue) =	ssetifvalue $0x7FFFFFFF  }
.LBB2_3:
0x33: {  	[tilespmem:s15], [sflag:$0x1] =	stream.indirect_vreg.gather [hbm4b:s4+s10], $0x1, v1, vm0, $0x4038;
	[tilespmem:$0x200] =	vst v63  }
0x34: {  	s18 =	sadd.s32 $0x10, s18  }
0x35: {  	v2 =	vnsel vm1, $0x0, v2;
	p1 =	slt.u32 s18, $0x70  }
.Ltmp3:
0x36: {  	s15 =	smov.u32 s16;
	v1 =	vmin.u32 v2, $0xFFF;
	(pc) =	sbr.rel @p1 .LBB2_3-.Ltmp3, $3  }
0x37: {  	_ =	sdelay $0x1  }
0x38: {  	s17 =	sadd.s32 $0x10, s17  }
0x39: {  	vm1 =	vgt.s32 v0, $0x0;
	s16 =	sadd.s32 $0x10, s16;
	v2 =	vmov v0;
	(ifvalue) =	ssetifvalue $0x7FFFFFFF;
	v0 =	vld.msk [tilespmem:s17+$0x0 ss:$0x1], $0xffff  }
.Ltmp4:
0x3a: {  	_ = 	snop;
	(pc) =	sbr.rel .LBB2_4-.Ltmp4, $1  }
0x3b: {  	_ =	sdelay $0x3  }
.LBB2_6:
0x3c: {  	_ =	sfence.sel $0x180000  }
0x3d: {  	s2 =	simm.s32 $0x2;
	[bflag:$0x0] =	sbarrier.arrive $0xFFFF  }
0x3e: {  	s30 =	simm.s32 $0x3;
	[sflag:s2] =	ssyncpa.u1 $0x1  }
0x3f: {  	s31 =	simm.s32 $0x1;
	[sflag:s30] =	ssyncpa.u1 $0x1  }
0x40: {  	[sflag:s31] =	ssyncpa.u1 $0x1  }
0x41: {  	p0 =	sne.s32 s0, $0x0;
	_ =	strace $0x90000047  }
0x42: {  	s0 =	sadd.s32 @!p0 $0x100000, s1;
	[bflag:$0x2] =	sbarrier.arrive $0xFFFF  }
0x43: {  	[sflag:s0] =	ssyncadd.tile.s32 @!p0 $0x1;
	_ =	shalt  }
.Lfunc_end2:
_tile_overlayer_lowered:
.L_overlay_start_2:
0x44: {  	(tag) =	ssettag $0x2  }
0x45: {  	s0 =	rddreg [dreg:$0x0];
	s2 =	stileid.u32  }
0x46: {  	s1 =	rddreg [dreg:$0x1];
	p0 =	sne.s32 s2, $0x0  }
0x47: {  	s3 =	rddreg [dreg:$0x2];
	[bflag:$0x3] =	sbarrier.arrive $0xFFFF;
	s2 =	simm.s32 @!p0 $0x1C01  }
0x48: {  	[timem:s3], [sflag:s2] =	dma.local @!p0 [hbm:s0], s1  }
0x49: {  	s0 =	simm.s32 @!p0 $0x1  }
0x4a: {  	_ =	swait.ge @!p0 [sflag:s0], s1  }
0x4b: {  	s1 =	ssub.s32 @!p0 $0x0, s1;
	[sflag:s0] =	ssyncset.done @!p0 $0x0  }
0x4c: {  	[sflag:s0] =	ssyncadd.s32 @!p0 s1  }
0x4d: {  	[bflag:$0x3] =	sbarrier.arrive $0xFFFF  }
0x4e: {  	_ =	shalt  }

</sc_bundles>
